<compile_context>
chip_gen: v7x
topology: tpu7x:2x2x1
jax: 0.10.2.dev20260603
libtpu: 0.0.44.dev20260713+nightly
codegen_flags: <defaults>
</compile_context>

<pallas_src>
import jax
import jax.numpy as jnp
from jax import lax
from jax.experimental import pallas as pl
from jax.experimental.pallas import tpu as pltpu
from jax.experimental.pallas import tpu_sc as plsc

N = 10000
C = 128
E = 320000

NC = 2
NS = 16
CH = C // NC
ROWS_PER_TEC = N // NS
K = 128
NW = 162
E_PAD = NS * NW * K
ACC_ROWS = N + 8

MMBLK = 1000



def _mm_body(x_ref, w_ref, o_ref):
    o_ref[...] = jnp.dot(x_ref[...], w_ref[0],
                         preferred_element_type=jnp.float32)[None]


def _matmul_split(x, w_stacked):
    return pl.pallas_call(
        _mm_body,
        grid=(NC, N // MMBLK),
        in_specs=[pl.BlockSpec((MMBLK, C), lambda c, i: (i, 0)),
                  pl.BlockSpec((1, C, CH), lambda c, i: (c, 0, 0))],
        out_specs=pl.BlockSpec((1, MMBLK, CH), lambda c, i: (c, i, 0)),
        out_shape=jax.ShapeDtypeStruct((NC, N, CH), jnp.float32),
    )(x, w_stacked)


def _stats_body(h_ref, g_ref, b_ref, o_ref, acc_ref):
    i = pl.program_id(0)

    @pl.when(i == 0)
    def _():
        acc_ref[...] = jnp.zeros_like(acc_ref)

    blk = h_ref[...]
    acc_ref[0:1, :] += jnp.sum(blk, axis=0, keepdims=True)
    acc_ref[1:2, :] += jnp.sum(blk * blk, axis=0, keepdims=True)

    mean = acc_ref[0:1, :] / N
    var = acc_ref[1:2, :] / N - mean * mean
    mul = g_ref[...] * lax.rsqrt(var + 1e-5)
    add = b_ref[...] - mean * mul
    o_ref[...] = jnp.concatenate([mul, add], axis=0)


def _bn_stats(h, gamma, beta):
    return pl.pallas_call(
        _stats_body,
        grid=(N // MMBLK,),
        in_specs=[pl.BlockSpec((MMBLK, C), lambda i: (i, 0)),
                  pl.BlockSpec((1, C), lambda i: (0, 0)),
                  pl.BlockSpec((1, C), lambda i: (0, 0))],
        out_specs=pl.BlockSpec((2, C), lambda i: (0, 0)),
        out_shape=jax.ShapeDtypeStruct((2, C), jnp.float32),
        scratch_shapes=[pltpu.VMEM((2, C), jnp.float32)],
    )(h, gamma.reshape(1, C), beta.reshape(1, C))


def _affine_relu_mm_body(h_ref, s_ref, w_ref, o_ref):
    t = jnp.maximum(h_ref[...] * s_ref[0:1, :] + s_ref[1:2, :], 0.0)
    o_ref[...] = jnp.dot(t, w_ref[0], preferred_element_type=jnp.float32)[None]


def _affine_relu_matmul_split(h, stats, w_stacked):
    return pl.pallas_call(
        _affine_relu_mm_body,
        grid=(NC, N // MMBLK),
        in_specs=[pl.BlockSpec((MMBLK, C), lambda c, i: (i, 0)),
                  pl.BlockSpec((2, C), lambda c, i: (0, 0)),
                  pl.BlockSpec((1, C, CH), lambda c, i: (c, 0, 0))],
        out_specs=pl.BlockSpec((1, MMBLK, CH), lambda c, i: (c, i, 0)),
        out_shape=jax.ShapeDtypeStruct((NC, N, CH), jnp.float32),
    )(h, stats, w_stacked)


def _final_body(h_ref, s_ref, x_ref, o_ref):
    o_ref[...] = jnp.maximum(
        h_ref[...] * s_ref[0:1, :] + s_ref[1:2, :] + x_ref[...], 0.0)


def _affine_residual_relu(h, stats, x):
    return pl.pallas_call(
        _final_body,
        grid=(N // MMBLK,),
        in_specs=[pl.BlockSpec((MMBLK, C), lambda i: (i, 0)),
                  pl.BlockSpec((2, C), lambda i: (0, 0)),
                  pl.BlockSpec((MMBLK, C), lambda i: (i, 0))],
        out_specs=pl.BlockSpec((MMBLK, C), lambda i: (i, 0)),
        out_shape=jax.ShapeDtypeStruct((N, C), jnp.float32),
    )(h, stats, x)



def _conv_sc_body(z_hbm, src_hbm, dst_hbm, out_hbm,
                  accum, src_vm, dst_vm, bufs, semgs, semss):
    cid = lax.axis_index("c")
    sid = lax.axis_index("s")
    ch0 = cid * CH
    r0 = sid * ROWS_PER_TEC

    table = z_hbm.at[cid]

    pltpu.sync_copy(table.at[pl.ds(r0, ROWS_PER_TEC)],
                    accum.at[pl.ds(r0, ROWS_PER_TEC)])

    pltpu.sync_copy(src_hbm.at[sid], src_vm)
    pltpu.sync_copy(dst_hbm.at[sid], dst_vm)

    plsc.subcore_barrier()

    def gather(w, b):
        return pltpu.make_async_copy(table.at[src_vm.at[w]], bufs[b],
                                     semgs[b])

    def scatter(w, b):
        return pltpu.make_async_copy(bufs[b], accum.at[dst_vm.at[w]],
                                     semss[b])

    for w in (0, 1, 2):
        gather(w, w).start()
    for w in (0, 1, 2):
        gather(w, w).wait()
        scatter(w, w).start(add=True)
        gather(w + 3, w + 3).start()

    def sextet(i, _):
        for j in range(6):
            w = 3 + 6 * i + j
            b = (3 + j) % 6
            gather(w, b).wait()
            scatter(w, b).start(add=True)
            scatter(w, j).wait()
            gather(w + 3, j).start()
        return 0

    lax.fori_loop(0, (NW - 6) // 6, sextet, 0)
    for w in (NW - 3, NW - 2, NW - 1):
        gather(w, w % 6).wait()
        scatter(w, w % 6).start(add=True)
    for b in range(6):
        scatter(0, b).wait()

    plsc.subcore_barrier()

    pltpu.sync_copy(accum.at[pl.ds(r0, ROWS_PER_TEC)],
                    out_hbm.at[pl.ds(r0, ROWS_PER_TEC), pl.ds(ch0, CH)])


_CONV_SC_CACHE = []


def _conv_sc(z, src, dst):
    if not _CONV_SC_CACHE:
        _CONV_SC_CACHE.append(pl.kernel(
            _conv_sc_body,
            out_type=jax.ShapeDtypeStruct((N, C), jnp.float32),
            mesh=plsc.VectorSubcoreMesh(core_axis_name="c",
                                        subcore_axis_name="s"),
            scratch_types=[
                pltpu.VMEM_SHARED((ACC_ROWS, CH), jnp.float32),
                pltpu.VMEM((NW, K), jnp.int32),
                pltpu.VMEM((NW, K), jnp.int32),
                [pltpu.VMEM((K, CH), jnp.float32) for _ in range(6)],
                [pltpu.SemaphoreType.DMA for _ in range(6)],
                [pltpu.SemaphoreType.DMA for _ in range(6)],
            ],
            compiler_params=pltpu.CompilerParams(use_tc_tiling_on_sc=False),
        ))
    return _CONV_SC_CACHE[0](z, src, dst)



def kernel(x, edge_index, W1, gamma1, beta1, W2, gamma2, beta2):
    npad = E_PAD - E
    pad_i = jnp.arange(npad, dtype=jnp.int32)
    src = jnp.concatenate([edge_index[0], (pad_i * 131) % N]).reshape(
        NS, NW, K)
    dst = jnp.concatenate([edge_index[1], N + (pad_i % 8)]).reshape(NS, NW, K)

    w1s = jnp.stack([W1[:, :CH], W1[:, CH:]])
    w2s = jnp.stack([W2[:, :CH], W2[:, CH:]])

    z1 = _matmul_split(x, w1s)
    h = _conv_sc(z1, src, dst)
    stats1 = _bn_stats(h, gamma1, beta1)
    z2 = _affine_relu_matmul_split(h, stats1, w2s)
    h2 = _conv_sc(z2, src, dst)
    stats2 = _bn_stats(h2, gamma2, beta2)
    return _affine_residual_relu(h2, stats2, x)

# --- scband reference (transcript-rebuilt; emitter-appended) ---
"""Pipeline reference for scband-sparse-res-block-58935541236229 (READ-ONLY COPY).

The authoritative reference and input builder live on the scoring server;
editing this copy changes nothing except your own understanding.
"""

import jax, jax.numpy as jnp
import numpy as np

N, C, E = 10000, 128, 320000


def setup_inputs(seed: int = 0) -> dict:
    key = jax.random.key(seed)
    ks = jax.random.split(key, 8)
    x = jax.random.normal(ks[0], (N, C), dtype=jnp.float32)
    # voxel neighbor pairs from the precomputed submanifold conv rulebook
    edge_index = jax.random.randint(ks[1], (2, E), 0, N, dtype=jnp.int32)
    scale = 1.0 / np.sqrt(C)
    W1 = jax.random.normal(ks[2], (C, C), dtype=jnp.float32) * scale
    W2 = jax.random.normal(ks[3], (C, C), dtype=jnp.float32) * scale
    gamma1 = jnp.ones((C,), dtype=jnp.float32)
    beta1 = jnp.zeros((C,), dtype=jnp.float32)
    gamma2 = jnp.ones((C,), dtype=jnp.float32)
    beta2 = jnp.zeros((C,), dtype=jnp.float32)
    return {"x": x, "edge_index": edge_index, "W1": W1, "gamma1": gamma1,
            "beta1": beta1, "W2": W2, "gamma2": gamma2, "beta2": beta2}


def _bn(h, gamma, beta, eps=1e-5):
    m = jnp.mean(h, axis=0)
    v = jnp.var(h, axis=0)
    return gamma * (h - m) * jax.lax.rsqrt(v + eps) + beta


def _subm_conv(feat, src, dst, W, n):
    # submanifold sparse conv as gather -> scatter-add message passing
    # (linear map applied per node, center-offset self term + neighbor aggregation)
    z = feat @ W
    return z + jax.ops.segment_sum(z[src], dst, num_segments=n)


def reference(x, edge_index, W1, gamma1, beta1, W2, gamma2, beta2):
    src = edge_index[0]
    dst = edge_index[1]
    n = x.shape[0]
    # conv1 -> bn1 -> relu
    h = _subm_conv(x, src, dst, W1, n)
    h = jax.nn.relu(_bn(h, gamma1, beta1))
    # conv2 -> bn2
    h2 = _subm_conv(h, src, dst, W2, n)
    h2 = _bn(h2, gamma2, beta2)
    # residual (shortcut is identity since in_channels == out_channels, stride == 1)
    out = jax.nn.relu(h2 + x)
    return out

if __name__ == "__main__":
    import jax
    _d = setup_inputs()
    print(jax.jit(kernel)(*tuple(_d.values())))

</pallas_src>

<mosaic_0001>
#map = affine_map<(d0, d1) -> (0, 0, 0)>
#map1 = affine_map<(d0, d1) -> (0, 0)>
module attributes {stable_mosaic.version = 14 : i64} {
  func.func @_conv_sc_body(%arg0: i32, %arg1: i32, %arg2: memref<2x10000x64xf32, #tpu.memory_space<hbm>>, %arg3: memref<16x162x128xi32, #tpu.memory_space<hbm>>, %arg4: memref<16x162x128xi32, #tpu.memory_space<hbm>>, %arg5: memref<10000x128xf32, #tpu.memory_space<hbm>>, %arg6: memref<10008x64xf32, #tpu.memory_space<vmem_shared>>, %arg7: memref<162x128xi32, #tpu.memory_space<vmem>>, %arg8: memref<162x128xi32, #tpu.memory_space<vmem>>, %arg9: memref<128x64xf32, #tpu.memory_space<vmem>>, %arg10: memref<128x64xf32, #tpu.memory_space<vmem>>, %arg11: memref<128x64xf32, #tpu.memory_space<vmem>>, %arg12: memref<128x64xf32, #tpu.memory_space<vmem>>, %arg13: memref<128x64xf32, #tpu.memory_space<vmem>>, %arg14: memref<128x64xf32, #tpu.memory_space<vmem>>, %arg15: memref<!tpu.dma_semaphore, #tpu.memory_space<semaphore_mem>>, %arg16: memref<!tpu.dma_semaphore, #tpu.memory_space<semaphore_mem>>, %arg17: memref<!tpu.dma_semaphore, #tpu.memory_space<semaphore_mem>>, %arg18: memref<!tpu.dma_semaphore, #tpu.memory_space<semaphore_mem>>, %arg19: memref<!tpu.dma_semaphore, #tpu.memory_space<semaphore_mem>>, %arg20: memref<!tpu.dma_semaphore, #tpu.memory_space<semaphore_mem>>, %arg21: memref<!tpu.dma_semaphore, #tpu.memory_space<semaphore_mem>>, %arg22: memref<!tpu.dma_semaphore, #tpu.memory_space<semaphore_mem>>, %arg23: memref<!tpu.dma_semaphore, #tpu.memory_space<semaphore_mem>>, %arg24: memref<!tpu.dma_semaphore, #tpu.memory_space<semaphore_mem>>, %arg25: memref<!tpu.dma_semaphore, #tpu.memory_space<semaphore_mem>>, %arg26: memref<!tpu.dma_semaphore, #tpu.memory_space<semaphore_mem>>) attributes {dimension_semantics = [#tpu.dimension_semantics<core_parallel>, #tpu.dimension_semantics<subcore_parallel>], iteration_bounds = array<i64: 2, 16>, scalar_prefetch = 0 : i64, scratch_operands = 21 : i64, tpu.core_type = #tpu.core_type<sc_vector_subcore>, window_params = [{transform_indices = #map}, {transform_indices = #map}, {transform_indices = #map}, {transform_indices = #map1}]} {
    %mul3A = arith.constant 64 : i32
    %mul3A_0 = arith.muli %arg0, %mul3A : i32
    %mul3A_1 = arith.constant 625 : i32
    %mul3A_2 = arith.muli %arg1, %mul3A_1 : i32
    "tpu.region"() ({
      %run_scoped3A = tpu.sem_alloc : memref<!tpu.dma_semaphore, #tpu.memory_space<semaphore_mem>>
      %dma_start3A_224 = arith.constant 0 : i32
      %dma_start3A_225 = tpu.memref_slice %arg6[%mul3A_2, %dma_start3A_224] : memref<10008x64xf32, #tpu.memory_space<vmem_shared>> -> memref<625x64xf32, #tpu.memory_space<vmem_shared>>
      %dma_start3A_226 = arith.constant 0 : i32
      %dma_start3A_227 = arith.constant 0 : i32
      %dma_start3A_228 = tpu.memref_slice %arg2[%arg0, %dma_start3A_226, %dma_start3A_227] : memref<2x10000x64xf32, #tpu.memory_space<hbm>> -> memref<1x10000x64xf32, #tpu.memory_space<hbm>>
      %dma_start3A_229 = tpu.memref_squeeze %dma_start3A_228 : memref<1x10000x64xf32, #tpu.memory_space<hbm>> -> memref<10000x64xf32, #tpu.memory_space<hbm>>
      %dma_start3A_230 = arith.constant 0 : i32
      %dma_start3A_231 = tpu.memref_slice %dma_start3A_229[%mul3A_2, %dma_start3A_230] : memref<10000x64xf32, #tpu.memory_space<hbm>> -> memref<625x64xf32, #tpu.memory_space<hbm>>
      tpu.enqueue_dma source(%dma_start3A_231 : memref<625x64xf32, #tpu.memory_space<hbm>>) target(%dma_start3A_225 : memref<625x64xf32, #tpu.memory_space<vmem_shared>>) target_semaphore(%run_scoped3A : memref<!tpu.dma_semaphore, #tpu.memory_space<semaphore_mem>>)
      %dma_wait3A_232 = arith.constant 0 : i32
      %dma_wait3A_233 = tpu.memref_slice %arg6[%mul3A_2, %dma_wait3A_232] : memref<10008x64xf32, #tpu.memory_space<vmem_shared>> -> memref<625x64xf32, #tpu.memory_space<vmem_shared>>
      %dma_wait3A_234 = arith.constant 0 : i32
      %dma_wait3A_235 = arith.constant 0 : i32
      %dma_wait3A_236 = tpu.memref_slice %arg2[%arg0, %dma_wait3A_234, %dma_wait3A_235] : memref<2x10000x64xf32, #tpu.memory_space<hbm>> -> memref<1x10000x64xf32, #tpu.memory_space<hbm>>
      %dma_wait3A_237 = tpu.memref_squeeze %dma_wait3A_236 : memref<1x10000x64xf32, #tpu.memory_space<hbm>> -> memref<10000x64xf32, #tpu.memory_space<hbm>>
      %dma_wait3A_238 = arith.constant 0 : i32
      %dma_wait3A_239 = tpu.memref_slice %dma_wait3A_237[%mul3A_2, %dma_wait3A_238] : memref<10000x64xf32, #tpu.memory_space<hbm>> -> memref<625x64xf32, #tpu.memory_space<hbm>>
      tpu.wait_dma2 semaphore(%run_scoped3A : memref<!tpu.dma_semaphore, #tpu.memory_space<semaphore_mem>>) src(%dma_wait3A_239 : memref<625x64xf32, #tpu.memory_space<hbm>>) dst(%dma_wait3A_233 : memref<625x64xf32, #tpu.memory_space<vmem_shared>>)
      tpu.yield
    }) : () -> ()
    "tpu.region"() ({
      %run_scoped3A = tpu.sem_alloc : memref<!tpu.dma_semaphore, #tpu.memory_space<semaphore_mem>>
      %dma_start3A_224 = arith.constant 0 : i32
      %dma_start3A_225 = arith.constant 0 : i32
      %dma_start3A_226 = tpu.memref_slice %arg3[%arg1, %dma_start3A_224, %dma_start3A_225] : memref<16x162x128xi32, #tpu.memory_space<hbm>> -> memref<1x162x128xi32, #tpu.memory_space<hbm>>
      %dma_start3A_227 = tpu.memref_squeeze %dma_start3A_226 : memref<1x162x128xi32, #tpu.memory_space<hbm>> -> memref<162x128xi32, #tpu.memory_space<hbm>>
      %dma_start3A_228 = arith.constant 0 : i32
      %dma_start3A_229 = arith.constant 0 : i32
      %dma_start3A_230 = tpu.memref_slice %arg3[%arg1, %dma_start3A_228, %dma_start3A_229] : memref<16x162x128xi32, #tpu.memory_space<hbm>> -> memref<1x162x128xi32, #tpu.memory_space<hbm>>
      %dma_start3A_231 = tpu.memref_squeeze %dma_start3A_230 : memref<1x162x128xi32, #tpu.memory_space<hbm>> -> memref<162x128xi32, #tpu.memory_space<hbm>>
      tpu.enqueue_dma source(%dma_start3A_231 : memref<162x128xi32, #tpu.memory_space<hbm>>) target(%arg7 : memref<162x128xi32, #tpu.memory_space<vmem>>) target_semaphore(%run_scoped3A : memref<!tpu.dma_semaphore, #tpu.memory_space<semaphore_mem>>)
      %dma_wait3A_232 = arith.constant 0 : i32
      %dma_wait3A_233 = arith.constant 0 : i32
      %dma_wait3A_234 = tpu.memref_slice %arg3[%arg1, %dma_wait3A_232, %dma_wait3A_233] : memref<16x162x128xi32, #tpu.memory_space<hbm>> -> memref<1x162x128xi32, #tpu.memory_space<hbm>>
      %dma_wait3A_235 = tpu.memref_squeeze %dma_wait3A_234 : memref<1x162x128xi32, #tpu.memory_space<hbm>> -> memref<162x128xi32, #tpu.memory_space<hbm>>
      %dma_wait3A_236 = arith.constant 0 : i32
      %dma_wait3A_237 = arith.constant 0 : i32
      %dma_wait3A_238 = tpu.memref_slice %arg3[%arg1, %dma_wait3A_236, %dma_wait3A_237] : memref<16x162x128xi32, #tpu.memory_space<hbm>> -> memref<1x162x128xi32, #tpu.memory_space<hbm>>
      %dma_wait3A_239 = tpu.memref_squeeze %dma_wait3A_238 : memref<1x162x128xi32, #tpu.memory_space<hbm>> -> memref<162x128xi32, #tpu.memory_space<hbm>>
      tpu.wait_dma2 semaphore(%run_scoped3A : memref<!tpu.dma_semaphore, #tpu.memory_space<semaphore_mem>>) src(%dma_wait3A_239 : memref<162x128xi32, #tpu.memory_space<hbm>>) dst(%arg7 : memref<162x128xi32, #tpu.memory_space<vmem>>)
      tpu.yield
    }) : () -> ()
    "tpu.region"() ({
      %run_scoped3A = tpu.sem_alloc : memref<!tpu.dma_semaphore, #tpu.memory_space<semaphore_mem>>
      %dma_start3A_224 = arith.constant 0 : i32
      %dma_start3A_225 = arith.constant 0 : i32
      %dma_start3A_226 = tpu.memref_slice %arg4[%arg1, %dma_start3A_224, %dma_start3A_225] : memref<16x162x128xi32, #tpu.memory_space<hbm>> -> memref<1x162x128xi32, #tpu.memory_space<hbm>>
      %dma_start3A_227 = tpu.memref_squeeze %dma_start3A_226 : memref<1x162x128xi32, #tpu.memory_space<hbm>> -> memref<162x128xi32, #tpu.memory_space<hbm>>
      %dma_start3A_228 = arith.constant 0 : i32
      %dma_start3A_229 = arith.constant 0 : i32
      %dma_start3A_230 = tpu.memref_slice %arg4[%arg1, %dma_start3A_228, %dma_start3A_229] : memref<16x162x128xi32, #tpu.memory_space<hbm>> -> memref<1x162x128xi32, #tpu.memory_space<hbm>>
      %dma_start3A_231 = tpu.memref_squeeze %dma_start3A_230 : memref<1x162x128xi32, #tpu.memory_space<hbm>> -> memref<162x128xi32, #tpu.memory_space<hbm>>
      tpu.enqueue_dma source(%dma_start3A_231 : memref<162x128xi32, #tpu.memory_space<hbm>>) target(%arg8 : memref<162x128xi32, #tpu.memory_space<vmem>>) target_semaphore(%run_scoped3A : memref<!tpu.dma_semaphore, #tpu.memory_space<semaphore_mem>>)
      %dma_wait3A_232 = arith.constant 0 : i32
      %dma_wait3A_233 = arith.constant 0 : i32
      %dma_wait3A_234 = tpu.memref_slice %arg4[%arg1, %dma_wait3A_232, %dma_wait3A_233] : memref<16x162x128xi32, #tpu.memory_space<hbm>> -> memref<1x162x128xi32, #tpu.memory_space<hbm>>
      %dma_wait3A_235 = tpu.memref_squeeze %dma_wait3A_234 : memref<1x162x128xi32, #tpu.memory_space<hbm>> -> memref<162x128xi32, #tpu.memory_space<hbm>>
      %dma_wait3A_236 = arith.constant 0 : i32
      %dma_wait3A_237 = arith.constant 0 : i32
      %dma_wait3A_238 = tpu.memref_slice %arg4[%arg1, %dma_wait3A_236, %dma_wait3A_237] : memref<16x162x128xi32, #tpu.memory_space<hbm>> -> memref<1x162x128xi32, #tpu.memory_space<hbm>>
      %dma_wait3A_239 = tpu.memref_squeeze %dma_wait3A_238 : memref<1x162x128xi32, #tpu.memory_space<hbm>> -> memref<162x128xi32, #tpu.memory_space<hbm>>
      tpu.wait_dma2 semaphore(%run_scoped3A : memref<!tpu.dma_semaphore, #tpu.memory_space<semaphore_mem>>) src(%dma_wait3A_239 : memref<162x128xi32, #tpu.memory_space<hbm>>) dst(%arg8 : memref<162x128xi32, #tpu.memory_space<vmem>>)
      tpu.yield
    }) : () -> ()
    %barrier3A = arith.constant 0 : index
    tpu.barrier barrier_id(%barrier3A)
    %dma_start3A = arith.constant 0 : i32
    %dma_start3A_3 = arith.constant 0 : i32
    %dma_start3A_4 = tpu.memref_slice %arg7[%dma_start3A, %dma_start3A_3] : memref<162x128xi32, #tpu.memory_space<vmem>> -> memref<1x128xi32, #tpu.memory_space<vmem>>
    %dma_start3A_5 = tpu.memref_squeeze %dma_start3A_4 : memref<1x128xi32, #tpu.memory_space<vmem>> -> memref<128xi32, #tpu.memory_space<vmem>>
    %dma_start3A_6 = arith.constant 0 : i32
    %dma_start3A_7 = arith.constant 0 : i32
    %dma_start3A_8 = tpu.memref_slice %arg2[%arg0, %dma_start3A_6, %dma_start3A_7] : memref<2x10000x64xf32, #tpu.memory_space<hbm>> -> memref<1x10000x64xf32, #tpu.memory_space<hbm>>
    %dma_start3A_9 = tpu.memref_squeeze %dma_start3A_8 : memref<1x10000x64xf32, #tpu.memory_space<hbm>> -> memref<10000x64xf32, #tpu.memory_space<hbm>>
    %dma_start3A_10 = arith.constant 0 : i32
    %dma_start3A_11 = arith.constant 0 : i32
    %dma_start3A_12 = tpu.memref_slice %dma_start3A_9[%dma_start3A_10, %dma_start3A_11] : memref<10000x64xf32, #tpu.memory_space<hbm>> -> memref<10000x64xf32, #tpu.memory_space<hbm>>
    tpu.enqueue_indirect_dma source(%dma_start3A_12 : memref<10000x64xf32, #tpu.memory_space<hbm>>) target(%arg9 : memref<128x64xf32, #tpu.memory_space<vmem>>) offsets(%dma_start3A_5 : memref<128xi32, #tpu.memory_space<vmem>>) semaphore(%arg15 : memref<!tpu.dma_semaphore, #tpu.memory_space<semaphore_mem>>)
    %dma_start3A_13 = arith.constant 1 : i32
    %dma_start3A_14 = arith.constant 0 : i32
    %dma_start3A_15 = tpu.memref_slice %arg7[%dma_start3A_13, %dma_start3A_14] : memref<162x128xi32, #tpu.memory_space<vmem>> -> memref<1x128xi32, #tpu.memory_space<vmem>>
    %dma_start3A_16 = tpu.memref_squeeze %dma_start3A_15 : memref<1x128xi32, #tpu.memory_space<vmem>> -> memref<128xi32, #tpu.memory_space<vmem>>
    %dma_start3A_17 = arith.constant 0 : i32
    %dma_start3A_18 = arith.constant 0 : i32
    %dma_start3A_19 = tpu.memref_slice %arg2[%arg0, %dma_start3A_17, %dma_start3A_18] : memref<2x10000x64xf32, #tpu.memory_space<hbm>> -> memref<1x10000x64xf32, #tpu.memory_space<hbm>>
    %dma_start3A_20 = tpu.memref_squeeze %dma_start3A_19 : memref<1x10000x64xf32, #tpu.memory_space<hbm>> -> memref<10000x64xf32, #tpu.memory_space<hbm>>
    %dma_start3A_21 = arith.constant 0 : i32
    %dma_start3A_22 = arith.constant 0 : i32
    %dma_start3A_23 = tpu.memref_slice %dma_start3A_20[%dma_start3A_21, %dma_start3A_22] : memref<10000x64xf32, #tpu.memory_space<hbm>> -> memref<10000x64xf32, #tpu.memory_space<hbm>>
    tpu.enqueue_indirect_dma source(%dma_start3A_23 : memref<10000x64xf32, #tpu.memory_space<hbm>>) target(%arg10 : memref<128x64xf32, #tpu.memory_space<vmem>>) offsets(%dma_start3A_16 : memref<128xi32, #tpu.memory_space<vmem>>) semaphore(%arg16 : memref<!tpu.dma_semaphore, #tpu.memory_space<semaphore_mem>>)
    %dma_start3A_24 = arith.constant 2 : i32
    %dma_start3A_25 = arith.constant 0 : i32
    %dma_start3A_26 = tpu.memref_slice %arg7[%dma_start3A_24, %dma_start3A_25] : memref<162x128xi32, #tpu.memory_space<vmem>> -> memref<1x128xi32, #tpu.memory_space<vmem>>
    %dma_start3A_27 = tpu.memref_squeeze %dma_start3A_26 : memref<1x128xi32, #tpu.memory_space<vmem>> -> memref<128xi32, #tpu.memory_space<vmem>>
    %dma_start3A_28 = arith.constant 0 : i32
    %dma_start3A_29 = arith.constant 0 : i32
    %dma_start3A_30 = tpu.memref_slice %arg2[%arg0, %dma_start3A_28, %dma_start3A_29] : memref<2x10000x64xf32, #tpu.memory_space<hbm>> -> memref<1x10000x64xf32, #tpu.memory_space<hbm>>
    %dma_start3A_31 = tpu.memref_squeeze %dma_start3A_30 : memref<1x10000x64xf32, #tpu.memory_space<hbm>> -> memref<10000x64xf32, #tpu.memory_space<hbm>>
    %dma_start3A_32 = arith.constant 0 : i32
    %dma_start3A_33 = arith.constant 0 : i32
    %dma_start3A_34 = tpu.memref_slice %dma_start3A_31[%dma_start3A_32, %dma_start3A_33] : memref<10000x64xf32, #tpu.memory_space<hbm>> -> memref<10000x64xf32, #tpu.memory_space<hbm>>
    tpu.enqueue_indirect_dma source(%dma_start3A_34 : memref<10000x64xf32, #tpu.memory_space<hbm>>) target(%arg11 : memref<128x64xf32, #tpu.memory_space<vmem>>) offsets(%dma_start3A_27 : memref<128xi32, #tpu.memory_space<vmem>>) semaphore(%arg17 : memref<!tpu.dma_semaphore, #tpu.memory_space<semaphore_mem>>)
    %dma_wait3A = arith.constant 0 : i32
    %dma_wait3A_35 = arith.constant 0 : i32
    %dma_wait3A_36 = tpu.memref_slice %arg7[%dma_wait3A, %dma_wait3A_35] : memref<162x128xi32, #tpu.memory_space<vmem>> -> memref<1x128xi32, #tpu.memory_space<vmem>>
    %dma_wait3A_37 = tpu.memref_squeeze %dma_wait3A_36 : memref<1x128xi32, #tpu.memory_space<vmem>> -> memref<128xi32, #tpu.memory_space<vmem>>
    %dma_wait3A_38 = arith.constant 0 : i32
    %dma_wait3A_39 = arith.constant 0 : i32
    %dma_wait3A_40 = tpu.memref_slice %arg2[%arg0, %dma_wait3A_38, %dma_wait3A_39] : memref<2x10000x64xf32, #tpu.memory_space<hbm>> -> memref<1x10000x64xf32, #tpu.memory_space<hbm>>
    %dma_wait3A_41 = tpu.memref_squeeze %dma_wait3A_40 : memref<1x10000x64xf32, #tpu.memory_space<hbm>> -> memref<10000x64xf32, #tpu.memory_space<hbm>>
    %dma_wait3A_42 = arith.constant 0 : i32
    %dma_wait3A_43 = arith.constant 0 : i32
    %dma_wait3A_44 = tpu.memref_slice %dma_wait3A_41[%dma_wait3A_42, %dma_wait3A_43] : memref<10000x64xf32, #tpu.memory_space<hbm>> -> memref<10000x64xf32, #tpu.memory_space<hbm>>
    tpu.wait_indirect_dma semaphore(%arg15 : memref<!tpu.dma_semaphore, #tpu.memory_space<semaphore_mem>>) src(%dma_wait3A_44 : memref<10000x64xf32, #tpu.memory_space<hbm>>) dst(%arg9 : memref<128x64xf32, #tpu.memory_space<vmem>>)
    %dma_start3A_45 = arith.constant 0 : i32
    %dma_start3A_46 = arith.constant 0 : i32
    %dma_start3A_47 = tpu.memref_slice %arg8[%dma_start3A_45, %dma_start3A_46] : memref<162x128xi32, #tpu.memory_space<vmem>> -> memref<1x128xi32, #tpu.memory_space<vmem>>
    %dma_start3A_48 = tpu.memref_squeeze %dma_start3A_47 : memref<1x128xi32, #tpu.memory_space<vmem>> -> memref<128xi32, #tpu.memory_space<vmem>>
    %dma_start3A_49 = arith.constant 0 : i32
    %dma_start3A_50 = arith.constant 0 : i32
    %dma_start3A_51 = tpu.memref_slice %arg6[%dma_start3A_49, %dma_start3A_50] : memref<10008x64xf32, #tpu.memory_space<vmem_shared>> -> memref<10008x64xf32, #tpu.memory_space<vmem_shared>>
    tpu.enqueue_indirect_dma source(%arg9 : memref<128x64xf32, #tpu.memory_space<vmem>>) target(%dma_start3A_51 : memref<10008x64xf32, #tpu.memory_space<vmem_shared>>) offsets(%dma_start3A_48 : memref<128xi32, #tpu.memory_space<vmem>>) semaphore(%arg21 : memref<!tpu.dma_semaphore, #tpu.memory_space<semaphore_mem>>) {add = true}
    %dma_start3A_52 = arith.constant 3 : i32
    %dma_start3A_53 = arith.constant 0 : i32
    %dma_start3A_54 = tpu.memref_slice %arg7[%dma_start3A_52, %dma_start3A_53] : memref<162x128xi32, #tpu.memory_space<vmem>> -> memref<1x128xi32, #tpu.memory_space<vmem>>
    %dma_start3A_55 = tpu.memref_squeeze %dma_start3A_54 : memref<1x128xi32, #tpu.memory_space<vmem>> -> memref<128xi32, #tpu.memory_space<vmem>>
    %dma_start3A_56 = arith.constant 0 : i32
    %dma_start3A_57 = arith.constant 0 : i32
    %dma_start3A_58 = tpu.memref_slice %arg2[%arg0, %dma_start3A_56, %dma_start3A_57] : memref<2x10000x64xf32, #tpu.memory_space<hbm>> -> memref<1x10000x64xf32, #tpu.memory_space<hbm>>
    %dma_start3A_59 = tpu.memref_squeeze %dma_start3A_58 : memref<1x10000x64xf32, #tpu.memory_space<hbm>> -> memref<10000x64xf32, #tpu.memory_space<hbm>>
    %dma_start3A_60 = arith.constant 0 : i32
    %dma_start3A_61 = arith.constant 0 : i32
    %dma_start3A_62 = tpu.memref_slice %dma_start3A_59[%dma_start3A_60, %dma_start3A_61] : memref<10000x64xf32, #tpu.memory_space<hbm>> -> memref<10000x64xf32, #tpu.memory_space<hbm>>
    tpu.enqueue_indirect_dma source(%dma_start3A_62 : memref<10000x64xf32, #tpu.memory_space<hbm>>) target(%arg12 : memref<128x64xf32, #tpu.memory_space<vmem>>) offsets(%dma_start3A_55 : memref<128xi32, #tpu.memory_space<vmem>>) semaphore(%arg18 : memref<!tpu.dma_semaphore, #tpu.memory_space<semaphore_mem>>)
    %dma_wait3A_63 = arith.constant 1 : i32
    %dma_wait3A_64 = arith.constant 0 : i32
    %dma_wait3A_65 = tpu.memref_slice %arg7[%dma_wait3A_63, %dma_wait3A_64] : memref<162x128xi32, #tpu.memory_space<vmem>> -> memref<1x128xi32, #tpu.memory_space<vmem>>
    %dma_wait3A_66 = tpu.memref_squeeze %dma_wait3A_65 : memref<1x128xi32, #tpu.memory_space<vmem>> -> memref<128xi32, #tpu.memory_space<vmem>>
    %dma_wait3A_67 = arith.constant 0 : i32
    %dma_wait3A_68 = arith.constant 0 : i32
    %dma_wait3A_69 = tpu.memref_slice %arg2[%arg0, %dma_wait3A_67, %dma_wait3A_68] : memref<2x10000x64xf32, #tpu.memory_space<hbm>> -> memref<1x10000x64xf32, #tpu.memory_space<hbm>>
    %dma_wait3A_70 = tpu.memref_squeeze %dma_wait3A_69 : memref<1x10000x64xf32, #tpu.memory_space<hbm>> -> memref<10000x64xf32, #tpu.memory_space<hbm>>
    %dma_wait3A_71 = arith.constant 0 : i32
    %dma_wait3A_72 = arith.constant 0 : i32
    %dma_wait3A_73 = tpu.memref_slice %dma_wait3A_70[%dma_wait3A_71, %dma_wait3A_72] : memref<10000x64xf32, #tpu.memory_space<hbm>> -> memref<10000x64xf32, #tpu.memory_space<hbm>>
    tpu.wait_indirect_dma semaphore(%arg16 : memref<!tpu.dma_semaphore, #tpu.memory_space<semaphore_mem>>) src(%dma_wait3A_73 : memref<10000x64xf32, #tpu.memory_space<hbm>>) dst(%arg10 : memref<128x64xf32, #tpu.memory_space<vmem>>)
    %dma_start3A_74 = arith.constant 1 : i32
    %dma_start3A_75 = arith.constant 0 : i32
    %dma_start3A_76 = tpu.memref_slice %arg8[%dma_start3A_74, %dma_start3A_75] : memref<162x128xi32, #tpu.memory_space<vmem>> -> memref<1x128xi32, #tpu.memory_space<vmem>>
    %dma_start3A_77 = tpu.memref_squeeze %dma_start3A_76 : memref<1x128xi32, #tpu.memory_space<vmem>> -> memref<128xi32, #tpu.memory_space<vmem>>
    %dma_start3A_78 = arith.constant 0 : i32
    %dma_start3A_79 = arith.constant 0 : i32
    %dma_start3A_80 = tpu.memref_slice %arg6[%dma_start3A_78, %dma_start3A_79] : memref<10008x64xf32, #tpu.memory_space<vmem_shared>> -> memref<10008x64xf32, #tpu.memory_space<vmem_shared>>
    tpu.enqueue_indirect_dma source(%arg10 : memref<128x64xf32, #tpu.memory_space<vmem>>) target(%dma_start3A_80 : memref<10008x64xf32, #tpu.memory_space<vmem_shared>>) offsets(%dma_start3A_77 : memref<128xi32, #tpu.memory_space<vmem>>) semaphore(%arg22 : memref<!tpu.dma_semaphore, #tpu.memory_space<semaphore_mem>>) {add = true}
    %dma_start3A_81 = arith.constant 4 : i32
    %dma_start3A_82 = arith.constant 0 : i32
    %dma_start3A_83 = tpu.memref_slice %arg7[%dma_start3A_81, %dma_start3A_82] : memref<162x128xi32, #tpu.memory_space<vmem>> -> memref<1x128xi32, #tpu.memory_space<vmem>>
    %dma_start3A_84 = tpu.memref_squeeze %dma_start3A_83 : memref<1x128xi32, #tpu.memory_space<vmem>> -> memref<128xi32, #tpu.memory_space<vmem>>
    %dma_start3A_85 = arith.constant 0 : i32
    %dma_start3A_86 = arith.constant 0 : i32
    %dma_start3A_87 = tpu.memref_slice %arg2[%arg0, %dma_start3A_85, %dma_start3A_86] : memref<2x10000x64xf32, #tpu.memory_space<hbm>> -> memref<1x10000x64xf32, #tpu.memory_space<hbm>>
    %dma_start3A_88 = tpu.memref_squeeze %dma_start3A_87 : memref<1x10000x64xf32, #tpu.memory_space<hbm>> -> memref<10000x64xf32, #tpu.memory_space<hbm>>
    %dma_start3A_89 = arith.constant 0 : i32
    %dma_start3A_90 = arith.constant 0 : i32
    %dma_start3A_91 = tpu.memref_slice %dma_start3A_88[%dma_start3A_89, %dma_start3A_90] : memref<10000x64xf32, #tpu.memory_space<hbm>> -> memref<10000x64xf32, #tpu.memory_space<hbm>>
    tpu.enqueue_indirect_dma source(%dma_start3A_91 : memref<10000x64xf32, #tpu.memory_space<hbm>>) target(%arg13 : memref<128x64xf32, #tpu.memory_space<vmem>>) offsets(%dma_start3A_84 : memref<128xi32, #tpu.memory_space<vmem>>) semaphore(%arg19 : memref<!tpu.dma_semaphore, #tpu.memory_space<semaphore_mem>>)
    %dma_wait3A_92 = arith.constant 2 : i32
    %dma_wait3A_93 = arith.constant 0 : i32
    %dma_wait3A_94 = tpu.memref_slice %arg7[%dma_wait3A_92, %dma_wait3A_93] : memref<162x128xi32, #tpu.memory_space<vmem>> -> memref<1x128xi32, #tpu.memory_space<vmem>>
    %dma_wait3A_95 = tpu.memref_squeeze %dma_wait3A_94 : memref<1x128xi32, #tpu.memory_space<vmem>> -> memref<128xi32, #tpu.memory_space<vmem>>
    %dma_wait3A_96 = arith.constant 0 : i32
    %dma_wait3A_97 = arith.constant 0 : i32
    %dma_wait3A_98 = tpu.memref_slice %arg2[%arg0, %dma_wait3A_96, %dma_wait3A_97] : memref<2x10000x64xf32, #tpu.memory_space<hbm>> -> memref<1x10000x64xf32, #tpu.memory_space<hbm>>
    %dma_wait3A_99 = tpu.memref_squeeze %dma_wait3A_98 : memref<1x10000x64xf32, #tpu.memory_space<hbm>> -> memref<10000x64xf32, #tpu.memory_space<hbm>>
    %dma_wait3A_100 = arith.constant 0 : i32
    %dma_wait3A_101 = arith.constant 0 : i32
    %dma_wait3A_102 = tpu.memref_slice %dma_wait3A_99[%dma_wait3A_100, %dma_wait3A_101] : memref<10000x64xf32, #tpu.memory_space<hbm>> -> memref<10000x64xf32, #tpu.memory_space<hbm>>
    tpu.wait_indirect_dma semaphore(%arg17 : memref<!tpu.dma_semaphore, #tpu.memory_space<semaphore_mem>>) src(%dma_wait3A_102 : memref<10000x64xf32, #tpu.memory_space<hbm>>) dst(%arg11 : memref<128x64xf32, #tpu.memory_space<vmem>>)
    %dma_start3A_103 = arith.constant 2 : i32
    %dma_start3A_104 = arith.constant 0 : i32
    %dma_start3A_105 = tpu.memref_slice %arg8[%dma_start3A_103, %dma_start3A_104] : memref<162x128xi32, #tpu.memory_space<vmem>> -> memref<1x128xi32, #tpu.memory_space<vmem>>
    %dma_start3A_106 = tpu.memref_squeeze %dma_start3A_105 : memref<1x128xi32, #tpu.memory_space<vmem>> -> memref<128xi32, #tpu.memory_space<vmem>>
    %dma_start3A_107 = arith.constant 0 : i32
    %dma_start3A_108 = arith.constant 0 : i32
    %dma_start3A_109 = tpu.memref_slice %arg6[%dma_start3A_107, %dma_start3A_108] : memref<10008x64xf32, #tpu.memory_space<vmem_shared>> -> memref<10008x64xf32, #tpu.memory_space<vmem_shared>>
    tpu.enqueue_indirect_dma source(%arg11 : memref<128x64xf32, #tpu.memory_space<vmem>>) target(%dma_start3A_109 : memref<10008x64xf32, #tpu.memory_space<vmem_shared>>) offsets(%dma_start3A_106 : memref<128xi32, #tpu.memory_space<vmem>>) semaphore(%arg23 : memref<!tpu.dma_semaphore, #tpu.memory_space<semaphore_mem>>) {add = true}
    %dma_start3A_110 = arith.constant 5 : i32
    %dma_start3A_111 = arith.constant 0 : i32
    %dma_start3A_112 = tpu.memref_slice %arg7[%dma_start3A_110, %dma_start3A_111] : memref<162x128xi32, #tpu.memory_space<vmem>> -> memref<1x128xi32, #tpu.memory_space<vmem>>
    %dma_start3A_113 = tpu.memref_squeeze %dma_start3A_112 : memref<1x128xi32, #tpu.memory_space<vmem>> -> memref<128xi32, #tpu.memory_space<vmem>>
    %dma_start3A_114 = arith.constant 0 : i32
    %dma_start3A_115 = arith.constant 0 : i32
    %dma_start3A_116 = tpu.memref_slice %arg2[%arg0, %dma_start3A_114, %dma_start3A_115] : memref<2x10000x64xf32, #tpu.memory_space<hbm>> -> memref<1x10000x64xf32, #tpu.memory_space<hbm>>
    %dma_start3A_117 = tpu.memref_squeeze %dma_start3A_116 : memref<1x10000x64xf32, #tpu.memory_space<hbm>> -> memref<10000x64xf32, #tpu.memory_space<hbm>>
    %dma_start3A_118 = arith.constant 0 : i32
    %dma_start3A_119 = arith.constant 0 : i32
    %dma_start3A_120 = tpu.memref_slice %dma_start3A_117[%dma_start3A_118, %dma_start3A_119] : memref<10000x64xf32, #tpu.memory_space<hbm>> -> memref<10000x64xf32, #tpu.memory_space<hbm>>
    tpu.enqueue_indirect_dma source(%dma_start3A_120 : memref<10000x64xf32, #tpu.memory_space<hbm>>) target(%arg14 : memref<128x64xf32, #tpu.memory_space<vmem>>) offsets(%dma_start3A_113 : memref<128xi32, #tpu.memory_space<vmem>>) semaphore(%arg20 : memref<!tpu.dma_semaphore, #tpu.memory_space<semaphore_mem>>)
    %scan3A = arith.constant 0 : i32
    %scan3A_121 = arith.constant 0 : i32
    %scan3A_122 = arith.constant 26 : i32
    %scan3A_123 = arith.addi %scan3A_121, %scan3A_122 : i32
    %scan3A_124 = arith.constant 1 : i32
    %scan3A_125 = scf.for %scan3A_224 = %scan3A_121 to %scan3A_123 step %scan3A_124 iter_args(%scan3A_225 = %scan3A) -> (i32)  : i32 {
      %mul3A_226 = arith.constant 6 : i32
      %mul3A_227 = arith.muli %mul3A_226, %scan3A_224 : i32
      %add3A = arith.constant 3 : i32
      %add3A_228 = arith.addi %add3A, %mul3A_227 : i32
      %add3A_229 = arith.constant 0 : i32
      %add3A_230 = arith.addi %add3A_228, %add3A_229 : i32
      %dma_wait3A_231 = arith.constant 0 : i32
      %dma_wait3A_232 = tpu.memref_slice %arg7[%add3A_230, %dma_wait3A_231] : memref<162x128xi32, #tpu.memory_space<vmem>> -> memref<1x128xi32, #tpu.memory_space<vmem>>
      %dma_wait3A_233 = tpu.memref_squeeze %dma_wait3A_232 : memref<1x128xi32, #tpu.memory_space<vmem>> -> memref<128xi32, #tpu.memory_space<vmem>>
      %dma_wait3A_234 = arith.constant 0 : i32
      %dma_wait3A_235 = arith.constant 0 : i32
      %dma_wait3A_236 = tpu.memref_slice %arg2[%arg0, %dma_wait3A_234, %dma_wait3A_235] : memref<2x10000x64xf32, #tpu.memory_space<hbm>> -> memref<1x10000x64xf32, #tpu.memory_space<hbm>>
      %dma_wait3A_237 = tpu.memref_squeeze %dma_wait3A_236 : memref<1x10000x64xf32, #tpu.memory_space<hbm>> -> memref<10000x64xf32, #tpu.memory_space<hbm>>
      %dma_wait3A_238 = arith.constant 0 : i32
      %dma_wait3A_239 = arith.constant 0 : i32
      %dma_wait3A_240 = tpu.memref_slice %dma_wait3A_237[%dma_wait3A_238, %dma_wait3A_239] : memref<10000x64xf32, #tpu.memory_space<hbm>> -> memref<10000x64xf32, #tpu.memory_space<hbm>>
      tpu.wait_indirect_dma semaphore(%arg18 : memref<!tpu.dma_semaphore, #tpu.memory_space<semaphore_mem>>) src(%dma_wait3A_240 : memref<10000x64xf32, #tpu.memory_space<hbm>>) dst(%arg12 : memref<128x64xf32, #tpu.memory_space<vmem>>)
      %dma_start3A_241 = arith.constant 0 : i32
      %dma_start3A_242 = tpu.memref_slice %arg8[%add3A_230, %dma_start3A_241] : memref<162x128xi32, #tpu.memory_space<vmem>> -> memref<1x128xi32, #tpu.memory_space<vmem>>
      %dma_start3A_243 = tpu.memref_squeeze %dma_start3A_242 : memref<1x128xi32, #tpu.memory_space<vmem>> -> memref<128xi32, #tpu.memory_space<vmem>>
      %dma_start3A_244 = arith.constant 0 : i32
      %dma_start3A_245 = arith.constant 0 : i32
      %dma_start3A_246 = tpu.memref_slice %arg6[%dma_start3A_244, %dma_start3A_245] : memref<10008x64xf32, #tpu.memory_space<vmem_shared>> -> memref<10008x64xf32, #tpu.memory_space<vmem_shared>>
      tpu.enqueue_indirect_dma source(%arg12 : memref<128x64xf32, #tpu.memory_space<vmem>>) target(%dma_start3A_246 : memref<10008x64xf32, #tpu.memory_space<vmem_shared>>) offsets(%dma_start3A_243 : memref<128xi32, #tpu.memory_space<vmem>>) semaphore(%arg24 : memref<!tpu.dma_semaphore, #tpu.memory_space<semaphore_mem>>) {add = true}
      %dma_wait3A_247 = arith.constant 0 : i32
      %dma_wait3A_248 = tpu.memref_slice %arg8[%add3A_230, %dma_wait3A_247] : memref<162x128xi32, #tpu.memory_space<vmem>> -> memref<1x128xi32, #tpu.memory_space<vmem>>
      %dma_wait3A_249 = tpu.memref_squeeze %dma_wait3A_248 : memref<1x128xi32, #tpu.memory_space<vmem>> -> memref<128xi32, #tpu.memory_space<vmem>>
      %dma_wait3A_250 = arith.constant 0 : i32
      %dma_wait3A_251 = arith.constant 0 : i32
      %dma_wait3A_252 = tpu.memref_slice %arg6[%dma_wait3A_250, %dma_wait3A_251] : memref<10008x64xf32, #tpu.memory_space<vmem_shared>> -> memref<10008x64xf32, #tpu.memory_space<vmem_shared>>
      tpu.wait_indirect_dma semaphore(%arg21 : memref<!tpu.dma_semaphore, #tpu.memory_space<semaphore_mem>>) src(%arg9 : memref<128x64xf32, #tpu.memory_space<vmem>>) dst(%dma_wait3A_252 : memref<10008x64xf32, #tpu.memory_space<vmem_shared>>)
      %add3A_253 = arith.constant 3 : i32
      %add3A_254 = arith.addi %add3A_230, %add3A_253 : i32
      %dma_start3A_255 = arith.constant 0 : i32
      %dma_start3A_256 = tpu.memref_slice %arg7[%add3A_254, %dma_start3A_255] : memref<162x128xi32, #tpu.memory_space<vmem>> -> memref<1x128xi32, #tpu.memory_space<vmem>>
      %dma_start3A_257 = tpu.memref_squeeze %dma_start3A_256 : memref<1x128xi32, #tpu.memory_space<vmem>> -> memref<128xi32, #tpu.memory_space<vmem>>
      %dma_start3A_258 = arith.constant 0 : i32
      %dma_start3A_259 = arith.constant 0 : i32
      %dma_start3A_260 = tpu.memref_slice %arg2[%arg0, %dma_start3A_258, %dma_start3A_259] : memref<2x10000x64xf32, #tpu.memory_space<hbm>> -> memref<1x10000x64xf32, #tpu.memory_space<hbm>>
      %dma_start3A_261 = tpu.memref_squeeze %dma_start3A_260 : memref<1x10000x64xf32, #tpu.memory_space<hbm>> -> memref<10000x64xf32, #tpu.memory_space<hbm>>
      %dma_start3A_262 = arith.constant 0 : i32
      %dma_start3A_263 = arith.constant 0 : i32
      %dma_start3A_264 = tpu.memref_slice %dma_start3A_261[%dma_start3A_262, %dma_start3A_263] : memref<10000x64xf32, #tpu.memory_space<hbm>> -> memref<10000x64xf32, #tpu.memory_space<hbm>>
      tpu.enqueue_indirect_dma source(%dma_start3A_264 : memref<10000x64xf32, #tpu.memory_space<hbm>>) target(%arg9 : memref<128x64xf32, #tpu.memory_space<vmem>>) offsets(%dma_start3A_257 : memref<128xi32, #tpu.memory_space<vmem>>) semaphore(%arg15 : memref<!tpu.dma_semaphore, #tpu.memory_space<semaphore_mem>>)
      %mul3A_265 = arith.constant 6 : i32
      %mul3A_266 = arith.muli %mul3A_265, %scan3A_224 : i32
      %add3A_267 = arith.constant 3 : i32
      %add3A_268 = arith.addi %add3A_267, %mul3A_266 : i32
      %add3A_269 = arith.constant 1 : i32
      %add3A_270 = arith.addi %add3A_268, %add3A_269 : i32
      %dma_wait3A_271 = arith.constant 0 : i32
      %dma_wait3A_272 = tpu.memref_slice %arg7[%add3A_270, %dma_wait3A_271] : memref<162x128xi32, #tpu.memory_space<vmem>> -> memref<1x128xi32, #tpu.memory_space<vmem>>
      %dma_wait3A_273 = tpu.memref_squeeze %dma_wait3A_272 : memref<1x128xi32, #tpu.memory_space<vmem>> -> memref<128xi32, #tpu.memory_space<vmem>>
      %dma_wait3A_274 = arith.constant 0 : i32
      %dma_wait3A_275 = arith.constant 0 : i32
      %dma_wait3A_276 = tpu.memref_slice %arg2[%arg0, %dma_wait3A_274, %dma_wait3A_275] : memref<2x10000x64xf32, #tpu.memory_space<hbm>> -> memref<1x10000x64xf32, #tpu.memory_space<hbm>>
      %dma_wait3A_277 = tpu.memref_squeeze %dma_wait3A_276 : memref<1x10000x64xf32, #tpu.memory_space<hbm>> -> memref<10000x64xf32, #tpu.memory_space<hbm>>
      %dma_wait3A_278 = arith.constant 0 : i32
      %dma_wait3A_279 = arith.constant 0 : i32
      %dma_wait3A_280 = tpu.memref_slice %dma_wait3A_277[%dma_wait3A_278, %dma_wait3A_279] : memref<10000x64xf32, #tpu.memory_space<hbm>> -> memref<10000x64xf32, #tpu.memory_space<hbm>>
      tpu.wait_indirect_dma semaphore(%arg19 : memref<!tpu.dma_semaphore, #tpu.memory_space<semaphore_mem>>) src(%dma_wait3A_280 : memref<10000x64xf32, #tpu.memory_space<hbm>>) dst(%arg13 : memref<128x64xf32, #tpu.memory_space<vmem>>)
      %dma_start3A_281 = arith.constant 0 : i32
      %dma_start3A_282 = tpu.memref_slice %arg8[%add3A_270, %dma_start3A_281] : memref<162x128xi32, #tpu.memory_space<vmem>> -> memref<1x128xi32, #tpu.memory_space<vmem>>
      %dma_start3A_283 = tpu.memref_squeeze %dma_start3A_282 : memref<1x128xi32, #tpu.memory_space<vmem>> -> memref<128xi32, #tpu.memory_space<vmem>>
      %dma_start3A_284 = arith.constant 0 : i32
      %dma_start3A_285 = arith.constant 0 : i32
      %dma_start3A_286 = tpu.memref_slice %arg6[%dma_start3A_284, %dma_start3A_285] : memref<10008x64xf32, #tpu.memory_space<vmem_shared>> -> memref<10008x64xf32, #tpu.memory_space<vmem_shared>>
      tpu.enqueue_indirect_dma source(%arg13 : memref<128x64xf32, #tpu.memory_space<vmem>>) target(%dma_start3A_286 : memref<10008x64xf32, #tpu.memory_space<vmem_shared>>) offsets(%dma_start3A_283 : memref<128xi32, #tpu.memory_space<vmem>>) semaphore(%arg25 : memref<!tpu.dma_semaphore, #tpu.memory_space<semaphore_mem>>) {add = true}
      %dma_wait3A_287 = arith.constant 0 : i32
      %dma_wait3A_288 = tpu.memref_slice %arg8[%add3A_270, %dma_wait3A_287] : memref<162x128xi32, #tpu.memory_space<vmem>> -> memref<1x128xi32, #tpu.memory_space<vmem>>
      %dma_wait3A_289 = tpu.memref_squeeze %dma_wait3A_288 : memref<1x128xi32, #tpu.memory_space<vmem>> -> memref<128xi32, #tpu.memory_space<vmem>>
      %dma_wait3A_290 = arith.constant 0 : i32
      %dma_wait3A_291 = arith.constant 0 : i32
      %dma_wait3A_292 = tpu.memref_slice %arg6[%dma_wait3A_290, %dma_wait3A_291] : memref<10008x64xf32, #tpu.memory_space<vmem_shared>> -> memref<10008x64xf32, #tpu.memory_space<vmem_shared>>
      tpu.wait_indirect_dma semaphore(%arg22 : memref<!tpu.dma_semaphore, #tpu.memory_space<semaphore_mem>>) src(%arg10 : memref<128x64xf32, #tpu.memory_space<vmem>>) dst(%dma_wait3A_292 : memref<10008x64xf32, #tpu.memory_space<vmem_shared>>)
      %add3A_293 = arith.constant 3 : i32
      %add3A_294 = arith.addi %add3A_270, %add3A_293 : i32
      %dma_start3A_295 = arith.constant 0 : i32
      %dma_start3A_296 = tpu.memref_slice %arg7[%add3A_294, %dma_start3A_295] : memref<162x128xi32, #tpu.memory_space<vmem>> -> memref<1x128xi32, #tpu.memory_space<vmem>>
      %dma_start3A_297 = tpu.memref_squeeze %dma_start3A_296 : memref<1x128xi32, #tpu.memory_space<vmem>> -> memref<128xi32, #tpu.memory_space<vmem>>
      %dma_start3A_298 = arith.constant 0 : i32
      %dma_start3A_299 = arith.constant 0 : i32
      %dma_start3A_300 = tpu.memref_slice %arg2[%arg0, %dma_start3A_298, %dma_start3A_299] : memref<2x10000x64xf32, #tpu.memory_space<hbm>> -> memref<1x10000x64xf32, #tpu.memory_space<hbm>>
      %dma_start3A_301 = tpu.memref_squeeze %dma_start3A_300 : memref<1x10000x64xf32, #tpu.memory_space<hbm>> -> memref<10000x64xf32, #tpu.memory_space<hbm>>
      %dma_start3A_302 = arith.constant 0 : i32
      %dma_start3A_303 = arith.constant 0 : i32
      %dma_start3A_304 = tpu.memref_slice %dma_start3A_301[%dma_start3A_302, %dma_start3A_303] : memref<10000x64xf32, #tpu.memory_space<hbm>> -> memref<10000x64xf32, #tpu.memory_space<hbm>>
      tpu.enqueue_indirect_dma source(%dma_start3A_304 : memref<10000x64xf32, #tpu.memory_space<hbm>>) target(%arg10 : memref<128x64xf32, #tpu.memory_space<vmem>>) offsets(%dma_start3A_297 : memref<128xi32, #tpu.memory_space<vmem>>) semaphore(%arg16 : memref<!tpu.dma_semaphore, #tpu.memory_space<semaphore_mem>>)
      %mul3A_305 = arith.constant 6 : i32
      %mul3A_306 = arith.muli %mul3A_305, %scan3A_224 : i32
      %add3A_307 = arith.constant 3 : i32
      %add3A_308 = arith.addi %add3A_307, %mul3A_306 : i32
      %add3A_309 = arith.constant 2 : i32
      %add3A_310 = arith.addi %add3A_308, %add3A_309 : i32
      %dma_wait3A_311 = arith.constant 0 : i32
      %dma_wait3A_312 = tpu.memref_slice %arg7[%add3A_310, %dma_wait3A_311] : memref<162x128xi32, #tpu.memory_space<vmem>> -> memref<1x128xi32, #tpu.memory_space<vmem>>
      %dma_wait3A_313 = tpu.memref_squeeze %dma_wait3A_312 : memref<1x128xi32, #tpu.memory_space<vmem>> -> memref<128xi32, #tpu.memory_space<vmem>>
      %dma_wait3A_314 = arith.constant 0 : i32
      %dma_wait3A_315 = arith.constant 0 : i32
      %dma_wait3A_316 = tpu.memref_slice %arg2[%arg0, %dma_wait3A_314, %dma_wait3A_315] : memref<2x10000x64xf32, #tpu.memory_space<hbm>> -> memref<1x10000x64xf32, #tpu.memory_space<hbm>>
      %dma_wait3A_317 = tpu.memref_squeeze %dma_wait3A_316 : memref<1x10000x64xf32, #tpu.memory_space<hbm>> -> memref<10000x64xf32, #tpu.memory_space<hbm>>
      %dma_wait3A_318 = arith.constant 0 : i32
      %dma_wait3A_319 = arith.constant 0 : i32
      %dma_wait3A_320 = tpu.memref_slice %dma_wait3A_317[%dma_wait3A_318, %dma_wait3A_319] : memref<10000x64xf32, #tpu.memory_space<hbm>> -> memref<10000x64xf32, #tpu.memory_space<hbm>>
      tpu.wait_indirect_dma semaphore(%arg20 : memref<!tpu.dma_semaphore, #tpu.memory_space<semaphore_mem>>) src(%dma_wait3A_320 : memref<10000x64xf32, #tpu.memory_space<hbm>>) dst(%arg14 : memref<128x64xf32, #tpu.memory_space<vmem>>)
      %dma_start3A_321 = arith.constant 0 : i32
      %dma_start3A_322 = tpu.memref_slice %arg8[%add3A_310, %dma_start3A_321] : memref<162x128xi32, #tpu.memory_space<vmem>> -> memref<1x128xi32, #tpu.memory_space<vmem>>
      %dma_start3A_323 = tpu.memref_squeeze %dma_start3A_322 : memref<1x128xi32, #tpu.memory_space<vmem>> -> memref<128xi32, #tpu.memory_space<vmem>>
      %dma_start3A_324 = arith.constant 0 : i32
      %dma_start3A_325 = arith.constant 0 : i32
      %dma_start3A_326 = tpu.memref_slice %arg6[%dma_start3A_324, %dma_start3A_325] : memref<10008x64xf32, #tpu.memory_space<vmem_shared>> -> memref<10008x64xf32, #tpu.memory_space<vmem_shared>>
      tpu.enqueue_indirect_dma source(%arg14 : memref<128x64xf32, #tpu.memory_space<vmem>>) target(%dma_start3A_326 : memref<10008x64xf32, #tpu.memory_space<vmem_shared>>) offsets(%dma_start3A_323 : memref<128xi32, #tpu.memory_space<vmem>>) semaphore(%arg26 : memref<!tpu.dma_semaphore, #tpu.memory_space<semaphore_mem>>) {add = true}
      %dma_wait3A_327 = arith.constant 0 : i32
      %dma_wait3A_328 = tpu.memref_slice %arg8[%add3A_310, %dma_wait3A_327] : memref<162x128xi32, #tpu.memory_space<vmem>> -> memref<1x128xi32, #tpu.memory_space<vmem>>
      %dma_wait3A_329 = tpu.memref_squeeze %dma_wait3A_328 : memref<1x128xi32, #tpu.memory_space<vmem>> -> memref<128xi32, #tpu.memory_space<vmem>>
      %dma_wait3A_330 = arith.constant 0 : i32
      %dma_wait3A_331 = arith.constant 0 : i32
      %dma_wait3A_332 = tpu.memref_slice %arg6[%dma_wait3A_330, %dma_wait3A_331] : memref<10008x64xf32, #tpu.memory_space<vmem_shared>> -> memref<10008x64xf32, #tpu.memory_space<vmem_shared>>
      tpu.wait_indirect_dma semaphore(%arg23 : memref<!tpu.dma_semaphore, #tpu.memory_space<semaphore_mem>>) src(%arg11 : memref<128x64xf32, #tpu.memory_space<vmem>>) dst(%dma_wait3A_332 : memref<10008x64xf32, #tpu.memory_space<vmem_shared>>)
      %add3A_333 = arith.constant 3 : i32
      %add3A_334 = arith.addi %add3A_310, %add3A_333 : i32
      %dma_start3A_335 = arith.constant 0 : i32
      %dma_start3A_336 = tpu.memref_slice %arg7[%add3A_334, %dma_start3A_335] : memref<162x128xi32, #tpu.memory_space<vmem>> -> memref<1x128xi32, #tpu.memory_space<vmem>>
      %dma_start3A_337 = tpu.memref_squeeze %dma_start3A_336 : memref<1x128xi32, #tpu.memory_space<vmem>> -> memref<128xi32, #tpu.memory_space<vmem>>
      %dma_start3A_338 = arith.constant 0 : i32
      %dma_start3A_339 = arith.constant 0 : i32
      %dma_start3A_340 = tpu.memref_slice %arg2[%arg0, %dma_start3A_338, %dma_start3A_339] : memref<2x10000x64xf32, #tpu.memory_space<hbm>> -> memref<1x10000x64xf32, #tpu.memory_space<hbm>>
      %dma_start3A_341 = tpu.memref_squeeze %dma_start3A_340 : memref<1x10000x64xf32, #tpu.memory_space<hbm>> -> memref<10000x64xf32, #tpu.memory_space<hbm>>
      %dma_start3A_342 = arith.constant 0 : i32
      %dma_start3A_343 = arith.constant 0 : i32
      %dma_start3A_344 = tpu.memref_slice %dma_start3A_341[%dma_start3A_342, %dma_start3A_343] : memref<10000x64xf32, #tpu.memory_space<hbm>> -> memref<10000x64xf32, #tpu.memory_space<hbm>>
      tpu.enqueue_indirect_dma source(%dma_start3A_344 : memref<10000x64xf32, #tpu.memory_space<hbm>>) target(%arg11 : memref<128x64xf32, #tpu.memory_space<vmem>>) offsets(%dma_start3A_337 : memref<128xi32, #tpu.memory_space<vmem>>) semaphore(%arg17 : memref<!tpu.dma_semaphore, #tpu.memory_space<semaphore_mem>>)
      %mul3A_345 = arith.constant 6 : i32
      %mul3A_346 = arith.muli %mul3A_345, %scan3A_224 : i32
      %add3A_347 = arith.constant 3 : i32
      %add3A_348 = arith.addi %add3A_347, %mul3A_346 : i32
      %add3A_349 = arith.constant 3 : i32
      %add3A_350 = arith.addi %add3A_348, %add3A_349 : i32
      %dma_wait3A_351 = arith.constant 0 : i32
      %dma_wait3A_352 = tpu.memref_slice %arg7[%add3A_350, %dma_wait3A_351] : memref<162x128xi32, #tpu.memory_space<vmem>> -> memref<1x128xi32, #tpu.memory_space<vmem>>
      %dma_wait3A_353 = tpu.memref_squeeze %dma_wait3A_352 : memref<1x128xi32, #tpu.memory_space<vmem>> -> memref<128xi32, #tpu.memory_space<vmem>>
      %dma_wait3A_354 = arith.constant 0 : i32
      %dma_wait3A_355 = arith.constant 0 : i32
      %dma_wait3A_356 = tpu.memref_slice %arg2[%arg0, %dma_wait3A_354, %dma_wait3A_355] : memref<2x10000x64xf32, #tpu.memory_space<hbm>> -> memref<1x10000x64xf32, #tpu.memory_space<hbm>>
      %dma_wait3A_357 = tpu.memref_squeeze %dma_wait3A_356 : memref<1x10000x64xf32, #tpu.memory_space<hbm>> -> memref<10000x64xf32, #tpu.memory_space<hbm>>
      %dma_wait3A_358 = arith.constant 0 : i32
      %dma_wait3A_359 = arith.constant 0 : i32
      %dma_wait3A_360 = tpu.memref_slice %dma_wait3A_357[%dma_wait3A_358, %dma_wait3A_359] : memref<10000x64xf32, #tpu.memory_space<hbm>> -> memref<10000x64xf32, #tpu.memory_space<hbm>>
      tpu.wait_indirect_dma semaphore(%arg15 : memref<!tpu.dma_semaphore, #tpu.memory_space<semaphore_mem>>) src(%dma_wait3A_360 : memref<10000x64xf32, #tpu.memory_space<hbm>>) dst(%arg9 : memref<128x64xf32, #tpu.memory_space<vmem>>)
      %dma_start3A_361 = arith.constant 0 : i32
      %dma_start3A_362 = tpu.memref_slice %arg8[%add3A_350, %dma_start3A_361] : memref<162x128xi32, #tpu.memory_space<vmem>> -> memref<1x128xi32, #tpu.memory_space<vmem>>
      %dma_start3A_363 = tpu.memref_squeeze %dma_start3A_362 : memref<1x128xi32, #tpu.memory_space<vmem>> -> memref<128xi32, #tpu.memory_space<vmem>>
      %dma_start3A_364 = arith.constant 0 : i32
      %dma_start3A_365 = arith.constant 0 : i32
      %dma_start3A_366 = tpu.memref_slice %arg6[%dma_start3A_364, %dma_start3A_365] : memref<10008x64xf32, #tpu.memory_space<vmem_shared>> -> memref<10008x64xf32, #tpu.memory_space<vmem_shared>>
      tpu.enqueue_indirect_dma source(%arg9 : memref<128x64xf32, #tpu.memory_space<vmem>>) target(%dma_start3A_366 : memref<10008x64xf32, #tpu.memory_space<vmem_shared>>) offsets(%dma_start3A_363 : memref<128xi32, #tpu.memory_space<vmem>>) semaphore(%arg21 : memref<!tpu.dma_semaphore, #tpu.memory_space<semaphore_mem>>) {add = true}
      %dma_wait3A_367 = arith.constant 0 : i32
      %dma_wait3A_368 = tpu.memref_slice %arg8[%add3A_350, %dma_wait3A_367] : memref<162x128xi32, #tpu.memory_space<vmem>> -> memref<1x128xi32, #tpu.memory_space<vmem>>
      %dma_wait3A_369 = tpu.memref_squeeze %dma_wait3A_368 : memref<1x128xi32, #tpu.memory_space<vmem>> -> memref<128xi32, #tpu.memory_space<vmem>>
      %dma_wait3A_370 = arith.constant 0 : i32
      %dma_wait3A_371 = arith.constant 0 : i32
      %dma_wait3A_372 = tpu.memref_slice %arg6[%dma_wait3A_370, %dma_wait3A_371] : memref<10008x64xf32, #tpu.memory_space<vmem_shared>> -> memref<10008x64xf32, #tpu.memory_space<vmem_shared>>
      tpu.wait_indirect_dma semaphore(%arg24 : memref<!tpu.dma_semaphore, #tpu.memory_space<semaphore_mem>>) src(%arg12 : memref<128x64xf32, #tpu.memory_space<vmem>>) dst(%dma_wait3A_372 : memref<10008x64xf32, #tpu.memory_space<vmem_shared>>)
      %add3A_373 = arith.constant 3 : i32
      %add3A_374 = arith.addi %add3A_350, %add3A_373 : i32
      %dma_start3A_375 = arith.constant 0 : i32
      %dma_start3A_376 = tpu.memref_slice %arg7[%add3A_374, %dma_start3A_375] : memref<162x128xi32, #tpu.memory_space<vmem>> -> memref<1x128xi32, #tpu.memory_space<vmem>>
      %dma_start3A_377 = tpu.memref_squeeze %dma_start3A_376 : memref<1x128xi32, #tpu.memory_space<vmem>> -> memref<128xi32, #tpu.memory_space<vmem>>
      %dma_start3A_378 = arith.constant 0 : i32
      %dma_start3A_379 = arith.constant 0 : i32
      %dma_start3A_380 = tpu.memref_slice %arg2[%arg0, %dma_start3A_378, %dma_start3A_379] : memref<2x10000x64xf32, #tpu.memory_space<hbm>> -> memref<1x10000x64xf32, #tpu.memory_space<hbm>>
      %dma_start3A_381 = tpu.memref_squeeze %dma_start3A_380 : memref<1x10000x64xf32, #tpu.memory_space<hbm>> -> memref<10000x64xf32, #tpu.memory_space<hbm>>
      %dma_start3A_382 = arith.constant 0 : i32
      %dma_start3A_383 = arith.constant 0 : i32
      %dma_start3A_384 = tpu.memref_slice %dma_start3A_381[%dma_start3A_382, %dma_start3A_383] : memref<10000x64xf32, #tpu.memory_space<hbm>> -> memref<10000x64xf32, #tpu.memory_space<hbm>>
      tpu.enqueue_indirect_dma source(%dma_start3A_384 : memref<10000x64xf32, #tpu.memory_space<hbm>>) target(%arg12 : memref<128x64xf32, #tpu.memory_space<vmem>>) offsets(%dma_start3A_377 : memref<128xi32, #tpu.memory_space<vmem>>) semaphore(%arg18 : memref<!tpu.dma_semaphore, #tpu.memory_space<semaphore_mem>>)
      %mul3A_385 = arith.constant 6 : i32
      %mul3A_386 = arith.muli %mul3A_385, %scan3A_224 : i32
      %add3A_387 = arith.constant 3 : i32
      %add3A_388 = arith.addi %add3A_387, %mul3A_386 : i32
      %add3A_389 = arith.constant 4 : i32
      %add3A_390 = arith.addi %add3A_388, %add3A_389 : i32
      %dma_wait3A_391 = arith.constant 0 : i32
      %dma_wait3A_392 = tpu.memref_slice %arg7[%add3A_390, %dma_wait3A_391] : memref<162x128xi32, #tpu.memory_space<vmem>> -> memref<1x128xi32, #tpu.memory_space<vmem>>
      %dma_wait3A_393 = tpu.memref_squeeze %dma_wait3A_392 : memref<1x128xi32, #tpu.memory_space<vmem>> -> memref<128xi32, #tpu.memory_space<vmem>>
      %dma_wait3A_394 = arith.constant 0 : i32
      %dma_wait3A_395 = arith.constant 0 : i32
      %dma_wait3A_396 = tpu.memref_slice %arg2[%arg0, %dma_wait3A_394, %dma_wait3A_395] : memref<2x10000x64xf32, #tpu.memory_space<hbm>> -> memref<1x10000x64xf32, #tpu.memory_space<hbm>>
      %dma_wait3A_397 = tpu.memref_squeeze %dma_wait3A_396 : memref<1x10000x64xf32, #tpu.memory_space<hbm>> -> memref<10000x64xf32, #tpu.memory_space<hbm>>
      %dma_wait3A_398 = arith.constant 0 : i32
      %dma_wait3A_399 = arith.constant 0 : i32
      %dma_wait3A_400 = tpu.memref_slice %dma_wait3A_397[%dma_wait3A_398, %dma_wait3A_399] : memref<10000x64xf32, #tpu.memory_space<hbm>> -> memref<10000x64xf32, #tpu.memory_space<hbm>>
      tpu.wait_indirect_dma semaphore(%arg16 : memref<!tpu.dma_semaphore, #tpu.memory_space<semaphore_mem>>) src(%dma_wait3A_400 : memref<10000x64xf32, #tpu.memory_space<hbm>>) dst(%arg10 : memref<128x64xf32, #tpu.memory_space<vmem>>)
      %dma_start3A_401 = arith.constant 0 : i32
      %dma_start3A_402 = tpu.memref_slice %arg8[%add3A_390, %dma_start3A_401] : memref<162x128xi32, #tpu.memory_space<vmem>> -> memref<1x128xi32, #tpu.memory_space<vmem>>
      %dma_start3A_403 = tpu.memref_squeeze %dma_start3A_402 : memref<1x128xi32, #tpu.memory_space<vmem>> -> memref<128xi32, #tpu.memory_space<vmem>>
      %dma_start3A_404 = arith.constant 0 : i32
      %dma_start3A_405 = arith.constant 0 : i32
      %dma_start3A_406 = tpu.memref_slice %arg6[%dma_start3A_404, %dma_start3A_405] : memref<10008x64xf32, #tpu.memory_space<vmem_shared>> -> memref<10008x64xf32, #tpu.memory_space<vmem_shared>>
      tpu.enqueue_indirect_dma source(%arg10 : memref<128x64xf32, #tpu.memory_space<vmem>>) target(%dma_start3A_406 : memref<10008x64xf32, #tpu.memory_space<vmem_shared>>) offsets(%dma_start3A_403 : memref<128xi32, #tpu.memory_space<vmem>>) semaphore(%arg22 : memref<!tpu.dma_semaphore, #tpu.memory_space<semaphore_mem>>) {add = true}
      %dma_wait3A_407 = arith.constant 0 : i32
      %dma_wait3A_408 = tpu.memref_slice %arg8[%add3A_390, %dma_wait3A_407] : memref<162x128xi32, #tpu.memory_space<vmem>> -> memref<1x128xi32, #tpu.memory_space<vmem>>
      %dma_wait3A_409 = tpu.memref_squeeze %dma_wait3A_408 : memref<1x128xi32, #tpu.memory_space<vmem>> -> memref<128xi32, #tpu.memory_space<vmem>>
      %dma_wait3A_410 = arith.constant 0 : i32
      %dma_wait3A_411 = arith.constant 0 : i32
      %dma_wait3A_412 = tpu.memref_slice %arg6[%dma_wait3A_410, %dma_wait3A_411] : memref<10008x64xf32, #tpu.memory_space<vmem_shared>> -> memref<10008x64xf32, #tpu.memory_space<vmem_shared>>
      tpu.wait_indirect_dma semaphore(%arg25 : memref<!tpu.dma_semaphore, #tpu.memory_space<semaphore_mem>>) src(%arg13 : memref<128x64xf32, #tpu.memory_space<vmem>>) dst(%dma_wait3A_412 : memref<10008x64xf32, #tpu.memory_space<vmem_shared>>)
      %add3A_413 = arith.constant 3 : i32
      %add3A_414 = arith.addi %add3A_390, %add3A_413 : i32
      %dma_start3A_415 = arith.constant 0 : i32
      %dma_start3A_416 = tpu.memref_slice %arg7[%add3A_414, %dma_start3A_415] : memref<162x128xi32, #tpu.memory_space<vmem>> -> memref<1x128xi32, #tpu.memory_space<vmem>>
      %dma_start3A_417 = tpu.memref_squeeze %dma_start3A_416 : memref<1x128xi32, #tpu.memory_space<vmem>> -> memref<128xi32, #tpu.memory_space<vmem>>
      %dma_start3A_418 = arith.constant 0 : i32
      %dma_start3A_419 = arith.constant 0 : i32
      %dma_start3A_420 = tpu.memref_slice %arg2[%arg0, %dma_start3A_418, %dma_start3A_419] : memref<2x10000x64xf32, #tpu.memory_space<hbm>> -> memref<1x10000x64xf32, #tpu.memory_space<hbm>>
      %dma_start3A_421 = tpu.memref_squeeze %dma_start3A_420 : memref<1x10000x64xf32, #tpu.memory_space<hbm>> -> memref<10000x64xf32, #tpu.memory_space<hbm>>
      %dma_start3A_422 = arith.constant 0 : i32
      %dma_start3A_423 = arith.constant 0 : i32
      %dma_start3A_424 = tpu.memref_slice %dma_start3A_421[%dma_start3A_422, %dma_start3A_423] : memref<10000x64xf32, #tpu.memory_space<hbm>> -> memref<10000x64xf32, #tpu.memory_space<hbm>>
      tpu.enqueue_indirect_dma source(%dma_start3A_424 : memref<10000x64xf32, #tpu.memory_space<hbm>>) target(%arg13 : memref<128x64xf32, #tpu.memory_space<vmem>>) offsets(%dma_start3A_417 : memref<128xi32, #tpu.memory_space<vmem>>) semaphore(%arg19 : memref<!tpu.dma_semaphore, #tpu.memory_space<semaphore_mem>>)
      %mul3A_425 = arith.constant 6 : i32
      %mul3A_426 = arith.muli %mul3A_425, %scan3A_224 : i32
      %add3A_427 = arith.constant 3 : i32
      %add3A_428 = arith.addi %add3A_427, %mul3A_426 : i32
      %add3A_429 = arith.constant 5 : i32
      %add3A_430 = arith.addi %add3A_428, %add3A_429 : i32
      %dma_wait3A_431 = arith.constant 0 : i32
      %dma_wait3A_432 = tpu.memref_slice %arg7[%add3A_430, %dma_wait3A_431] : memref<162x128xi32, #tpu.memory_space<vmem>> -> memref<1x128xi32, #tpu.memory_space<vmem>>
      %dma_wait3A_433 = tpu.memref_squeeze %dma_wait3A_432 : memref<1x128xi32, #tpu.memory_space<vmem>> -> memref<128xi32, #tpu.memory_space<vmem>>
      %dma_wait3A_434 = arith.constant 0 : i32
      %dma_wait3A_435 = arith.constant 0 : i32
      %dma_wait3A_436 = tpu.memref_slice %arg2[%arg0, %dma_wait3A_434, %dma_wait3A_435] : memref<2x10000x64xf32, #tpu.memory_space<hbm>> -> memref<1x10000x64xf32, #tpu.memory_space<hbm>>
      %dma_wait3A_437 = tpu.memref_squeeze %dma_wait3A_436 : memref<1x10000x64xf32, #tpu.memory_space<hbm>> -> memref<10000x64xf32, #tpu.memory_space<hbm>>
      %dma_wait3A_438 = arith.constant 0 : i32
      %dma_wait3A_439 = arith.constant 0 : i32
      %dma_wait3A_440 = tpu.memref_slice %dma_wait3A_437[%dma_wait3A_438, %dma_wait3A_439] : memref<10000x64xf32, #tpu.memory_space<hbm>> -> memref<10000x64xf32, #tpu.memory_space<hbm>>
      tpu.wait_indirect_dma semaphore(%arg17 : memref<!tpu.dma_semaphore, #tpu.memory_space<semaphore_mem>>) src(%dma_wait3A_440 : memref<10000x64xf32, #tpu.memory_space<hbm>>) dst(%arg11 : memref<128x64xf32, #tpu.memory_space<vmem>>)
      %dma_start3A_441 = arith.constant 0 : i32
      %dma_start3A_442 = tpu.memref_slice %arg8[%add3A_430, %dma_start3A_441] : memref<162x128xi32, #tpu.memory_space<vmem>> -> memref<1x128xi32, #tpu.memory_space<vmem>>
      %dma_start3A_443 = tpu.memref_squeeze %dma_start3A_442 : memref<1x128xi32, #tpu.memory_space<vmem>> -> memref<128xi32, #tpu.memory_space<vmem>>
      %dma_start3A_444 = arith.constant 0 : i32
      %dma_start3A_445 = arith.constant 0 : i32
      %dma_start3A_446 = tpu.memref_slice %arg6[%dma_start3A_444, %dma_start3A_445] : memref<10008x64xf32, #tpu.memory_space<vmem_shared>> -> memref<10008x64xf32, #tpu.memory_space<vmem_shared>>
      tpu.enqueue_indirect_dma source(%arg11 : memref<128x64xf32, #tpu.memory_space<vmem>>) target(%dma_start3A_446 : memref<10008x64xf32, #tpu.memory_space<vmem_shared>>) offsets(%dma_start3A_443 : memref<128xi32, #tpu.memory_space<vmem>>) semaphore(%arg23 : memref<!tpu.dma_semaphore, #tpu.memory_space<semaphore_mem>>) {add = true}
      %dma_wait3A_447 = arith.constant 0 : i32
      %dma_wait3A_448 = tpu.memref_slice %arg8[%add3A_430, %dma_wait3A_447] : memref<162x128xi32, #tpu.memory_space<vmem>> -> memref<1x128xi32, #tpu.memory_space<vmem>>
      %dma_wait3A_449 = tpu.memref_squeeze %dma_wait3A_448 : memref<1x128xi32, #tpu.memory_space<vmem>> -> memref<128xi32, #tpu.memory_space<vmem>>
      %dma_wait3A_450 = arith.constant 0 : i32
      %dma_wait3A_451 = arith.constant 0 : i32
      %dma_wait3A_452 = tpu.memref_slice %arg6[%dma_wait3A_450, %dma_wait3A_451] : memref<10008x64xf32, #tpu.memory_space<vmem_shared>> -> memref<10008x64xf32, #tpu.memory_space<vmem_shared>>
      tpu.wait_indirect_dma semaphore(%arg26 : memref<!tpu.dma_semaphore, #tpu.memory_space<semaphore_mem>>) src(%arg14 : memref<128x64xf32, #tpu.memory_space<vmem>>) dst(%dma_wait3A_452 : memref<10008x64xf32, #tpu.memory_space<vmem_shared>>)
      %add3A_453 = arith.constant 3 : i32
      %add3A_454 = arith.addi %add3A_430, %add3A_453 : i32
      %dma_start3A_455 = arith.constant 0 : i32
      %dma_start3A_456 = tpu.memref_slice %arg7[%add3A_454, %dma_start3A_455] : memref<162x128xi32, #tpu.memory_space<vmem>> -> memref<1x128xi32, #tpu.memory_space<vmem>>
      %dma_start3A_457 = tpu.memref_squeeze %dma_start3A_456 : memref<1x128xi32, #tpu.memory_space<vmem>> -> memref<128xi32, #tpu.memory_space<vmem>>
      %dma_start3A_458 = arith.constant 0 : i32
      %dma_start3A_459 = arith.constant 0 : i32
      %dma_start3A_460 = tpu.memref_slice %arg2[%arg0, %dma_start3A_458, %dma_start3A_459] : memref<2x10000x64xf32, #tpu.memory_space<hbm>> -> memref<1x10000x64xf32, #tpu.memory_space<hbm>>
      %dma_start3A_461 = tpu.memref_squeeze %dma_start3A_460 : memref<1x10000x64xf32, #tpu.memory_space<hbm>> -> memref<10000x64xf32, #tpu.memory_space<hbm>>
      %dma_start3A_462 = arith.constant 0 : i32
      %dma_start3A_463 = arith.constant 0 : i32
      %dma_start3A_464 = tpu.memref_slice %dma_start3A_461[%dma_start3A_462, %dma_start3A_463] : memref<10000x64xf32, #tpu.memory_space<hbm>> -> memref<10000x64xf32, #tpu.memory_space<hbm>>
      tpu.enqueue_indirect_dma source(%dma_start3A_464 : memref<10000x64xf32, #tpu.memory_space<hbm>>) target(%arg14 : memref<128x64xf32, #tpu.memory_space<vmem>>) offsets(%dma_start3A_457 : memref<128xi32, #tpu.memory_space<vmem>>) semaphore(%arg20 : memref<!tpu.dma_semaphore, #tpu.memory_space<semaphore_mem>>)
      %scan3A_465 = arith.constant 0 : i32
      scf.yield %scan3A_465 : i32
    }
    %scan3A_126 = arith.constant 26 : i32
    %dma_wait3A_127 = arith.constant 159 : i32
    %dma_wait3A_128 = arith.constant 0 : i32
    %dma_wait3A_129 = tpu.memref_slice %arg7[%dma_wait3A_127, %dma_wait3A_128] : memref<162x128xi32, #tpu.memory_space<vmem>> -> memref<1x128xi32, #tpu.memory_space<vmem>>
    %dma_wait3A_130 = tpu.memref_squeeze %dma_wait3A_129 : memref<1x128xi32, #tpu.memory_space<vmem>> -> memref<128xi32, #tpu.memory_space<vmem>>
    %dma_wait3A_131 = arith.constant 0 : i32
    %dma_wait3A_132 = arith.constant 0 : i32
    %dma_wait3A_133 = tpu.memref_slice %arg2[%arg0, %dma_wait3A_131, %dma_wait3A_132] : memref<2x10000x64xf32, #tpu.memory_space<hbm>> -> memref<1x10000x64xf32, #tpu.memory_space<hbm>>
    %dma_wait3A_134 = tpu.memref_squeeze %dma_wait3A_133 : memref<1x10000x64xf32, #tpu.memory_space<hbm>> -> memref<10000x64xf32, #tpu.memory_space<hbm>>
    %dma_wait3A_135 = arith.constant 0 : i32
    %dma_wait3A_136 = arith.constant 0 : i32
    %dma_wait3A_137 = tpu.memref_slice %dma_wait3A_134[%dma_wait3A_135, %dma_wait3A_136] : memref<10000x64xf32, #tpu.memory_space<hbm>> -> memref<10000x64xf32, #tpu.memory_space<hbm>>
    tpu.wait_indirect_dma semaphore(%arg18 : memref<!tpu.dma_semaphore, #tpu.memory_space<semaphore_mem>>) src(%dma_wait3A_137 : memref<10000x64xf32, #tpu.memory_space<hbm>>) dst(%arg12 : memref<128x64xf32, #tpu.memory_space<vmem>>)
    %dma_start3A_138 = arith.constant 159 : i32
    %dma_start3A_139 = arith.constant 0 : i32
    %dma_start3A_140 = tpu.memref_slice %arg8[%dma_start3A_138, %dma_start3A_139] : memref<162x128xi32, #tpu.memory_space<vmem>> -> memref<1x128xi32, #tpu.memory_space<vmem>>
    %dma_start3A_141 = tpu.memref_squeeze %dma_start3A_140 : memref<1x128xi32, #tpu.memory_space<vmem>> -> memref<128xi32, #tpu.memory_space<vmem>>
    %dma_start3A_142 = arith.constant 0 : i32
    %dma_start3A_143 = arith.constant 0 : i32
    %dma_start3A_144 = tpu.memref_slice %arg6[%dma_start3A_142, %dma_start3A_143] : memref<10008x64xf32, #tpu.memory_space<vmem_shared>> -> memref<10008x64xf32, #tpu.memory_space<vmem_shared>>
    tpu.enqueue_indirect_dma source(%arg12 : memref<128x64xf32, #tpu.memory_space<vmem>>) target(%dma_start3A_144 : memref<10008x64xf32, #tpu.memory_space<vmem_shared>>) offsets(%dma_start3A_141 : memref<128xi32, #tpu.memory_space<vmem>>) semaphore(%arg24 : memref<!tpu.dma_semaphore, #tpu.memory_space<semaphore_mem>>) {add = true}
    %dma_wait3A_145 = arith.constant 160 : i32
    %dma_wait3A_146 = arith.constant 0 : i32
    %dma_wait3A_147 = tpu.memref_slice %arg7[%dma_wait3A_145, %dma_wait3A_146] : memref<162x128xi32, #tpu.memory_space<vmem>> -> memref<1x128xi32, #tpu.memory_space<vmem>>
    %dma_wait3A_148 = tpu.memref_squeeze %dma_wait3A_147 : memref<1x128xi32, #tpu.memory_space<vmem>> -> memref<128xi32, #tpu.memory_space<vmem>>
    %dma_wait3A_149 = arith.constant 0 : i32
    %dma_wait3A_150 = arith.constant 0 : i32
    %dma_wait3A_151 = tpu.memref_slice %arg2[%arg0, %dma_wait3A_149, %dma_wait3A_150] : memref<2x10000x64xf32, #tpu.memory_space<hbm>> -> memref<1x10000x64xf32, #tpu.memory_space<hbm>>
    %dma_wait3A_152 = tpu.memref_squeeze %dma_wait3A_151 : memref<1x10000x64xf32, #tpu.memory_space<hbm>> -> memref<10000x64xf32, #tpu.memory_space<hbm>>
    %dma_wait3A_153 = arith.constant 0 : i32
    %dma_wait3A_154 = arith.constant 0 : i32
    %dma_wait3A_155 = tpu.memref_slice %dma_wait3A_152[%dma_wait3A_153, %dma_wait3A_154] : memref<10000x64xf32, #tpu.memory_space<hbm>> -> memref<10000x64xf32, #tpu.memory_space<hbm>>
    tpu.wait_indirect_dma semaphore(%arg19 : memref<!tpu.dma_semaphore, #tpu.memory_space<semaphore_mem>>) src(%dma_wait3A_155 : memref<10000x64xf32, #tpu.memory_space<hbm>>) dst(%arg13 : memref<128x64xf32, #tpu.memory_space<vmem>>)
    %dma_start3A_156 = arith.constant 160 : i32
    %dma_start3A_157 = arith.constant 0 : i32
    %dma_start3A_158 = tpu.memref_slice %arg8[%dma_start3A_156, %dma_start3A_157] : memref<162x128xi32, #tpu.memory_space<vmem>> -> memref<1x128xi32, #tpu.memory_space<vmem>>
    %dma_start3A_159 = tpu.memref_squeeze %dma_start3A_158 : memref<1x128xi32, #tpu.memory_space<vmem>> -> memref<128xi32, #tpu.memory_space<vmem>>
    %dma_start3A_160 = arith.constant 0 : i32
    %dma_start3A_161 = arith.constant 0 : i32
    %dma_start3A_162 = tpu.memref_slice %arg6[%dma_start3A_160, %dma_start3A_161] : memref<10008x64xf32, #tpu.memory_space<vmem_shared>> -> memref<10008x64xf32, #tpu.memory_space<vmem_shared>>
    tpu.enqueue_indirect_dma source(%arg13 : memref<128x64xf32, #tpu.memory_space<vmem>>) target(%dma_start3A_162 : memref<10008x64xf32, #tpu.memory_space<vmem_shared>>) offsets(%dma_start3A_159 : memref<128xi32, #tpu.memory_space<vmem>>) semaphore(%arg25 : memref<!tpu.dma_semaphore, #tpu.memory_space<semaphore_mem>>) {add = true}
    %dma_wait3A_163 = arith.constant 161 : i32
    %dma_wait3A_164 = arith.constant 0 : i32
    %dma_wait3A_165 = tpu.memref_slice %arg7[%dma_wait3A_163, %dma_wait3A_164] : memref<162x128xi32, #tpu.memory_space<vmem>> -> memref<1x128xi32, #tpu.memory_space<vmem>>
    %dma_wait3A_166 = tpu.memref_squeeze %dma_wait3A_165 : memref<1x128xi32, #tpu.memory_space<vmem>> -> memref<128xi32, #tpu.memory_space<vmem>>
    %dma_wait3A_167 = arith.constant 0 : i32
    %dma_wait3A_168 = arith.constant 0 : i32
    %dma_wait3A_169 = tpu.memref_slice %arg2[%arg0, %dma_wait3A_167, %dma_wait3A_168] : memref<2x10000x64xf32, #tpu.memory_space<hbm>> -> memref<1x10000x64xf32, #tpu.memory_space<hbm>>
    %dma_wait3A_170 = tpu.memref_squeeze %dma_wait3A_169 : memref<1x10000x64xf32, #tpu.memory_space<hbm>> -> memref<10000x64xf32, #tpu.memory_space<hbm>>
    %dma_wait3A_171 = arith.constant 0 : i32
    %dma_wait3A_172 = arith.constant 0 : i32
    %dma_wait3A_173 = tpu.memref_slice %dma_wait3A_170[%dma_wait3A_171, %dma_wait3A_172] : memref<10000x64xf32, #tpu.memory_space<hbm>> -> memref<10000x64xf32, #tpu.memory_space<hbm>>
    tpu.wait_indirect_dma semaphore(%arg20 : memref<!tpu.dma_semaphore, #tpu.memory_space<semaphore_mem>>) src(%dma_wait3A_173 : memref<10000x64xf32, #tpu.memory_space<hbm>>) dst(%arg14 : memref<128x64xf32, #tpu.memory_space<vmem>>)
    %dma_start3A_174 = arith.constant 161 : i32
    %dma_start3A_175 = arith.constant 0 : i32
    %dma_start3A_176 = tpu.memref_slice %arg8[%dma_start3A_174, %dma_start3A_175] : memref<162x128xi32, #tpu.memory_space<vmem>> -> memref<1x128xi32, #tpu.memory_space<vmem>>
    %dma_start3A_177 = tpu.memref_squeeze %dma_start3A_176 : memref<1x128xi32, #tpu.memory_space<vmem>> -> memref<128xi32, #tpu.memory_space<vmem>>
    %dma_start3A_178 = arith.constant 0 : i32
    %dma_start3A_179 = arith.constant 0 : i32
    %dma_start3A_180 = tpu.memref_slice %arg6[%dma_start3A_178, %dma_start3A_179] : memref<10008x64xf32, #tpu.memory_space<vmem_shared>> -> memref<10008x64xf32, #tpu.memory_space<vmem_shared>>
    tpu.enqueue_indirect_dma source(%arg14 : memref<128x64xf32, #tpu.memory_space<vmem>>) target(%dma_start3A_180 : memref<10008x64xf32, #tpu.memory_space<vmem_shared>>) offsets(%dma_start3A_177 : memref<128xi32, #tpu.memory_space<vmem>>) semaphore(%arg26 : memref<!tpu.dma_semaphore, #tpu.memory_space<semaphore_mem>>) {add = true}
    %dma_wait3A_181 = arith.constant 0 : i32
    %dma_wait3A_182 = arith.constant 0 : i32
    %dma_wait3A_183 = tpu.memref_slice %arg8[%dma_wait3A_181, %dma_wait3A_182] : memref<162x128xi32, #tpu.memory_space<vmem>> -> memref<1x128xi32, #tpu.memory_space<vmem>>
    %dma_wait3A_184 = tpu.memref_squeeze %dma_wait3A_183 : memref<1x128xi32, #tpu.memory_space<vmem>> -> memref<128xi32, #tpu.memory_space<vmem>>
    %dma_wait3A_185 = arith.constant 0 : i32
    %dma_wait3A_186 = arith.constant 0 : i32
    %dma_wait3A_187 = tpu.memref_slice %arg6[%dma_wait3A_185, %dma_wait3A_186] : memref<10008x64xf32, #tpu.memory_space<vmem_shared>> -> memref<10008x64xf32, #tpu.memory_space<vmem_shared>>
    tpu.wait_indirect_dma semaphore(%arg21 : memref<!tpu.dma_semaphore, #tpu.memory_space<semaphore_mem>>) src(%arg9 : memref<128x64xf32, #tpu.memory_space<vmem>>) dst(%dma_wait3A_187 : memref<10008x64xf32, #tpu.memory_space<vmem_shared>>)
    %dma_wait3A_188 = arith.constant 0 : i32
    %dma_wait3A_189 = arith.constant 0 : i32
    %dma_wait3A_190 = tpu.memref_slice %arg8[%dma_wait3A_188, %dma_wait3A_189] : memref<162x128xi32, #tpu.memory_space<vmem>> -> memref<1x128xi32, #tpu.memory_space<vmem>>
    %dma_wait3A_191 = tpu.memref_squeeze %dma_wait3A_190 : memref<1x128xi32, #tpu.memory_space<vmem>> -> memref<128xi32, #tpu.memory_space<vmem>>
    %dma_wait3A_192 = arith.constant 0 : i32
    %dma_wait3A_193 = arith.constant 0 : i32
    %dma_wait3A_194 = tpu.memref_slice %arg6[%dma_wait3A_192, %dma_wait3A_193] : memref<10008x64xf32, #tpu.memory_space<vmem_shared>> -> memref<10008x64xf32, #tpu.memory_space<vmem_shared>>
    tpu.wait_indirect_dma semaphore(%arg22 : memref<!tpu.dma_semaphore, #tpu.memory_space<semaphore_mem>>) src(%arg10 : memref<128x64xf32, #tpu.memory_space<vmem>>) dst(%dma_wait3A_194 : memref<10008x64xf32, #tpu.memory_space<vmem_shared>>)
    %dma_wait3A_195 = arith.constant 0 : i32
    %dma_wait3A_196 = arith.constant 0 : i32
    %dma_wait3A_197 = tpu.memref_slice %arg8[%dma_wait3A_195, %dma_wait3A_196] : memref<162x128xi32, #tpu.memory_space<vmem>> -> memref<1x128xi32, #tpu.memory_space<vmem>>
    %dma_wait3A_198 = tpu.memref_squeeze %dma_wait3A_197 : memref<1x128xi32, #tpu.memory_space<vmem>> -> memref<128xi32, #tpu.memory_space<vmem>>
    %dma_wait3A_199 = arith.constant 0 : i32
    %dma_wait3A_200 = arith.constant 0 : i32
    %dma_wait3A_201 = tpu.memref_slice %arg6[%dma_wait3A_199, %dma_wait3A_200] : memref<10008x64xf32, #tpu.memory_space<vmem_shared>> -> memref<10008x64xf32, #tpu.memory_space<vmem_shared>>
    tpu.wait_indirect_dma semaphore(%arg23 : memref<!tpu.dma_semaphore, #tpu.memory_space<semaphore_mem>>) src(%arg11 : memref<128x64xf32, #tpu.memory_space<vmem>>) dst(%dma_wait3A_201 : memref<10008x64xf32, #tpu.memory_space<vmem_shared>>)
    %dma_wait3A_202 = arith.constant 0 : i32
    %dma_wait3A_203 = arith.constant 0 : i32
    %dma_wait3A_204 = tpu.memref_slice %arg8[%dma_wait3A_202, %dma_wait3A_203] : memref<162x128xi32, #tpu.memory_space<vmem>> -> memref<1x128xi32, #tpu.memory_space<vmem>>
    %dma_wait3A_205 = tpu.memref_squeeze %dma_wait3A_204 : memref<1x128xi32, #tpu.memory_space<vmem>> -> memref<128xi32, #tpu.memory_space<vmem>>
    %dma_wait3A_206 = arith.constant 0 : i32
    %dma_wait3A_207 = arith.constant 0 : i32
    %dma_wait3A_208 = tpu.memref_slice %arg6[%dma_wait3A_206, %dma_wait3A_207] : memref<10008x64xf32, #tpu.memory_space<vmem_shared>> -> memref<10008x64xf32, #tpu.memory_space<vmem_shared>>
    tpu.wait_indirect_dma semaphore(%arg24 : memref<!tpu.dma_semaphore, #tpu.memory_space<semaphore_mem>>) src(%arg12 : memref<128x64xf32, #tpu.memory_space<vmem>>) dst(%dma_wait3A_208 : memref<10008x64xf32, #tpu.memory_space<vmem_shared>>)
    %dma_wait3A_209 = arith.constant 0 : i32
    %dma_wait3A_210 = arith.constant 0 : i32
    %dma_wait3A_211 = tpu.memref_slice %arg8[%dma_wait3A_209, %dma_wait3A_210] : memref<162x128xi32, #tpu.memory_space<vmem>> -> memref<1x128xi32, #tpu.memory_space<vmem>>
    %dma_wait3A_212 = tpu.memref_squeeze %dma_wait3A_211 : memref<1x128xi32, #tpu.memory_space<vmem>> -> memref<128xi32, #tpu.memory_space<vmem>>
    %dma_wait3A_213 = arith.constant 0 : i32
    %dma_wait3A_214 = arith.constant 0 : i32
    %dma_wait3A_215 = tpu.memref_slice %arg6[%dma_wait3A_213, %dma_wait3A_214] : memref<10008x64xf32, #tpu.memory_space<vmem_shared>> -> memref<10008x64xf32, #tpu.memory_space<vmem_shared>>
    tpu.wait_indirect_dma semaphore(%arg25 : memref<!tpu.dma_semaphore, #tpu.memory_space<semaphore_mem>>) src(%arg13 : memref<128x64xf32, #tpu.memory_space<vmem>>) dst(%dma_wait3A_215 : memref<10008x64xf32, #tpu.memory_space<vmem_shared>>)
    %dma_wait3A_216 = arith.constant 0 : i32
    %dma_wait3A_217 = arith.constant 0 : i32
    %dma_wait3A_218 = tpu.memref_slice %arg8[%dma_wait3A_216, %dma_wait3A_217] : memref<162x128xi32, #tpu.memory_space<vmem>> -> memref<1x128xi32, #tpu.memory_space<vmem>>
    %dma_wait3A_219 = tpu.memref_squeeze %dma_wait3A_218 : memref<1x128xi32, #tpu.memory_space<vmem>> -> memref<128xi32, #tpu.memory_space<vmem>>
    %dma_wait3A_220 = arith.constant 0 : i32
    %dma_wait3A_221 = arith.constant 0 : i32
    %dma_wait3A_222 = tpu.memref_slice %arg6[%dma_wait3A_220, %dma_wait3A_221] : memref<10008x64xf32, #tpu.memory_space<vmem_shared>> -> memref<10008x64xf32, #tpu.memory_space<vmem_shared>>
    tpu.wait_indirect_dma semaphore(%arg26 : memref<!tpu.dma_semaphore, #tpu.memory_space<semaphore_mem>>) src(%arg14 : memref<128x64xf32, #tpu.memory_space<vmem>>) dst(%dma_wait3A_222 : memref<10008x64xf32, #tpu.memory_space<vmem_shared>>)
    %barrier3A_223 = arith.constant 0 : index
    tpu.barrier barrier_id(%barrier3A_223)
    "tpu.region"() ({
      %run_scoped3A = tpu.sem_alloc : memref<!tpu.dma_semaphore, #tpu.memory_space<semaphore_mem>>
      %dma_start3A_224 = tpu.memref_slice %arg5[%mul3A_2, %mul3A_0] : memref<10000x128xf32, #tpu.memory_space<hbm>> -> memref<625x64xf32, #tpu.memory_space<hbm>>
      %dma_start3A_225 = arith.constant 0 : i32
      %dma_start3A_226 = tpu.memref_slice %arg6[%mul3A_2, %dma_start3A_225] : memref<10008x64xf32, #tpu.memory_space<vmem_shared>> -> memref<625x64xf32, #tpu.memory_space<vmem_shared>>
      tpu.enqueue_dma source(%dma_start3A_226 : memref<625x64xf32, #tpu.memory_space<vmem_shared>>) target(%dma_start3A_224 : memref<625x64xf32, #tpu.memory_space<hbm>>) target_semaphore(%run_scoped3A : memref<!tpu.dma_semaphore, #tpu.memory_space<semaphore_mem>>)
      %dma_wait3A_227 = tpu.memref_slice %arg5[%mul3A_2, %mul3A_0] : memref<10000x128xf32, #tpu.memory_space<hbm>> -> memref<625x64xf32, #tpu.memory_space<hbm>>
      %dma_wait3A_228 = arith.constant 0 : i32
      %dma_wait3A_229 = tpu.memref_slice %arg6[%mul3A_2, %dma_wait3A_228] : memref<10008x64xf32, #tpu.memory_space<vmem_shared>> -> memref<625x64xf32, #tpu.memory_space<vmem_shared>>
      tpu.wait_dma2 semaphore(%run_scoped3A : memref<!tpu.dma_semaphore, #tpu.memory_space<semaphore_mem>>) src(%dma_wait3A_229 : memref<625x64xf32, #tpu.memory_space<vmem_shared>>) dst(%dma_wait3A_227 : memref<625x64xf32, #tpu.memory_space<hbm>>)
      tpu.yield
    }) : () -> ()
    return
  }
}

#map = affine_map<(d0, d1) -> (0, 0, 0)>
#map1 = affine_map<(d0, d1) -> (0, 0)>
module attributes {stable_mosaic.version = 14 : i64} {
  func.func @_conv_sc_body(%arg0: i32, %arg1: i32, %arg2: memref<2x10000x64xf32, #tpu.memory_space<hbm>>, %arg3: memref<16x162x128xi32, #tpu.memory_space<hbm>>, %arg4: memref<16x162x128xi32, #tpu.memory_space<hbm>>, %arg5: memref<10000x128xf32, #tpu.memory_space<hbm>>, %arg6: memref<10008x64xf32, #tpu.memory_space<vmem_shared>>, %arg7: memref<162x128xi32, #tpu.memory_space<vmem>>, %arg8: memref<162x128xi32, #tpu.memory_space<vmem>>, %arg9: memref<128x64xf32, #tpu.memory_space<vmem>>, %arg10: memref<128x64xf32, #tpu.memory_space<vmem>>, %arg11: memref<128x64xf32, #tpu.memory_space<vmem>>, %arg12: memref<128x64xf32, #tpu.memory_space<vmem>>, %arg13: memref<128x64xf32, #tpu.memory_space<vmem>>, %arg14: memref<128x64xf32, #tpu.memory_space<vmem>>, %arg15: memref<!tpu.dma_semaphore, #tpu.memory_space<semaphore_mem>>, %arg16: memref<!tpu.dma_semaphore, #tpu.memory_space<semaphore_mem>>, %arg17: memref<!tpu.dma_semaphore, #tpu.memory_space<semaphore_mem>>, %arg18: memref<!tpu.dma_semaphore, #tpu.memory_space<semaphore_mem>>, %arg19: memref<!tpu.dma_semaphore, #tpu.memory_space<semaphore_mem>>, %arg20: memref<!tpu.dma_semaphore, #tpu.memory_space<semaphore_mem>>, %arg21: memref<!tpu.dma_semaphore, #tpu.memory_space<semaphore_mem>>, %arg22: memref<!tpu.dma_semaphore, #tpu.memory_space<semaphore_mem>>, %arg23: memref<!tpu.dma_semaphore, #tpu.memory_space<semaphore_mem>>, %arg24: memref<!tpu.dma_semaphore, #tpu.memory_space<semaphore_mem>>, %arg25: memref<!tpu.dma_semaphore, #tpu.memory_space<semaphore_mem>>, %arg26: memref<!tpu.dma_semaphore, #tpu.memory_space<semaphore_mem>>) attributes {dimension_semantics = [#tpu.dimension_semantics<core_parallel>, #tpu.dimension_semantics<subcore_parallel>], iteration_bounds = array<i64: 2, 16>, scalar_prefetch = 0 : i64, scratch_operands = 21 : i64, tpu.core_type = #tpu.core_type<sc_vector_subcore>, window_params = [{transform_indices = #map}, {transform_indices = #map}, {transform_indices = #map}, {transform_indices = #map1}]} {
    %mul3A = arith.constant 64 : i32
    %mul3A_0 = arith.muli %arg0, %mul3A : i32
    %mul3A_1 = arith.constant 625 : i32
    %mul3A_2 = arith.muli %arg1, %mul3A_1 : i32
    "tpu.region"() ({
      %run_scoped3A = tpu.sem_alloc : memref<!tpu.dma_semaphore, #tpu.memory_space<semaphore_mem>>
      %dma_start3A_224 = arith.constant 0 : i32
      %dma_start3A_225 = tpu.memref_slice %arg6[%mul3A_2, %dma_start3A_224] : memref<10008x64xf32, #tpu.memory_space<vmem_shared>> -> memref<625x64xf32, #tpu.memory_space<vmem_shared>>
      %dma_start3A_226 = arith.constant 0 : i32
      %dma_start3A_227 = arith.constant 0 : i32
      %dma_start3A_228 = tpu.memref_slice %arg2[%arg0, %dma_start3A_226, %dma_start3A_227] : memref<2x10000x64xf32, #tpu.memory_space<hbm>> -> memref<1x10000x64xf32, #tpu.memory_space<hbm>>
      %dma_start3A_229 = tpu.memref_squeeze %dma_start3A_228 : memref<1x10000x64xf32, #tpu.memory_space<hbm>> -> memref<10000x64xf32, #tpu.memory_space<hbm>>
      %dma_start3A_230 = arith.constant 0 : i32
      %dma_start3A_231 = tpu.memref_slice %dma_start3A_229[%mul3A_2, %dma_start3A_230] : memref<10000x64xf32, #tpu.memory_space<hbm>> -> memref<625x64xf32, #tpu.memory_space<hbm>>
      tpu.enqueue_dma source(%dma_start3A_231 : memref<625x64xf32, #tpu.memory_space<hbm>>) target(%dma_start3A_225 : memref<625x64xf32, #tpu.memory_space<vmem_shared>>) target_semaphore(%run_scoped3A : memref<!tpu.dma_semaphore, #tpu.memory_space<semaphore_mem>>)
      %dma_wait3A_232 = arith.constant 0 : i32
      %dma_wait3A_233 = tpu.memref_slice %arg6[%mul3A_2, %dma_wait3A_232] : memref<10008x64xf32, #tpu.memory_space<vmem_shared>> -> memref<625x64xf32, #tpu.memory_space<vmem_shared>>
      %dma_wait3A_234 = arith.constant 0 : i32
      %dma_wait3A_235 = arith.constant 0 : i32
      %dma_wait3A_236 = tpu.memref_slice %arg2[%arg0, %dma_wait3A_234, %dma_wait3A_235] : memref<2x10000x64xf32, #tpu.memory_space<hbm>> -> memref<1x10000x64xf32, #tpu.memory_space<hbm>>
      %dma_wait3A_237 = tpu.memref_squeeze %dma_wait3A_236 : memref<1x10000x64xf32, #tpu.memory_space<hbm>> -> memref<10000x64xf32, #tpu.memory_space<hbm>>
      %dma_wait3A_238 = arith.constant 0 : i32
      %dma_wait3A_239 = tpu.memref_slice %dma_wait3A_237[%mul3A_2, %dma_wait3A_238] : memref<10000x64xf32, #tpu.memory_space<hbm>> -> memref<625x64xf32, #tpu.memory_space<hbm>>
      tpu.wait_dma2 semaphore(%run_scoped3A : memref<!tpu.dma_semaphore, #tpu.memory_space<semaphore_mem>>) src(%dma_wait3A_239 : memref<625x64xf32, #tpu.memory_space<hbm>>) dst(%dma_wait3A_233 : memref<625x64xf32, #tpu.memory_space<vmem_shared>>)
      tpu.yield
    }) : () -> ()
    "tpu.region"() ({
      %run_scoped3A = tpu.sem_alloc : memref<!tpu.dma_semaphore, #tpu.memory_space<semaphore_mem>>
      %dma_start3A_224 = arith.constant 0 : i32
      %dma_start3A_225 = arith.constant 0 : i32
      %dma_start3A_226 = tpu.memref_slice %arg3[%arg1, %dma_start3A_224, %dma_start3A_225] : memref<16x162x128xi32, #tpu.memory_space<hbm>> -> memref<1x162x128xi32, #tpu.memory_space<hbm>>
      %dma_start3A_227 = tpu.memref_squeeze %dma_start3A_226 : memref<1x162x128xi32, #tpu.memory_space<hbm>> -> memref<162x128xi32, #tpu.memory_space<hbm>>
      %dma_start3A_228 = arith.constant 0 : i32
      %dma_start3A_229 = arith.constant 0 : i32
      %dma_start3A_230 = tpu.memref_slice %arg3[%arg1, %dma_start3A_228, %dma_start3A_229] : memref<16x162x128xi32, #tpu.memory_space<hbm>> -> memref<1x162x128xi32, #tpu.memory_space<hbm>>
      %dma_start3A_231 = tpu.memref_squeeze %dma_start3A_230 : memref<1x162x128xi32, #tpu.memory_space<hbm>> -> memref<162x128xi32, #tpu.memory_space<hbm>>
      tpu.enqueue_dma source(%dma_start3A_231 : memref<162x128xi32, #tpu.memory_space<hbm>>) target(%arg7 : memref<162x128xi32, #tpu.memory_space<vmem>>) target_semaphore(%run_scoped3A : memref<!tpu.dma_semaphore, #tpu.memory_space<semaphore_mem>>)
      %dma_wait3A_232 = arith.constant 0 : i32
      %dma_wait3A_233 = arith.constant 0 : i32
      %dma_wait3A_234 = tpu.memref_slice %arg3[%arg1, %dma_wait3A_232, %dma_wait3A_233] : memref<16x162x128xi32, #tpu.memory_space<hbm>> -> memref<1x162x128xi32, #tpu.memory_space<hbm>>
      %dma_wait3A_235 = tpu.memref_squeeze %dma_wait3A_234 : memref<1x162x128xi32, #tpu.memory_space<hbm>> -> memref<162x128xi32, #tpu.memory_space<hbm>>
      %dma_wait3A_236 = arith.constant 0 : i32
      %dma_wait3A_237 = arith.constant 0 : i32
      %dma_wait3A_238 = tpu.memref_slice %arg3[%arg1, %dma_wait3A_236, %dma_wait3A_237] : memref<16x162x128xi32, #tpu.memory_space<hbm>> -> memref<1x162x128xi32, #tpu.memory_space<hbm>>
      %dma_wait3A_239 = tpu.memref_squeeze %dma_wait3A_238 : memref<1x162x128xi32, #tpu.memory_space<hbm>> -> memref<162x128xi32, #tpu.memory_space<hbm>>
      tpu.wait_dma2 semaphore(%run_scoped3A : memref<!tpu.dma_semaphore, #tpu.memory_space<semaphore_mem>>) src(%dma_wait3A_239 : memref<162x128xi32, #tpu.memory_space<hbm>>) dst(%arg7 : memref<162x128xi32, #tpu.memory_space<vmem>>)
      tpu.yield
    }) : () -> ()
    "tpu.region"() ({
      %run_scoped3A = tpu.sem_alloc : memref<!tpu.dma_semaphore, #tpu.memory_space<semaphore_mem>>
      %dma_start3A_224 = arith.constant 0 : i32
      %dma_start3A_225 = arith.constant 0 : i32
      %dma_start3A_226 = tpu.memref_slice %arg4[%arg1, %dma_start3A_224, %dma_start3A_225] : memref<16x162x128xi32, #tpu.memory_space<hbm>> -> memref<1x162x128xi32, #tpu.memory_space<hbm>>
      %dma_start3A_227 = tpu.memref_squeeze %dma_start3A_226 : memref<1x162x128xi32, #tpu.memory_space<hbm>> -> memref<162x128xi32, #tpu.memory_space<hbm>>
      %dma_start3A_228 = arith.constant 0 : i32
      %dma_start3A_229 = arith.constant 0 : i32
      %dma_start3A_230 = tpu.memref_slice %arg4[%arg1, %dma_start3A_228, %dma_start3A_229] : memref<16x162x128xi32, #tpu.memory_space<hbm>> -> memref<1x162x128xi32, #tpu.memory_space<hbm>>
      %dma_start3A_231 = tpu.memref_squeeze %dma_start3A_230 : memref<1x162x128xi32, #tpu.memory_space<hbm>> -> memref<162x128xi32, #tpu.memory_space<hbm>>
      tpu.enqueue_dma source(%dma_start3A_231 : memref<162x128xi32, #tpu.memory_space<hbm>>) target(%arg8 : memref<162x128xi32, #tpu.memory_space<vmem>>) target_semaphore(%run_scoped3A : memref<!tpu.dma_semaphore, #tpu.memory_space<semaphore_mem>>)
      %dma_wait3A_232 = arith.constant 0 : i32
      %dma_wait3A_233 = arith.constant 0 : i32
      %dma_wait3A_234 = tpu.memref_slice %arg4[%arg1, %dma_wait3A_232, %dma_wait3A_233] : memref<16x162x128xi32, #tpu.memory_space<hbm>> -> memref<1x162x128xi32, #tpu.memory_space<hbm>>
      %dma_wait3A_235 = tpu.memref_squeeze %dma_wait3A_234 : memref<1x162x128xi32, #tpu.memory_space<hbm>> -> memref<162x128xi32, #tpu.memory_space<hbm>>
      %dma_wait3A_236 = arith.constant 0 : i32
      %dma_wait3A_237 = arith.constant 0 : i32
      %dma_wait3A_238 = tpu.memref_slice %arg4[%arg1, %dma_wait3A_236, %dma_wait3A_237] : memref<16x162x128xi32, #tpu.memory_space<hbm>> -> memref<1x162x128xi32, #tpu.memory_space<hbm>>
      %dma_wait3A_239 = tpu.memref_squeeze %dma_wait3A_238 : memref<1x162x128xi32, #tpu.memory_space<hbm>> -> memref<162x128xi32, #tpu.memory_space<hbm>>
      tpu.wait_dma2 semaphore(%run_scoped3A : memref<!tpu.dma_semaphore, #tpu.memory_space<semaphore_mem>>) src(%dma_wait3A_239 : memref<162x128xi32, #tpu.memory_space<hbm>>) dst(%arg8 : memref<162x128xi32, #tpu.memory_space<vmem>>)
      tpu.yield
    }) : () -> ()
    %barrier3A = arith.constant 0 : index
    tpu.barrier barrier_id(%barrier3A)
    %dma_start3A = arith.constant 0 : i32
    %dma_start3A_3 = arith.constant 0 : i32
    %dma_start3A_4 = tpu.memref_slice %arg7[%dma_start3A, %dma_start3A_3] : memref<162x128xi32, #tpu.memory_space<vmem>> -> memref<1x128xi32, #tpu.memory_space<vmem>>
    %dma_start3A_5 = tpu.memref_squeeze %dma_start3A_4 : memref<1x128xi32, #tpu.memory_space<vmem>> -> memref<128xi32, #tpu.memory_space<vmem>>
    %dma_start3A_6 = arith.constant 0 : i32
    %dma_start3A_7 = arith.constant 0 : i32
    %dma_start3A_8 = tpu.memref_slice %arg2[%arg0, %dma_start3A_6, %dma_start3A_7] : memref<2x10000x64xf32, #tpu.memory_space<hbm>> -> memref<1x10000x64xf32, #tpu.memory_space<hbm>>
    %dma_start3A_9 = tpu.memref_squeeze %dma_start3A_8 : memref<1x10000x64xf32, #tpu.memory_space<hbm>> -> memref<10000x64xf32, #tpu.memory_space<hbm>>
    %dma_start3A_10 = arith.constant 0 : i32
    %dma_start3A_11 = arith.constant 0 : i32
    %dma_start3A_12 = tpu.memref_slice %dma_start3A_9[%dma_start3A_10, %dma_start3A_11] : memref<10000x64xf32, #tpu.memory_space<hbm>> -> memref<10000x64xf32, #tpu.memory_space<hbm>>
    tpu.enqueue_indirect_dma source(%dma_start3A_12 : memref<10000x64xf32, #tpu.memory_space<hbm>>) target(%arg9 : memref<128x64xf32, #tpu.memory_space<vmem>>) offsets(%dma_start3A_5 : memref<128xi32, #tpu.memory_space<vmem>>) semaphore(%arg15 : memref<!tpu.dma_semaphore, #tpu.memory_space<semaphore_mem>>)
    %dma_start3A_13 = arith.constant 1 : i32
    %dma_start3A_14 = arith.constant 0 : i32
    %dma_start3A_15 = tpu.memref_slice %arg7[%dma_start3A_13, %dma_start3A_14] : memref<162x128xi32, #tpu.memory_space<vmem>> -> memref<1x128xi32, #tpu.memory_space<vmem>>
    %dma_start3A_16 = tpu.memref_squeeze %dma_start3A_15 : memref<1x128xi32, #tpu.memory_space<vmem>> -> memref<128xi32, #tpu.memory_space<vmem>>
    %dma_start3A_17 = arith.constant 0 : i32
    %dma_start3A_18 = arith.constant 0 : i32
    %dma_start3A_19 = tpu.memref_slice %arg2[%arg0, %dma_start3A_17, %dma_start3A_18] : memref<2x10000x64xf32, #tpu.memory_space<hbm>> -> memref<1x10000x64xf32, #tpu.memory_space<hbm>>
    %dma_start3A_20 = tpu.memref_squeeze %dma_start3A_19 : memref<1x10000x64xf32, #tpu.memory_space<hbm>> -> memref<10000x64xf32, #tpu.memory_space<hbm>>
    %dma_start3A_21 = arith.constant 0 : i32
    %dma_start3A_22 = arith.constant 0 : i32
    %dma_start3A_23 = tpu.memref_slice %dma_start3A_20[%dma_start3A_21, %dma_start3A_22] : memref<10000x64xf32, #tpu.memory_space<hbm>> -> memref<10000x64xf32, #tpu.memory_space<hbm>>
    tpu.enqueue_indirect_dma source(%dma_start3A_23 : memref<10000x64xf32, #tpu.memory_space<hbm>>) target(%arg10 : memref<128x64xf32, #tpu.memory_space<vmem>>) offsets(%dma_start3A_16 : memref<128xi32, #tpu.memory_space<vmem>>) semaphore(%arg16 : memref<!tpu.dma_semaphore, #tpu.memory_space<semaphore_mem>>)
    %dma_start3A_24 = arith.constant 2 : i32
    %dma_start3A_25 = arith.constant 0 : i32
    %dma_start3A_26 = tpu.memref_slice %arg7[%dma_start3A_24, %dma_start3A_25] : memref<162x128xi32, #tpu.memory_space<vmem>> -> memref<1x128xi32, #tpu.memory_space<vmem>>
    %dma_start3A_27 = tpu.memref_squeeze %dma_start3A_26 : memref<1x128xi32, #tpu.memory_space<vmem>> -> memref<128xi32, #tpu.memory_space<vmem>>
    %dma_start3A_28 = arith.constant 0 : i32
    %dma_start3A_29 = arith.constant 0 : i32
    %dma_start3A_30 = tpu.memref_slice %arg2[%arg0, %dma_start3A_28, %dma_start3A_29] : memref<2x10000x64xf32, #tpu.memory_space<hbm>> -> memref<1x10000x64xf32, #tpu.memory_space<hbm>>
    %dma_start3A_31 = tpu.memref_squeeze %dma_start3A_30 : memref<1x10000x64xf32, #tpu.memory_space<hbm>> -> memref<10000x64xf32, #tpu.memory_space<hbm>>
    %dma_start3A_32 = arith.constant 0 : i32
    %dma_start3A_33 = arith.constant 0 : i32
    %dma_start3A_34 = tpu.memref_slice %dma_start3A_31[%dma_start3A_32, %dma_start3A_33] : memref<10000x64xf32, #tpu.memory_space<hbm>> -> memref<10000x64xf32, #tpu.memory_space<hbm>>
    tpu.enqueue_indirect_dma source(%dma_start3A_34 : memref<10000x64xf32, #tpu.memory_space<hbm>>) target(%arg11 : memref<128x64xf32, #tpu.memory_space<vmem>>) offsets(%dma_start3A_27 : memref<128xi32, #tpu.memory_space<vmem>>) semaphore(%arg17 : memref<!tpu.dma_semaphore, #tpu.memory_space<semaphore_mem>>)
    %dma_wait3A = arith.constant 0 : i32
    %dma_wait3A_35 = arith.constant 0 : i32
    %dma_wait3A_36 = tpu.memref_slice %arg7[%dma_wait3A, %dma_wait3A_35] : memref<162x128xi32, #tpu.memory_space<vmem>> -> memref<1x128xi32, #tpu.memory_space<vmem>>
    %dma_wait3A_37 = tpu.memref_squeeze %dma_wait3A_36 : memref<1x128xi32, #tpu.memory_space<vmem>> -> memref<128xi32, #tpu.memory_space<vmem>>
    %dma_wait3A_38 = arith.constant 0 : i32
    %dma_wait3A_39 = arith.constant 0 : i32
    %dma_wait3A_40 = tpu.memref_slice %arg2[%arg0, %dma_wait3A_38, %dma_wait3A_39] : memref<2x10000x64xf32, #tpu.memory_space<hbm>> -> memref<1x10000x64xf32, #tpu.memory_space<hbm>>
    %dma_wait3A_41 = tpu.memref_squeeze %dma_wait3A_40 : memref<1x10000x64xf32, #tpu.memory_space<hbm>> -> memref<10000x64xf32, #tpu.memory_space<hbm>>
    %dma_wait3A_42 = arith.constant 0 : i32
    %dma_wait3A_43 = arith.constant 0 : i32
    %dma_wait3A_44 = tpu.memref_slice %dma_wait3A_41[%dma_wait3A_42, %dma_wait3A_43] : memref<10000x64xf32, #tpu.memory_space<hbm>> -> memref<10000x64xf32, #tpu.memory_space<hbm>>
    tpu.wait_indirect_dma semaphore(%arg15 : memref<!tpu.dma_semaphore, #tpu.memory_space<semaphore_mem>>) src(%dma_wait3A_44 : memref<10000x64xf32, #tpu.memory_space<hbm>>) dst(%arg9 : memref<128x64xf32, #tpu.memory_space<vmem>>)
    %dma_start3A_45 = arith.constant 0 : i32
    %dma_start3A_46 = arith.constant 0 : i32
    %dma_start3A_47 = tpu.memref_slice %arg8[%dma_start3A_45, %dma_start3A_46] : memref<162x128xi32, #tpu.memory_space<vmem>> -> memref<1x128xi32, #tpu.memory_space<vmem>>
    %dma_start3A_48 = tpu.memref_squeeze %dma_start3A_47 : memref<1x128xi32, #tpu.memory_space<vmem>> -> memref<128xi32, #tpu.memory_space<vmem>>
    %dma_start3A_49 = arith.constant 0 : i32
    %dma_start3A_50 = arith.constant 0 : i32
    %dma_start3A_51 = tpu.memref_slice %arg6[%dma_start3A_49, %dma_start3A_50] : memref<10008x64xf32, #tpu.memory_space<vmem_shared>> -> memref<10008x64xf32, #tpu.memory_space<vmem_shared>>
    tpu.enqueue_indirect_dma source(%arg9 : memref<128x64xf32, #tpu.memory_space<vmem>>) target(%dma_start3A_51 : memref<10008x64xf32, #tpu.memory_space<vmem_shared>>) offsets(%dma_start3A_48 : memref<128xi32, #tpu.memory_space<vmem>>) semaphore(%arg21 : memref<!tpu.dma_semaphore, #tpu.memory_space<semaphore_mem>>) {add = true}
    %dma_start3A_52 = arith.constant 3 : i32
    %dma_start3A_53 = arith.constant 0 : i32
    %dma_start3A_54 = tpu.memref_slice %arg7[%dma_start3A_52, %dma_start3A_53] : memref<162x128xi32, #tpu.memory_space<vmem>> -> memref<1x128xi32, #tpu.memory_space<vmem>>
    %dma_start3A_55 = tpu.memref_squeeze %dma_start3A_54 : memref<1x128xi32, #tpu.memory_space<vmem>> -> memref<128xi32, #tpu.memory_space<vmem>>
    %dma_start3A_56 = arith.constant 0 : i32
    %dma_start3A_57 = arith.constant 0 : i32
    %dma_start3A_58 = tpu.memref_slice %arg2[%arg0, %dma_start3A_56, %dma_start3A_57] : memref<2x10000x64xf32, #tpu.memory_space<hbm>> -> memref<1x10000x64xf32, #tpu.memory_space<hbm>>
    %dma_start3A_59 = tpu.memref_squeeze %dma_start3A_58 : memref<1x10000x64xf32, #tpu.memory_space<hbm>> -> memref<10000x64xf32, #tpu.memory_space<hbm>>
    %dma_start3A_60 = arith.constant 0 : i32
    %dma_start3A_61 = arith.constant 0 : i32
    %dma_start3A_62 = tpu.memref_slice %dma_start3A_59[%dma_start3A_60, %dma_start3A_61] : memref<10000x64xf32, #tpu.memory_space<hbm>> -> memref<10000x64xf32, #tpu.memory_space<hbm>>
    tpu.enqueue_indirect_dma source(%dma_start3A_62 : memref<10000x64xf32, #tpu.memory_space<hbm>>) target(%arg12 : memref<128x64xf32, #tpu.memory_space<vmem>>) offsets(%dma_start3A_55 : memref<128xi32, #tpu.memory_space<vmem>>) semaphore(%arg18 : memref<!tpu.dma_semaphore, #tpu.memory_space<semaphore_mem>>)
    %dma_wait3A_63 = arith.constant 1 : i32
    %dma_wait3A_64 = arith.constant 0 : i32
    %dma_wait3A_65 = tpu.memref_slice %arg7[%dma_wait3A_63, %dma_wait3A_64] : memref<162x128xi32, #tpu.memory_space<vmem>> -> memref<1x128xi32, #tpu.memory_space<vmem>>
    %dma_wait3A_66 = tpu.memref_squeeze %dma_wait3A_65 : memref<1x128xi32, #tpu.memory_space<vmem>> -> memref<128xi32, #tpu.memory_space<vmem>>
    %dma_wait3A_67 = arith.constant 0 : i32
    %dma_wait3A_68 = arith.constant 0 : i32
    %dma_wait3A_69 = tpu.memref_slice %arg2[%arg0, %dma_wait3A_67, %dma_wait3A_68] : memref<2x10000x64xf32, #tpu.memory_space<hbm>> -> memref<1x10000x64xf32, #tpu.memory_space<hbm>>
    %dma_wait3A_70 = tpu.memref_squeeze %dma_wait3A_69 : memref<1x10000x64xf32, #tpu.memory_space<hbm>> -> memref<10000x64xf32, #tpu.memory_space<hbm>>
    %dma_wait3A_71 = arith.constant 0 : i32
    %dma_wait3A_72 = arith.constant 0 : i32
    %dma_wait3A_73 = tpu.memref_slice %dma_wait3A_70[%dma_wait3A_71, %dma_wait3A_72] : memref<10000x64xf32, #tpu.memory_space<hbm>> -> memref<10000x64xf32, #tpu.memory_space<hbm>>
    tpu.wait_indirect_dma semaphore(%arg16 : memref<!tpu.dma_semaphore, #tpu.memory_space<semaphore_mem>>) src(%dma_wait3A_73 : memref<10000x64xf32, #tpu.memory_space<hbm>>) dst(%arg10 : memref<128x64xf32, #tpu.memory_space<vmem>>)
    %dma_start3A_74 = arith.constant 1 : i32
    %dma_start3A_75 = arith.constant 0 : i32
    %dma_start3A_76 = tpu.memref_slice %arg8[%dma_start3A_74, %dma_start3A_75] : memref<162x128xi32, #tpu.memory_space<vmem>> -> memref<1x128xi32, #tpu.memory_space<vmem>>
    %dma_start3A_77 = tpu.memref_squeeze %dma_start3A_76 : memref<1x128xi32, #tpu.memory_space<vmem>> -> memref<128xi32, #tpu.memory_space<vmem>>
    %dma_start3A_78 = arith.constant 0 : i32
    %dma_start3A_79 = arith.constant 0 : i32
    %dma_start3A_80 = tpu.memref_slice %arg6[%dma_start3A_78, %dma_start3A_79] : memref<10008x64xf32, #tpu.memory_space<vmem_shared>> -> memref<10008x64xf32, #tpu.memory_space<vmem_shared>>
    tpu.enqueue_indirect_dma source(%arg10 : memref<128x64xf32, #tpu.memory_space<vmem>>) target(%dma_start3A_80 : memref<10008x64xf32, #tpu.memory_space<vmem_shared>>) offsets(%dma_start3A_77 : memref<128xi32, #tpu.memory_space<vmem>>) semaphore(%arg22 : memref<!tpu.dma_semaphore, #tpu.memory_space<semaphore_mem>>) {add = true}
    %dma_start3A_81 = arith.constant 4 : i32
    %dma_start3A_82 = arith.constant 0 : i32
    %dma_start3A_83 = tpu.memref_slice %arg7[%dma_start3A_81, %dma_start3A_82] : memref<162x128xi32, #tpu.memory_space<vmem>> -> memref<1x128xi32, #tpu.memory_space<vmem>>
    %dma_start3A_84 = tpu.memref_squeeze %dma_start3A_83 : memref<1x128xi32, #tpu.memory_space<vmem>> -> memref<128xi32, #tpu.memory_space<vmem>>
    %dma_start3A_85 = arith.constant 0 : i32
    %dma_start3A_86 = arith.constant 0 : i32
    %dma_start3A_87 = tpu.memref_slice %arg2[%arg0, %dma_start3A_85, %dma_start3A_86] : memref<2x10000x64xf32, #tpu.memory_space<hbm>> -> memref<1x10000x64xf32, #tpu.memory_space<hbm>>
    %dma_start3A_88 = tpu.memref_squeeze %dma_start3A_87 : memref<1x10000x64xf32, #tpu.memory_space<hbm>> -> memref<10000x64xf32, #tpu.memory_space<hbm>>
    %dma_start3A_89 = arith.constant 0 : i32
    %dma_start3A_90 = arith.constant 0 : i32
    %dma_start3A_91 = tpu.memref_slice %dma_start3A_88[%dma_start3A_89, %dma_start3A_90] : memref<10000x64xf32, #tpu.memory_space<hbm>> -> memref<10000x64xf32, #tpu.memory_space<hbm>>
    tpu.enqueue_indirect_dma source(%dma_start3A_91 : memref<10000x64xf32, #tpu.memory_space<hbm>>) target(%arg13 : memref<128x64xf32, #tpu.memory_space<vmem>>) offsets(%dma_start3A_84 : memref<128xi32, #tpu.memory_space<vmem>>) semaphore(%arg19 : memref<!tpu.dma_semaphore, #tpu.memory_space<semaphore_mem>>)
    %dma_wait3A_92 = arith.constant 2 : i32
    %dma_wait3A_93 = arith.constant 0 : i32
    %dma_wait3A_94 = tpu.memref_slice %arg7[%dma_wait3A_92, %dma_wait3A_93] : memref<162x128xi32, #tpu.memory_space<vmem>> -> memref<1x128xi32, #tpu.memory_space<vmem>>
    %dma_wait3A_95 = tpu.memref_squeeze %dma_wait3A_94 : memref<1x128xi32, #tpu.memory_space<vmem>> -> memref<128xi32, #tpu.memory_space<vmem>>
    %dma_wait3A_96 = arith.constant 0 : i32
    %dma_wait3A_97 = arith.constant 0 : i32
    %dma_wait3A_98 = tpu.memref_slice %arg2[%arg0, %dma_wait3A_96, %dma_wait3A_97] : memref<2x10000x64xf32, #tpu.memory_space<hbm>> -> memref<1x10000x64xf32, #tpu.memory_space<hbm>>
    %dma_wait3A_99 = tpu.memref_squeeze %dma_wait3A_98 : memref<1x10000x64xf32, #tpu.memory_space<hbm>> -> memref<10000x64xf32, #tpu.memory_space<hbm>>
    %dma_wait3A_100 = arith.constant 0 : i32
    %dma_wait3A_101 = arith.constant 0 : i32
    %dma_wait3A_102 = tpu.memref_slice %dma_wait3A_99[%dma_wait3A_100, %dma_wait3A_101] : memref<10000x64xf32, #tpu.memory_space<hbm>> -> memref<10000x64xf32, #tpu.memory_space<hbm>>
    tpu.wait_indirect_dma semaphore(%arg17 : memref<!tpu.dma_semaphore, #tpu.memory_space<semaphore_mem>>) src(%dma_wait3A_102 : memref<10000x64xf32, #tpu.memory_space<hbm>>) dst(%arg11 : memref<128x64xf32, #tpu.memory_space<vmem>>)
    %dma_start3A_103 = arith.constant 2 : i32
    %dma_start3A_104 = arith.constant 0 : i32
    %dma_start3A_105 = tpu.memref_slice %arg8[%dma_start3A_103, %dma_start3A_104] : memref<162x128xi32, #tpu.memory_space<vmem>> -> memref<1x128xi32, #tpu.memory_space<vmem>>
    %dma_start3A_106 = tpu.memref_squeeze %dma_start3A_105 : memref<1x128xi32, #tpu.memory_space<vmem>> -> memref<128xi32, #tpu.memory_space<vmem>>
    %dma_start3A_107 = arith.constant 0 : i32
    %dma_start3A_108 = arith.constant 0 : i32
    %dma_start3A_109 = tpu.memref_slice %arg6[%dma_start3A_107, %dma_start3A_108] : memref<10008x64xf32, #tpu.memory_space<vmem_shared>> -> memref<10008x64xf32, #tpu.memory_space<vmem_shared>>
    tpu.enqueue_indirect_dma source(%arg11 : memref<128x64xf32, #tpu.memory_space<vmem>>) target(%dma_start3A_109 : memref<10008x64xf32, #tpu.memory_space<vmem_shared>>) offsets(%dma_start3A_106 : memref<128xi32, #tpu.memory_space<vmem>>) semaphore(%arg23 : memref<!tpu.dma_semaphore, #tpu.memory_space<semaphore_mem>>) {add = true}
    %dma_start3A_110 = arith.constant 5 : i32
    %dma_start3A_111 = arith.constant 0 : i32
    %dma_start3A_112 = tpu.memref_slice %arg7[%dma_start3A_110, %dma_start3A_111] : memref<162x128xi32, #tpu.memory_space<vmem>> -> memref<1x128xi32, #tpu.memory_space<vmem>>
    %dma_start3A_113 = tpu.memref_squeeze %dma_start3A_112 : memref<1x128xi32, #tpu.memory_space<vmem>> -> memref<128xi32, #tpu.memory_space<vmem>>
    %dma_start3A_114 = arith.constant 0 : i32
    %dma_start3A_115 = arith.constant 0 : i32
    %dma_start3A_116 = tpu.memref_slice %arg2[%arg0, %dma_start3A_114, %dma_start3A_115] : memref<2x10000x64xf32, #tpu.memory_space<hbm>> -> memref<1x10000x64xf32, #tpu.memory_space<hbm>>
    %dma_start3A_117 = tpu.memref_squeeze %dma_start3A_116 : memref<1x10000x64xf32, #tpu.memory_space<hbm>> -> memref<10000x64xf32, #tpu.memory_space<hbm>>
    %dma_start3A_118 = arith.constant 0 : i32
    %dma_start3A_119 = arith.constant 0 : i32
    %dma_start3A_120 = tpu.memref_slice %dma_start3A_117[%dma_start3A_118, %dma_start3A_119] : memref<10000x64xf32, #tpu.memory_space<hbm>> -> memref<10000x64xf32, #tpu.memory_space<hbm>>
    tpu.enqueue_indirect_dma source(%dma_start3A_120 : memref<10000x64xf32, #tpu.memory_space<hbm>>) target(%arg14 : memref<128x64xf32, #tpu.memory_space<vmem>>) offsets(%dma_start3A_113 : memref<128xi32, #tpu.memory_space<vmem>>) semaphore(%arg20 : memref<!tpu.dma_semaphore, #tpu.memory_space<semaphore_mem>>)
    %scan3A = arith.constant 0 : i32
    %scan3A_121 = arith.constant 0 : i32
    %scan3A_122 = arith.constant 26 : i32
    %scan3A_123 = arith.addi %scan3A_121, %scan3A_122 : i32
    %scan3A_124 = arith.constant 1 : i32
    %scan3A_125 = scf.for %scan3A_224 = %scan3A_121 to %scan3A_123 step %scan3A_124 iter_args(%scan3A_225 = %scan3A) -> (i32)  : i32 {
      %mul3A_226 = arith.constant 6 : i32
      %mul3A_227 = arith.muli %mul3A_226, %scan3A_224 : i32
      %add3A = arith.constant 3 : i32
      %add3A_228 = arith.addi %add3A, %mul3A_227 : i32
      %add3A_229 = arith.constant 0 : i32
      %add3A_230 = arith.addi %add3A_228, %add3A_229 : i32
      %dma_wait3A_231 = arith.constant 0 : i32
      %dma_wait3A_232 = tpu.memref_slice %arg7[%add3A_230, %dma_wait3A_231] : memref<162x128xi32, #tpu.memory_space<vmem>> -> memref<1x128xi32, #tpu.memory_space<vmem>>
      %dma_wait3A_233 = tpu.memref_squeeze %dma_wait3A_232 : memref<1x128xi32, #tpu.memory_space<vmem>> -> memref<128xi32, #tpu.memory_space<vmem>>
      %dma_wait3A_234 = arith.constant 0 : i32
      %dma_wait3A_235 = arith.constant 0 : i32
      %dma_wait3A_236 = tpu.memref_slice %arg2[%arg0, %dma_wait3A_234, %dma_wait3A_235] : memref<2x10000x64xf32, #tpu.memory_space<hbm>> -> memref<1x10000x64xf32, #tpu.memory_space<hbm>>
      %dma_wait3A_237 = tpu.memref_squeeze %dma_wait3A_236 : memref<1x10000x64xf32, #tpu.memory_space<hbm>> -> memref<10000x64xf32, #tpu.memory_space<hbm>>
      %dma_wait3A_238 = arith.constant 0 : i32
      %dma_wait3A_239 = arith.constant 0 : i32
      %dma_wait3A_240 = tpu.memref_slice %dma_wait3A_237[%dma_wait3A_238, %dma_wait3A_239] : memref<10000x64xf32, #tpu.memory_space<hbm>> -> memref<10000x64xf32, #tpu.memory_space<hbm>>
      tpu.wait_indirect_dma semaphore(%arg18 : memref<!tpu.dma_semaphore, #tpu.memory_space<semaphore_mem>>) src(%dma_wait3A_240 : memref<10000x64xf32, #tpu.memory_space<hbm>>) dst(%arg12 : memref<128x64xf32, #tpu.memory_space<vmem>>)
      %dma_start3A_241 = arith.constant 0 : i32
      %dma_start3A_242 = tpu.memref_slice %arg8[%add3A_230, %dma_start3A_241] : memref<162x128xi32, #tpu.memory_space<vmem>> -> memref<1x128xi32, #tpu.memory_space<vmem>>
      %dma_start3A_243 = tpu.memref_squeeze %dma_start3A_242 : memref<1x128xi32, #tpu.memory_space<vmem>> -> memref<128xi32, #tpu.memory_space<vmem>>
      %dma_start3A_244 = arith.constant 0 : i32
      %dma_start3A_245 = arith.constant 0 : i32
      %dma_start3A_246 = tpu.memref_slice %arg6[%dma_start3A_244, %dma_start3A_245] : memref<10008x64xf32, #tpu.memory_space<vmem_shared>> -> memref<10008x64xf32, #tpu.memory_space<vmem_shared>>
      tpu.enqueue_indirect_dma source(%arg12 : memref<128x64xf32, #tpu.memory_space<vmem>>) target(%dma_start3A_246 : memref<10008x64xf32, #tpu.memory_space<vmem_shared>>) offsets(%dma_start3A_243 : memref<128xi32, #tpu.memory_space<vmem>>) semaphore(%arg24 : memref<!tpu.dma_semaphore, #tpu.memory_space<semaphore_mem>>) {add = true}
      %dma_wait3A_247 = arith.constant 0 : i32
      %dma_wait3A_248 = tpu.memref_slice %arg8[%add3A_230, %dma_wait3A_247] : memref<162x128xi32, #tpu.memory_space<vmem>> -> memref<1x128xi32, #tpu.memory_space<vmem>>
      %dma_wait3A_249 = tpu.memref_squeeze %dma_wait3A_248 : memref<1x128xi32, #tpu.memory_space<vmem>> -> memref<128xi32, #tpu.memory_space<vmem>>
      %dma_wait3A_250 = arith.constant 0 : i32
      %dma_wait3A_251 = arith.constant 0 : i32
      %dma_wait3A_252 = tpu.memref_slice %arg6[%dma_wait3A_250, %dma_wait3A_251] : memref<10008x64xf32, #tpu.memory_space<vmem_shared>> -> memref<10008x64xf32, #tpu.memory_space<vmem_shared>>
      tpu.wait_indirect_dma semaphore(%arg21 : memref<!tpu.dma_semaphore, #tpu.memory_space<semaphore_mem>>) src(%arg9 : memref<128x64xf32, #tpu.memory_space<vmem>>) dst(%dma_wait3A_252 : memref<10008x64xf32, #tpu.memory_space<vmem_shared>>)
      %add3A_253 = arith.constant 3 : i32
      %add3A_254 = arith.addi %add3A_230, %add3A_253 : i32
      %dma_start3A_255 = arith.constant 0 : i32
      %dma_start3A_256 = tpu.memref_slice %arg7[%add3A_254, %dma_start3A_255] : memref<162x128xi32, #tpu.memory_space<vmem>> -> memref<1x128xi32, #tpu.memory_space<vmem>>
      %dma_start3A_257 = tpu.memref_squeeze %dma_start3A_256 : memref<1x128xi32, #tpu.memory_space<vmem>> -> memref<128xi32, #tpu.memory_space<vmem>>
      %dma_start3A_258 = arith.constant 0 : i32
      %dma_start3A_259 = arith.constant 0 : i32
      %dma_start3A_260 = tpu.memref_slice %arg2[%arg0, %dma_start3A_258, %dma_start3A_259] : memref<2x10000x64xf32, #tpu.memory_space<hbm>> -> memref<1x10000x64xf32, #tpu.memory_space<hbm>>
      %dma_start3A_261 = tpu.memref_squeeze %dma_start3A_260 : memref<1x10000x64xf32, #tpu.memory_space<hbm>> -> memref<10000x64xf32, #tpu.memory_space<hbm>>
      %dma_start3A_262 = arith.constant 0 : i32
      %dma_start3A_263 = arith.constant 0 : i32
      %dma_start3A_264 = tpu.memref_slice %dma_start3A_261[%dma_start3A_262, %dma_start3A_263] : memref<10000x64xf32, #tpu.memory_space<hbm>> -> memref<10000x64xf32, #tpu.memory_space<hbm>>
      tpu.enqueue_indirect_dma source(%dma_start3A_264 : memref<10000x64xf32, #tpu.memory_space<hbm>>) target(%arg9 : memref<128x64xf32, #tpu.memory_space<vmem>>) offsets(%dma_start3A_257 : memref<128xi32, #tpu.memory_space<vmem>>) semaphore(%arg15 : memref<!tpu.dma_semaphore, #tpu.memory_space<semaphore_mem>>)
      %mul3A_265 = arith.constant 6 : i32
      %mul3A_266 = arith.muli %mul3A_265, %scan3A_224 : i32
      %add3A_267 = arith.constant 3 : i32
      %add3A_268 = arith.addi %add3A_267, %mul3A_266 : i32
      %add3A_269 = arith.constant 1 : i32
      %add3A_270 = arith.addi %add3A_268, %add3A_269 : i32
      %dma_wait3A_271 = arith.constant 0 : i32
      %dma_wait3A_272 = tpu.memref_slice %arg7[%add3A_270, %dma_wait3A_271] : memref<162x128xi32, #tpu.memory_space<vmem>> -> memref<1x128xi32, #tpu.memory_space<vmem>>
      %dma_wait3A_273 = tpu.memref_squeeze %dma_wait3A_272 : memref<1x128xi32, #tpu.memory_space<vmem>> -> memref<128xi32, #tpu.memory_space<vmem>>
      %dma_wait3A_274 = arith.constant 0 : i32
      %dma_wait3A_275 = arith.constant 0 : i32
      %dma_wait3A_276 = tpu.memref_slice %arg2[%arg0, %dma_wait3A_274, %dma_wait3A_275] : memref<2x10000x64xf32, #tpu.memory_space<hbm>> -> memref<1x10000x64xf32, #tpu.memory_space<hbm>>
      %dma_wait3A_277 = tpu.memref_squeeze %dma_wait3A_276 : memref<1x10000x64xf32, #tpu.memory_space<hbm>> -> memref<10000x64xf32, #tpu.memory_space<hbm>>
      %dma_wait3A_278 = arith.constant 0 : i32
      %dma_wait3A_279 = arith.constant 0 : i32
      %dma_wait3A_280 = tpu.memref_slice %dma_wait3A_277[%dma_wait3A_278, %dma_wait3A_279] : memref<10000x64xf32, #tpu.memory_space<hbm>> -> memref<10000x64xf32, #tpu.memory_space<hbm>>
      tpu.wait_indirect_dma semaphore(%arg19 : memref<!tpu.dma_semaphore, #tpu.memory_space<semaphore_mem>>) src(%dma_wait3A_280 : memref<10000x64xf32, #tpu.memory_space<hbm>>) dst(%arg13 : memref<128x64xf32, #tpu.memory_space<vmem>>)
      %dma_start3A_281 = arith.constant 0 : i32
      %dma_start3A_282 = tpu.memref_slice %arg8[%add3A_270, %dma_start3A_281] : memref<162x128xi32, #tpu.memory_space<vmem>> -> memref<1x128xi32, #tpu.memory_space<vmem>>
      %dma_start3A_283 = tpu.memref_squeeze %dma_start3A_282 : memref<1x128xi32, #tpu.memory_space<vmem>> -> memref<128xi32, #tpu.memory_space<vmem>>
      %dma_start3A_284 = arith.constant 0 : i32
      %dma_start3A_285 = arith.constant 0 : i32
      %dma_start3A_286 = tpu.memref_slice %arg6[%dma_start3A_284, %dma_start3A_285] : memref<10008x64xf32, #tpu.memory_space<vmem_shared>> -> memref<10008x64xf32, #tpu.memory_space<vmem_shared>>
      tpu.enqueue_indirect_dma source(%arg13 : memref<128x64xf32, #tpu.memory_space<vmem>>) target(%dma_start3A_286 : memref<10008x64xf32, #tpu.memory_space<vmem_shared>>) offsets(%dma_start3A_283 : memref<128xi32, #tpu.memory_space<vmem>>) semaphore(%arg25 : memref<!tpu.dma_semaphore, #tpu.memory_space<semaphore_mem>>) {add = true}
      %dma_wait3A_287 = arith.constant 0 : i32
      %dma_wait3A_288 = tpu.memref_slice %arg8[%add3A_270, %dma_wait3A_287] : memref<162x128xi32, #tpu.memory_space<vmem>> -> memref<1x128xi32, #tpu.memory_space<vmem>>
      %dma_wait3A_289 = tpu.memref_squeeze %dma_wait3A_288 : memref<1x128xi32, #tpu.memory_space<vmem>> -> memref<128xi32, #tpu.memory_space<vmem>>
      %dma_wait3A_290 = arith.constant 0 : i32
      %dma_wait3A_291 = arith.constant 0 : i32
      %dma_wait3A_292 = tpu.memref_slice %arg6[%dma_wait3A_290, %dma_wait3A_291] : memref<10008x64xf32, #tpu.memory_space<vmem_shared>> -> memref<10008x64xf32, #tpu.memory_space<vmem_shared>>
      tpu.wait_indirect_dma semaphore(%arg22 : memref<!tpu.dma_semaphore, #tpu.memory_space<semaphore_mem>>) src(%arg10 : memref<128x64xf32, #tpu.memory_space<vmem>>) dst(%dma_wait3A_292 : memref<10008x64xf32, #tpu.memory_space<vmem_shared>>)
      %add3A_293 = arith.constant 3 : i32
      %add3A_294 = arith.addi %add3A_270, %add3A_293 : i32
      %dma_start3A_295 = arith.constant 0 : i32
      %dma_start3A_296 = tpu.memref_slice %arg7[%add3A_294, %dma_start3A_295] : memref<162x128xi32, #tpu.memory_space<vmem>> -> memref<1x128xi32, #tpu.memory_space<vmem>>
      %dma_start3A_297 = tpu.memref_squeeze %dma_start3A_296 : memref<1x128xi32, #tpu.memory_space<vmem>> -> memref<128xi32, #tpu.memory_space<vmem>>
      %dma_start3A_298 = arith.constant 0 : i32
      %dma_start3A_299 = arith.constant 0 : i32
      %dma_start3A_300 = tpu.memref_slice %arg2[%arg0, %dma_start3A_298, %dma_start3A_299] : memref<2x10000x64xf32, #tpu.memory_space<hbm>> -> memref<1x10000x64xf32, #tpu.memory_space<hbm>>
      %dma_start3A_301 = tpu.memref_squeeze %dma_start3A_300 : memref<1x10000x64xf32, #tpu.memory_space<hbm>> -> memref<10000x64xf32, #tpu.memory_space<hbm>>
      %dma_start3A_302 = arith.constant 0 : i32
      %dma_start3A_303 = arith.constant 0 : i32
      %dma_start3A_304 = tpu.memref_slice %dma_start3A_301[%dma_start3A_302, %dma_start3A_303] : memref<10000x64xf32, #tpu.memory_space<hbm>> -> memref<10000x64xf32, #tpu.memory_space<hbm>>
      tpu.enqueue_indirect_dma source(%dma_start3A_304 : memref<10000x64xf32, #tpu.memory_space<hbm>>) target(%arg10 : memref<128x64xf32, #tpu.memory_space<vmem>>) offsets(%dma_start3A_297 : memref<128xi32, #tpu.memory_space<vmem>>) semaphore(%arg16 : memref<!tpu.dma_semaphore, #tpu.memory_space<semaphore_mem>>)
      %mul3A_305 = arith.constant 6 : i32
      %mul3A_306 = arith.muli %mul3A_305, %scan3A_224 : i32
      %add3A_307 = arith.constant 3 : i32
      %add3A_308 = arith.addi %add3A_307, %mul3A_306 : i32
      %add3A_309 = arith.constant 2 : i32
      %add3A_310 = arith.addi %add3A_308, %add3A_309 : i32
      %dma_wait3A_311 = arith.constant 0 : i32
      %dma_wait3A_312 = tpu.memref_slice %arg7[%add3A_310, %dma_wait3A_311] : memref<162x128xi32, #tpu.memory_space<vmem>> -> memref<1x128xi32, #tpu.memory_space<vmem>>
      %dma_wait3A_313 = tpu.memref_squeeze %dma_wait3A_312 : memref<1x128xi32, #tpu.memory_space<vmem>> -> memref<128xi32, #tpu.memory_space<vmem>>
      %dma_wait3A_314 = arith.constant 0 : i32
      %dma_wait3A_315 = arith.constant 0 : i32
      %dma_wait3A_316 = tpu.memref_slice %arg2[%arg0, %dma_wait3A_314, %dma_wait3A_315] : memref<2x10000x64xf32, #tpu.memory_space<hbm>> -> memref<1x10000x64xf32, #tpu.memory_space<hbm>>
      %dma_wait3A_317 = tpu.memref_squeeze %dma_wait3A_316 : memref<1x10000x64xf32, #tpu.memory_space<hbm>> -> memref<10000x64xf32, #tpu.memory_space<hbm>>
      %dma_wait3A_318 = arith.constant 0 : i32
      %dma_wait3A_319 = arith.constant 0 : i32
      %dma_wait3A_320 = tpu.memref_slice %dma_wait3A_317[%dma_wait3A_318, %dma_wait3A_319] : memref<10000x64xf32, #tpu.memory_space<hbm>> -> memref<10000x64xf32, #tpu.memory_space<hbm>>
      tpu.wait_indirect_dma semaphore(%arg20 : memref<!tpu.dma_semaphore, #tpu.memory_space<semaphore_mem>>) src(%dma_wait3A_320 : memref<10000x64xf32, #tpu.memory_space<hbm>>) dst(%arg14 : memref<128x64xf32, #tpu.memory_space<vmem>>)
      %dma_start3A_321 = arith.constant 0 : i32
      %dma_start3A_322 = tpu.memref_slice %arg8[%add3A_310, %dma_start3A_321] : memref<162x128xi32, #tpu.memory_space<vmem>> -> memref<1x128xi32, #tpu.memory_space<vmem>>
      %dma_start3A_323 = tpu.memref_squeeze %dma_start3A_322 : memref<1x128xi32, #tpu.memory_space<vmem>> -> memref<128xi32, #tpu.memory_space<vmem>>
      %dma_start3A_324 = arith.constant 0 : i32
      %dma_start3A_325 = arith.constant 0 : i32
      %dma_start3A_326 = tpu.memref_slice %arg6[%dma_start3A_324, %dma_start3A_325] : memref<10008x64xf32, #tpu.memory_space<vmem_shared>> -> memref<10008x64xf32, #tpu.memory_space<vmem_shared>>
      tpu.enqueue_indirect_dma source(%arg14 : memref<128x64xf32, #tpu.memory_space<vmem>>) target(%dma_start3A_326 : memref<10008x64xf32, #tpu.memory_space<vmem_shared>>) offsets(%dma_start3A_323 : memref<128xi32, #tpu.memory_space<vmem>>) semaphore(%arg26 : memref<!tpu.dma_semaphore, #tpu.memory_space<semaphore_mem>>) {add = true}
      %dma_wait3A_327 = arith.constant 0 : i32
      %dma_wait3A_328 = tpu.memref_slice %arg8[%add3A_310, %dma_wait3A_327] : memref<162x128xi32, #tpu.memory_space<vmem>> -> memref<1x128xi32, #tpu.memory_space<vmem>>
      %dma_wait3A_329 = tpu.memref_squeeze %dma_wait3A_328 : memref<1x128xi32, #tpu.memory_space<vmem>> -> memref<128xi32, #tpu.memory_space<vmem>>
      %dma_wait3A_330 = arith.constant 0 : i32
      %dma_wait3A_331 = arith.constant 0 : i32
      %dma_wait3A_332 = tpu.memref_slice %arg6[%dma_wait3A_330, %dma_wait3A_331] : memref<10008x64xf32, #tpu.memory_space<vmem_shared>> -> memref<10008x64xf32, #tpu.memory_space<vmem_shared>>
      tpu.wait_indirect_dma semaphore(%arg23 : memref<!tpu.dma_semaphore, #tpu.memory_space<semaphore_mem>>) src(%arg11 : memref<128x64xf32, #tpu.memory_space<vmem>>) dst(%dma_wait3A_332 : memref<10008x64xf32, #tpu.memory_space<vmem_shared>>)
      %add3A_333 = arith.constant 3 : i32
      %add3A_334 = arith.addi %add3A_310, %add3A_333 : i32
      %dma_start3A_335 = arith.constant 0 : i32
      %dma_start3A_336 = tpu.memref_slice %arg7[%add3A_334, %dma_start3A_335] : memref<162x128xi32, #tpu.memory_space<vmem>> -> memref<1x128xi32, #tpu.memory_space<vmem>>
      %dma_start3A_337 = tpu.memref_squeeze %dma_start3A_336 : memref<1x128xi32, #tpu.memory_space<vmem>> -> memref<128xi32, #tpu.memory_space<vmem>>
      %dma_start3A_338 = arith.constant 0 : i32
      %dma_start3A_339 = arith.constant 0 : i32
      %dma_start3A_340 = tpu.memref_slice %arg2[%arg0, %dma_start3A_338, %dma_start3A_339] : memref<2x10000x64xf32, #tpu.memory_space<hbm>> -> memref<1x10000x64xf32, #tpu.memory_space<hbm>>
      %dma_start3A_341 = tpu.memref_squeeze %dma_start3A_340 : memref<1x10000x64xf32, #tpu.memory_space<hbm>> -> memref<10000x64xf32, #tpu.memory_space<hbm>>
      %dma_start3A_342 = arith.constant 0 : i32
      %dma_start3A_343 = arith.constant 0 : i32
      %dma_start3A_344 = tpu.memref_slice %dma_start3A_341[%dma_start3A_342, %dma_start3A_343] : memref<10000x64xf32, #tpu.memory_space<hbm>> -> memref<10000x64xf32, #tpu.memory_space<hbm>>
      tpu.enqueue_indirect_dma source(%dma_start3A_344 : memref<10000x64xf32, #tpu.memory_space<hbm>>) target(%arg11 : memref<128x64xf32, #tpu.memory_space<vmem>>) offsets(%dma_start3A_337 : memref<128xi32, #tpu.memory_space<vmem>>) semaphore(%arg17 : memref<!tpu.dma_semaphore, #tpu.memory_space<semaphore_mem>>)
      %mul3A_345 = arith.constant 6 : i32
      %mul3A_346 = arith.muli %mul3A_345, %scan3A_224 : i32
      %add3A_347 = arith.constant 3 : i32
      %add3A_348 = arith.addi %add3A_347, %mul3A_346 : i32
      %add3A_349 = arith.constant 3 : i32
      %add3A_350 = arith.addi %add3A_348, %add3A_349 : i32
      %dma_wait3A_351 = arith.constant 0 : i32
      %dma_wait3A_352 = tpu.memref_slice %arg7[%add3A_350, %dma_wait3A_351] : memref<162x128xi32, #tpu.memory_space<vmem>> -> memref<1x128xi32, #tpu.memory_space<vmem>>
      %dma_wait3A_353 = tpu.memref_squeeze %dma_wait3A_352 : memref<1x128xi32, #tpu.memory_space<vmem>> -> memref<128xi32, #tpu.memory_space<vmem>>
      %dma_wait3A_354 = arith.constant 0 : i32
      %dma_wait3A_355 = arith.constant 0 : i32
      %dma_wait3A_356 = tpu.memref_slice %arg2[%arg0, %dma_wait3A_354, %dma_wait3A_355] : memref<2x10000x64xf32, #tpu.memory_space<hbm>> -> memref<1x10000x64xf32, #tpu.memory_space<hbm>>
      %dma_wait3A_357 = tpu.memref_squeeze %dma_wait3A_356 : memref<1x10000x64xf32, #tpu.memory_space<hbm>> -> memref<10000x64xf32, #tpu.memory_space<hbm>>
      %dma_wait3A_358 = arith.constant 0 : i32
      %dma_wait3A_359 = arith.constant 0 : i32
      %dma_wait3A_360 = tpu.memref_slice %dma_wait3A_357[%dma_wait3A_358, %dma_wait3A_359] : memref<10000x64xf32, #tpu.memory_space<hbm>> -> memref<10000x64xf32, #tpu.memory_space<hbm>>
      tpu.wait_indirect_dma semaphore(%arg15 : memref<!tpu.dma_semaphore, #tpu.memory_space<semaphore_mem>>) src(%dma_wait3A_360 : memref<10000x64xf32, #tpu.memory_space<hbm>>) dst(%arg9 : memref<128x64xf32, #tpu.memory_space<vmem>>)
      %dma_start3A_361 = arith.constant 0 : i32
      %dma_start3A_362 = tpu.memref_slice %arg8[%add3A_350, %dma_start3A_361] : memref<162x128xi32, #tpu.memory_space<vmem>> -> memref<1x128xi32, #tpu.memory_space<vmem>>
      %dma_start3A_363 = tpu.memref_squeeze %dma_start3A_362 : memref<1x128xi32, #tpu.memory_space<vmem>> -> memref<128xi32, #tpu.memory_space<vmem>>
      %dma_start3A_364 = arith.constant 0 : i32
      %dma_start3A_365 = arith.constant 0 : i32
      %dma_start3A_366 = tpu.memref_slice %arg6[%dma_start3A_364, %dma_start3A_365] : memref<10008x64xf32, #tpu.memory_space<vmem_shared>> -> memref<10008x64xf32, #tpu.memory_space<vmem_shared>>
      tpu.enqueue_indirect_dma source(%arg9 : memref<128x64xf32, #tpu.memory_space<vmem>>) target(%dma_start3A_366 : memref<10008x64xf32, #tpu.memory_space<vmem_shared>>) offsets(%dma_start3A_363 : memref<128xi32, #tpu.memory_space<vmem>>) semaphore(%arg21 : memref<!tpu.dma_semaphore, #tpu.memory_space<semaphore_mem>>) {add = true}
      %dma_wait3A_367 = arith.constant 0 : i32
      %dma_wait3A_368 = tpu.memref_slice %arg8[%add3A_350, %dma_wait3A_367] : memref<162x128xi32, #tpu.memory_space<vmem>> -> memref<1x128xi32, #tpu.memory_space<vmem>>
      %dma_wait3A_369 = tpu.memref_squeeze %dma_wait3A_368 : memref<1x128xi32, #tpu.memory_space<vmem>> -> memref<128xi32, #tpu.memory_space<vmem>>
      %dma_wait3A_370 = arith.constant 0 : i32
      %dma_wait3A_371 = arith.constant 0 : i32
      %dma_wait3A_372 = tpu.memref_slice %arg6[%dma_wait3A_370, %dma_wait3A_371] : memref<10008x64xf32, #tpu.memory_space<vmem_shared>> -> memref<10008x64xf32, #tpu.memory_space<vmem_shared>>
      tpu.wait_indirect_dma semaphore(%arg24 : memref<!tpu.dma_semaphore, #tpu.memory_space<semaphore_mem>>) src(%arg12 : memref<128x64xf32, #tpu.memory_space<vmem>>) dst(%dma_wait3A_372 : memref<10008x64xf32, #tpu.memory_space<vmem_shared>>)
      %add3A_373 = arith.constant 3 : i32
      %add3A_374 = arith.addi %add3A_350, %add3A_373 : i32
      %dma_start3A_375 = arith.constant 0 : i32
      %dma_start3A_376 = tpu.memref_slice %arg7[%add3A_374, %dma_start3A_375] : memref<162x128xi32, #tpu.memory_space<vmem>> -> memref<1x128xi32, #tpu.memory_space<vmem>>
      %dma_start3A_377 = tpu.memref_squeeze %dma_start3A_376 : memref<1x128xi32, #tpu.memory_space<vmem>> -> memref<128xi32, #tpu.memory_space<vmem>>
      %dma_start3A_378 = arith.constant 0 : i32
      %dma_start3A_379 = arith.constant 0 : i32
      %dma_start3A_380 = tpu.memref_slice %arg2[%arg0, %dma_start3A_378, %dma_start3A_379] : memref<2x10000x64xf32, #tpu.memory_space<hbm>> -> memref<1x10000x64xf32, #tpu.memory_space<hbm>>
      %dma_start3A_381 = tpu.memref_squeeze %dma_start3A_380 : memref<1x10000x64xf32, #tpu.memory_space<hbm>> -> memref<10000x64xf32, #tpu.memory_space<hbm>>
      %dma_start3A_382 = arith.constant 0 : i32
      %dma_start3A_383 = arith.constant 0 : i32
      %dma_start3A_384 = tpu.memref_slice %dma_start3A_381[%dma_start3A_382, %dma_start3A_383] : memref<10000x64xf32, #tpu.memory_space<hbm>> -> memref<10000x64xf32, #tpu.memory_space<hbm>>
      tpu.enqueue_indirect_dma source(%dma_start3A_384 : memref<10000x64xf32, #tpu.memory_space<hbm>>) target(%arg12 : memref<128x64xf32, #tpu.memory_space<vmem>>) offsets(%dma_start3A_377 : memref<128xi32, #tpu.memory_space<vmem>>) semaphore(%arg18 : memref<!tpu.dma_semaphore, #tpu.memory_space<semaphore_mem>>)
      %mul3A_385 = arith.constant 6 : i32
      %mul3A_386 = arith.muli %mul3A_385, %scan3A_224 : i32
      %add3A_387 = arith.constant 3 : i32
      %add3A_388 = arith.addi %add3A_387, %mul3A_386 : i32
      %add3A_389 = arith.constant 4 : i32
      %add3A_390 = arith.addi %add3A_388, %add3A_389 : i32
      %dma_wait3A_391 = arith.constant 0 : i32
      %dma_wait3A_392 = tpu.memref_slice %arg7[%add3A_390, %dma_wait3A_391] : memref<162x128xi32, #tpu.memory_space<vmem>> -> memref<1x128xi32, #tpu.memory_space<vmem>>
      %dma_wait3A_393 = tpu.memref_squeeze %dma_wait3A_392 : memref<1x128xi32, #tpu.memory_space<vmem>> -> memref<128xi32, #tpu.memory_space<vmem>>
      %dma_wait3A_394 = arith.constant 0 : i32
      %dma_wait3A_395 = arith.constant 0 : i32
      %dma_wait3A_396 = tpu.memref_slice %arg2[%arg0, %dma_wait3A_394, %dma_wait3A_395] : memref<2x10000x64xf32, #tpu.memory_space<hbm>> -> memref<1x10000x64xf32, #tpu.memory_space<hbm>>
      %dma_wait3A_397 = tpu.memref_squeeze %dma_wait3A_396 : memref<1x10000x64xf32, #tpu.memory_space<hbm>> -> memref<10000x64xf32, #tpu.memory_space<hbm>>
      %dma_wait3A_398 = arith.constant 0 : i32
      %dma_wait3A_399 = arith.constant 0 : i32
      %dma_wait3A_400 = tpu.memref_slice %dma_wait3A_397[%dma_wait3A_398, %dma_wait3A_399] : memref<10000x64xf32, #tpu.memory_space<hbm>> -> memref<10000x64xf32, #tpu.memory_space<hbm>>
      tpu.wait_indirect_dma semaphore(%arg16 : memref<!tpu.dma_semaphore, #tpu.memory_space<semaphore_mem>>) src(%dma_wait3A_400 : memref<10000x64xf32, #tpu.memory_space<hbm>>) dst(%arg10 : memref<128x64xf32, #tpu.memory_space<vmem>>)
      %dma_start3A_401 = arith.constant 0 : i32
      %dma_start3A_402 = tpu.memref_slice %arg8[%add3A_390, %dma_start3A_401] : memref<162x128xi32, #tpu.memory_space<vmem>> -> memref<1x128xi32, #tpu.memory_space<vmem>>
      %dma_start3A_403 = tpu.memref_squeeze %dma_start3A_402 : memref<1x128xi32, #tpu.memory_space<vmem>> -> memref<128xi32, #tpu.memory_space<vmem>>
      %dma_start3A_404 = arith.constant 0 : i32
      %dma_start3A_405 = arith.constant 0 : i32
      %dma_start3A_406 = tpu.memref_slice %arg6[%dma_start3A_404, %dma_start3A_405] : memref<10008x64xf32, #tpu.memory_space<vmem_shared>> -> memref<10008x64xf32, #tpu.memory_space<vmem_shared>>
      tpu.enqueue_indirect_dma source(%arg10 : memref<128x64xf32, #tpu.memory_space<vmem>>) target(%dma_start3A_406 : memref<10008x64xf32, #tpu.memory_space<vmem_shared>>) offsets(%dma_start3A_403 : memref<128xi32, #tpu.memory_space<vmem>>) semaphore(%arg22 : memref<!tpu.dma_semaphore, #tpu.memory_space<semaphore_mem>>) {add = true}
      %dma_wait3A_407 = arith.constant 0 : i32
      %dma_wait3A_408 = tpu.memref_slice %arg8[%add3A_390, %dma_wait3A_407] : memref<162x128xi32, #tpu.memory_space<vmem>> -> memref<1x128xi32, #tpu.memory_space<vmem>>
      %dma_wait3A_409 = tpu.memref_squeeze %dma_wait3A_408 : memref<1x128xi32, #tpu.memory_space<vmem>> -> memref<128xi32, #tpu.memory_space<vmem>>
      %dma_wait3A_410 = arith.constant 0 : i32
      %dma_wait3A_411 = arith.constant 0 : i32
      %dma_wait3A_412 = tpu.memref_slice %arg6[%dma_wait3A_410, %dma_wait3A_411] : memref<10008x64xf32, #tpu.memory_space<vmem_shared>> -> memref<10008x64xf32, #tpu.memory_space<vmem_shared>>
      tpu.wait_indirect_dma semaphore(%arg25 : memref<!tpu.dma_semaphore, #tpu.memory_space<semaphore_mem>>) src(%arg13 : memref<128x64xf32, #tpu.memory_space<vmem>>) dst(%dma_wait3A_412 : memref<10008x64xf32, #tpu.memory_space<vmem_shared>>)
      %add3A_413 = arith.constant 3 : i32
      %add3A_414 = arith.addi %add3A_390, %add3A_413 : i32
      %dma_start3A_415 = arith.constant 0 : i32
      %dma_start3A_416 = tpu.memref_slice %arg7[%add3A_414, %dma_start3A_415] : memref<162x128xi32, #tpu.memory_space<vmem>> -> memref<1x128xi32, #tpu.memory_space<vmem>>
      %dma_start3A_417 = tpu.memref_squeeze %dma_start3A_416 : memref<1x128xi32, #tpu.memory_space<vmem>> -> memref<128xi32, #tpu.memory_space<vmem>>
      %dma_start3A_418 = arith.constant 0 : i32
      %dma_start3A_419 = arith.constant 0 : i32
      %dma_start3A_420 = tpu.memref_slice %arg2[%arg0, %dma_start3A_418, %dma_start3A_419] : memref<2x10000x64xf32, #tpu.memory_space<hbm>> -> memref<1x10000x64xf32, #tpu.memory_space<hbm>>
      %dma_start3A_421 = tpu.memref_squeeze %dma_start3A_420 : memref<1x10000x64xf32, #tpu.memory_space<hbm>> -> memref<10000x64xf32, #tpu.memory_space<hbm>>
      %dma_start3A_422 = arith.constant 0 : i32
      %dma_start3A_423 = arith.constant 0 : i32
      %dma_start3A_424 = tpu.memref_slice %dma_start3A_421[%dma_start3A_422, %dma_start3A_423] : memref<10000x64xf32, #tpu.memory_space<hbm>> -> memref<10000x64xf32, #tpu.memory_space<hbm>>
      tpu.enqueue_indirect_dma source(%dma_start3A_424 : memref<10000x64xf32, #tpu.memory_space<hbm>>) target(%arg13 : memref<128x64xf32, #tpu.memory_space<vmem>>) offsets(%dma_start3A_417 : memref<128xi32, #tpu.memory_space<vmem>>) semaphore(%arg19 : memref<!tpu.dma_semaphore, #tpu.memory_space<semaphore_mem>>)
      %mul3A_425 = arith.constant 6 : i32
      %mul3A_426 = arith.muli %mul3A_425, %scan3A_224 : i32
      %add3A_427 = arith.constant 3 : i32
      %add3A_428 = arith.addi %add3A_427, %mul3A_426 : i32
      %add3A_429 = arith.constant 5 : i32
      %add3A_430 = arith.addi %add3A_428, %add3A_429 : i32
      %dma_wait3A_431 = arith.constant 0 : i32
      %dma_wait3A_432 = tpu.memref_slice %arg7[%add3A_430, %dma_wait3A_431] : memref<162x128xi32, #tpu.memory_space<vmem>> -> memref<1x128xi32, #tpu.memory_space<vmem>>
      %dma_wait3A_433 = tpu.memref_squeeze %dma_wait3A_432 : memref<1x128xi32, #tpu.memory_space<vmem>> -> memref<128xi32, #tpu.memory_space<vmem>>
      %dma_wait3A_434 = arith.constant 0 : i32
      %dma_wait3A_435 = arith.constant 0 : i32
      %dma_wait3A_436 = tpu.memref_slice %arg2[%arg0, %dma_wait3A_434, %dma_wait3A_435] : memref<2x10000x64xf32, #tpu.memory_space<hbm>> -> memref<1x10000x64xf32, #tpu.memory_space<hbm>>
      %dma_wait3A_437 = tpu.memref_squeeze %dma_wait3A_436 : memref<1x10000x64xf32, #tpu.memory_space<hbm>> -> memref<10000x64xf32, #tpu.memory_space<hbm>>
      %dma_wait3A_438 = arith.constant 0 : i32
      %dma_wait3A_439 = arith.constant 0 : i32
      %dma_wait3A_440 = tpu.memref_slice %dma_wait3A_437[%dma_wait3A_438, %dma_wait3A_439] : memref<10000x64xf32, #tpu.memory_space<hbm>> -> memref<10000x64xf32, #tpu.memory_space<hbm>>
      tpu.wait_indirect_dma semaphore(%arg17 : memref<!tpu.dma_semaphore, #tpu.memory_space<semaphore_mem>>) src(%dma_wait3A_440 : memref<10000x64xf32, #tpu.memory_space<hbm>>) dst(%arg11 : memref<128x64xf32, #tpu.memory_space<vmem>>)
      %dma_start3A_441 = arith.constant 0 : i32
      %dma_start3A_442 = tpu.memref_slice %arg8[%add3A_430, %dma_start3A_441] : memref<162x128xi32, #tpu.memory_space<vmem>> -> memref<1x128xi32, #tpu.memory_space<vmem>>
      %dma_start3A_443 = tpu.memref_squeeze %dma_start3A_442 : memref<1x128xi32, #tpu.memory_space<vmem>> -> memref<128xi32, #tpu.memory_space<vmem>>
      %dma_start3A_444 = arith.constant 0 : i32
      %dma_start3A_445 = arith.constant 0 : i32
      %dma_start3A_446 = tpu.memref_slice %arg6[%dma_start3A_444, %dma_start3A_445] : memref<10008x64xf32, #tpu.memory_space<vmem_shared>> -> memref<10008x64xf32, #tpu.memory_space<vmem_shared>>
      tpu.enqueue_indirect_dma source(%arg11 : memref<128x64xf32, #tpu.memory_space<vmem>>) target(%dma_start3A_446 : memref<10008x64xf32, #tpu.memory_space<vmem_shared>>) offsets(%dma_start3A_443 : memref<128xi32, #tpu.memory_space<vmem>>) semaphore(%arg23 : memref<!tpu.dma_semaphore, #tpu.memory_space<semaphore_mem>>) {add = true}
      %dma_wait3A_447 = arith.constant 0 : i32
      %dma_wait3A_448 = tpu.memref_slice %arg8[%add3A_430, %dma_wait3A_447] : memref<162x128xi32, #tpu.memory_space<vmem>> -> memref<1x128xi32, #tpu.memory_space<vmem>>
      %dma_wait3A_449 = tpu.memref_squeeze %dma_wait3A_448 : memref<1x128xi32, #tpu.memory_space<vmem>> -> memref<128xi32, #tpu.memory_space<vmem>>
      %dma_wait3A_450 = arith.constant 0 : i32
      %dma_wait3A_451 = arith.constant 0 : i32
      %dma_wait3A_452 = tpu.memref_slice %arg6[%dma_wait3A_450, %dma_wait3A_451] : memref<10008x64xf32, #tpu.memory_space<vmem_shared>> -> memref<10008x64xf32, #tpu.memory_space<vmem_shared>>
      tpu.wait_indirect_dma semaphore(%arg26 : memref<!tpu.dma_semaphore, #tpu.memory_space<semaphore_mem>>) src(%arg14 : memref<128x64xf32, #tpu.memory_space<vmem>>) dst(%dma_wait3A_452 : memref<10008x64xf32, #tpu.memory_space<vmem_shared>>)
      %add3A_453 = arith.constant 3 : i32
      %add3A_454 = arith.addi %add3A_430, %add3A_453 : i32
      %dma_start3A_455 = arith.constant 0 : i32
      %dma_start3A_456 = tpu.memref_slice %arg7[%add3A_454, %dma_start3A_455] : memref<162x128xi32, #tpu.memory_space<vmem>> -> memref<1x128xi32, #tpu.memory_space<vmem>>
      %dma_start3A_457 = tpu.memref_squeeze %dma_start3A_456 : memref<1x128xi32, #tpu.memory_space<vmem>> -> memref<128xi32, #tpu.memory_space<vmem>>
      %dma_start3A_458 = arith.constant 0 : i32
      %dma_start3A_459 = arith.constant 0 : i32
      %dma_start3A_460 = tpu.memref_slice %arg2[%arg0, %dma_start3A_458, %dma_start3A_459] : memref<2x10000x64xf32, #tpu.memory_space<hbm>> -> memref<1x10000x64xf32, #tpu.memory_space<hbm>>
      %dma_start3A_461 = tpu.memref_squeeze %dma_start3A_460 : memref<1x10000x64xf32, #tpu.memory_space<hbm>> -> memref<10000x64xf32, #tpu.memory_space<hbm>>
      %dma_start3A_462 = arith.constant 0 : i32
      %dma_start3A_463 = arith.constant 0 : i32
      %dma_start3A_464 = tpu.memref_slice %dma_start3A_461[%dma_start3A_462, %dma_start3A_463] : memref<10000x64xf32, #tpu.memory_space<hbm>> -> memref<10000x64xf32, #tpu.memory_space<hbm>>
      tpu.enqueue_indirect_dma source(%dma_start3A_464 : memref<10000x64xf32, #tpu.memory_space<hbm>>) target(%arg14 : memref<128x64xf32, #tpu.memory_space<vmem>>) offsets(%dma_start3A_457 : memref<128xi32, #tpu.memory_space<vmem>>) semaphore(%arg20 : memref<!tpu.dma_semaphore, #tpu.memory_space<semaphore_mem>>)
      %scan3A_465 = arith.constant 0 : i32
      scf.yield %scan3A_465 : i32
    }
    %scan3A_126 = arith.constant 26 : i32
    %dma_wait3A_127 = arith.constant 159 : i32
    %dma_wait3A_128 = arith.constant 0 : i32
    %dma_wait3A_129 = tpu.memref_slice %arg7[%dma_wait3A_127, %dma_wait3A_128] : memref<162x128xi32, #tpu.memory_space<vmem>> -> memref<1x128xi32, #tpu.memory_space<vmem>>
    %dma_wait3A_130 = tpu.memref_squeeze %dma_wait3A_129 : memref<1x128xi32, #tpu.memory_space<vmem>> -> memref<128xi32, #tpu.memory_space<vmem>>
    %dma_wait3A_131 = arith.constant 0 : i32
    %dma_wait3A_132 = arith.constant 0 : i32
    %dma_wait3A_133 = tpu.memref_slice %arg2[%arg0, %dma_wait3A_131, %dma_wait3A_132] : memref<2x10000x64xf32, #tpu.memory_space<hbm>> -> memref<1x10000x64xf32, #tpu.memory_space<hbm>>
    %dma_wait3A_134 = tpu.memref_squeeze %dma_wait3A_133 : memref<1x10000x64xf32, #tpu.memory_space<hbm>> -> memref<10000x64xf32, #tpu.memory_space<hbm>>
    %dma_wait3A_135 = arith.constant 0 : i32
    %dma_wait3A_136 = arith.constant 0 : i32
    %dma_wait3A_137 = tpu.memref_slice %dma_wait3A_134[%dma_wait3A_135, %dma_wait3A_136] : memref<10000x64xf32, #tpu.memory_space<hbm>> -> memref<10000x64xf32, #tpu.memory_space<hbm>>
    tpu.wait_indirect_dma semaphore(%arg18 : memref<!tpu.dma_semaphore, #tpu.memory_space<semaphore_mem>>) src(%dma_wait3A_137 : memref<10000x64xf32, #tpu.memory_space<hbm>>) dst(%arg12 : memref<128x64xf32, #tpu.memory_space<vmem>>)
    %dma_start3A_138 = arith.constant 159 : i32
    %dma_start3A_139 = arith.constant 0 : i32
    %dma_start3A_140 = tpu.memref_slice %arg8[%dma_start3A_138, %dma_start3A_139] : memref<162x128xi32, #tpu.memory_space<vmem>> -> memref<1x128xi32, #tpu.memory_space<vmem>>
    %dma_start3A_141 = tpu.memref_squeeze %dma_start3A_140 : memref<1x128xi32, #tpu.memory_space<vmem>> -> memref<128xi32, #tpu.memory_space<vmem>>
    %dma_start3A_142 = arith.constant 0 : i32
    %dma_start3A_143 = arith.constant 0 : i32
    %dma_start3A_144 = tpu.memref_slice %arg6[%dma_start3A_142, %dma_start3A_143] : memref<10008x64xf32, #tpu.memory_space<vmem_shared>> -> memref<10008x64xf32, #tpu.memory_space<vmem_shared>>
    tpu.enqueue_indirect_dma source(%arg12 : memref<128x64xf32, #tpu.memory_space<vmem>>) target(%dma_start3A_144 : memref<10008x64xf32, #tpu.memory_space<vmem_shared>>) offsets(%dma_start3A_141 : memref<128xi32, #tpu.memory_space<vmem>>) semaphore(%arg24 : memref<!tpu.dma_semaphore, #tpu.memory_space<semaphore_mem>>) {add = true}
    %dma_wait3A_145 = arith.constant 160 : i32
    %dma_wait3A_146 = arith.constant 0 : i32
    %dma_wait3A_147 = tpu.memref_slice %arg7[%dma_wait3A_145, %dma_wait3A_146] : memref<162x128xi32, #tpu.memory_space<vmem>> -> memref<1x128xi32, #tpu.memory_space<vmem>>
    %dma_wait3A_148 = tpu.memref_squeeze %dma_wait3A_147 : memref<1x128xi32, #tpu.memory_space<vmem>> -> memref<128xi32, #tpu.memory_space<vmem>>
    %dma_wait3A_149 = arith.constant 0 : i32
    %dma_wait3A_150 = arith.constant 0 : i32
    %dma_wait3A_151 = tpu.memref_slice %arg2[%arg0, %dma_wait3A_149, %dma_wait3A_150] : memref<2x10000x64xf32, #tpu.memory_space<hbm>> -> memref<1x10000x64xf32, #tpu.memory_space<hbm>>
    %dma_wait3A_152 = tpu.memref_squeeze %dma_wait3A_151 : memref<1x10000x64xf32, #tpu.memory_space<hbm>> -> memref<10000x64xf32, #tpu.memory_space<hbm>>
    %dma_wait3A_153 = arith.constant 0 : i32
    %dma_wait3A_154 = arith.constant 0 : i32
    %dma_wait3A_155 = tpu.memref_slice %dma_wait3A_152[%dma_wait3A_153, %dma_wait3A_154] : memref<10000x64xf32, #tpu.memory_space<hbm>> -> memref<10000x64xf32, #tpu.memory_space<hbm>>
    tpu.wait_indirect_dma semaphore(%arg19 : memref<!tpu.dma_semaphore, #tpu.memory_space<semaphore_mem>>) src(%dma_wait3A_155 : memref<10000x64xf32, #tpu.memory_space<hbm>>) dst(%arg13 : memref<128x64xf32, #tpu.memory_space<vmem>>)
    %dma_start3A_156 = arith.constant 160 : i32
    %dma_start3A_157 = arith.constant 0 : i32
    %dma_start3A_158 = tpu.memref_slice %arg8[%dma_start3A_156, %dma_start3A_157] : memref<162x128xi32, #tpu.memory_space<vmem>> -> memref<1x128xi32, #tpu.memory_space<vmem>>
    %dma_start3A_159 = tpu.memref_squeeze %dma_start3A_158 : memref<1x128xi32, #tpu.memory_space<vmem>> -> memref<128xi32, #tpu.memory_space<vmem>>
    %dma_start3A_160 = arith.constant 0 : i32
    %dma_start3A_161 = arith.constant 0 : i32
    %dma_start3A_162 = tpu.memref_slice %arg6[%dma_start3A_160, %dma_start3A_161] : memref<10008x64xf32, #tpu.memory_space<vmem_shared>> -> memref<10008x64xf32, #tpu.memory_space<vmem_shared>>
    tpu.enqueue_indirect_dma source(%arg13 : memref<128x64xf32, #tpu.memory_space<vmem>>) target(%dma_start3A_162 : memref<10008x64xf32, #tpu.memory_space<vmem_shared>>) offsets(%dma_start3A_159 : memref<128xi32, #tpu.memory_space<vmem>>) semaphore(%arg25 : memref<!tpu.dma_semaphore, #tpu.memory_space<semaphore_mem>>) {add = true}
    %dma_wait3A_163 = arith.constant 161 : i32
    %dma_wait3A_164 = arith.constant 0 : i32
    %dma_wait3A_165 = tpu.memref_slice %arg7[%dma_wait3A_163, %dma_wait3A_164] : memref<162x128xi32, #tpu.memory_space<vmem>> -> memref<1x128xi32, #tpu.memory_space<vmem>>
    %dma_wait3A_166 = tpu.memref_squeeze %dma_wait3A_165 : memref<1x128xi32, #tpu.memory_space<vmem>> -> memref<128xi32, #tpu.memory_space<vmem>>
    %dma_wait3A_167 = arith.constant 0 : i32
    %dma_wait3A_168 = arith.constant 0 : i32
    %dma_wait3A_169 = tpu.memref_slice %arg2[%arg0, %dma_wait3A_167, %dma_wait3A_168] : memref<2x10000x64xf32, #tpu.memory_space<hbm>> -> memref<1x10000x64xf32, #tpu.memory_space<hbm>>
    %dma_wait3A_170 = tpu.memref_squeeze %dma_wait3A_169 : memref<1x10000x64xf32, #tpu.memory_space<hbm>> -> memref<10000x64xf32, #tpu.memory_space<hbm>>
    %dma_wait3A_171 = arith.constant 0 : i32
    %dma_wait3A_172 = arith.constant 0 : i32
    %dma_wait3A_173 = tpu.memref_slice %dma_wait3A_170[%dma_wait3A_171, %dma_wait3A_172] : memref<10000x64xf32, #tpu.memory_space<hbm>> -> memref<10000x64xf32, #tpu.memory_space<hbm>>
    tpu.wait_indirect_dma semaphore(%arg20 : memref<!tpu.dma_semaphore, #tpu.memory_space<semaphore_mem>>) src(%dma_wait3A_173 : memref<10000x64xf32, #tpu.memory_space<hbm>>) dst(%arg14 : memref<128x64xf32, #tpu.memory_space<vmem>>)
    %dma_start3A_174 = arith.constant 161 : i32
    %dma_start3A_175 = arith.constant 0 : i32
    %dma_start3A_176 = tpu.memref_slice %arg8[%dma_start3A_174, %dma_start3A_175] : memref<162x128xi32, #tpu.memory_space<vmem>> -> memref<1x128xi32, #tpu.memory_space<vmem>>
    %dma_start3A_177 = tpu.memref_squeeze %dma_start3A_176 : memref<1x128xi32, #tpu.memory_space<vmem>> -> memref<128xi32, #tpu.memory_space<vmem>>
    %dma_start3A_178 = arith.constant 0 : i32
    %dma_start3A_179 = arith.constant 0 : i32
    %dma_start3A_180 = tpu.memref_slice %arg6[%dma_start3A_178, %dma_start3A_179] : memref<10008x64xf32, #tpu.memory_space<vmem_shared>> -> memref<10008x64xf32, #tpu.memory_space<vmem_shared>>
    tpu.enqueue_indirect_dma source(%arg14 : memref<128x64xf32, #tpu.memory_space<vmem>>) target(%dma_start3A_180 : memref<10008x64xf32, #tpu.memory_space<vmem_shared>>) offsets(%dma_start3A_177 : memref<128xi32, #tpu.memory_space<vmem>>) semaphore(%arg26 : memref<!tpu.dma_semaphore, #tpu.memory_space<semaphore_mem>>) {add = true}
    %dma_wait3A_181 = arith.constant 0 : i32
    %dma_wait3A_182 = arith.constant 0 : i32
    %dma_wait3A_183 = tpu.memref_slice %arg8[%dma_wait3A_181, %dma_wait3A_182] : memref<162x128xi32, #tpu.memory_space<vmem>> -> memref<1x128xi32, #tpu.memory_space<vmem>>
    %dma_wait3A_184 = tpu.memref_squeeze %dma_wait3A_183 : memref<1x128xi32, #tpu.memory_space<vmem>> -> memref<128xi32, #tpu.memory_space<vmem>>
    %dma_wait3A_185 = arith.constant 0 : i32
    %dma_wait3A_186 = arith.constant 0 : i32
    %dma_wait3A_187 = tpu.memref_slice %arg6[%dma_wait3A_185, %dma_wait3A_186] : memref<10008x64xf32, #tpu.memory_space<vmem_shared>> -> memref<10008x64xf32, #tpu.memory_space<vmem_shared>>
    tpu.wait_indirect_dma semaphore(%arg21 : memref<!tpu.dma_semaphore, #tpu.memory_space<semaphore_mem>>) src(%arg9 : memref<128x64xf32, #tpu.memory_space<vmem>>) dst(%dma_wait3A_187 : memref<10008x64xf32, #tpu.memory_space<vmem_shared>>)
    %dma_wait3A_188 = arith.constant 0 : i32
    %dma_wait3A_189 = arith.constant 0 : i32
    %dma_wait3A_190 = tpu.memref_slice %arg8[%dma_wait3A_188, %dma_wait3A_189] : memref<162x128xi32, #tpu.memory_space<vmem>> -> memref<1x128xi32, #tpu.memory_space<vmem>>
    %dma_wait3A_191 = tpu.memref_squeeze %dma_wait3A_190 : memref<1x128xi32, #tpu.memory_space<vmem>> -> memref<128xi32, #tpu.memory_space<vmem>>
    %dma_wait3A_192 = arith.constant 0 : i32
    %dma_wait3A_193 = arith.constant 0 : i32
    %dma_wait3A_194 = tpu.memref_slice %arg6[%dma_wait3A_192, %dma_wait3A_193] : memref<10008x64xf32, #tpu.memory_space<vmem_shared>> -> memref<10008x64xf32, #tpu.memory_space<vmem_shared>>
    tpu.wait_indirect_dma semaphore(%arg22 : memref<!tpu.dma_semaphore, #tpu.memory_space<semaphore_mem>>) src(%arg10 : memref<128x64xf32, #tpu.memory_space<vmem>>) dst(%dma_wait3A_194 : memref<10008x64xf32, #tpu.memory_space<vmem_shared>>)
    %dma_wait3A_195 = arith.constant 0 : i32
    %dma_wait3A_196 = arith.constant 0 : i32
    %dma_wait3A_197 = tpu.memref_slice %arg8[%dma_wait3A_195, %dma_wait3A_196] : memref<162x128xi32, #tpu.memory_space<vmem>> -> memref<1x128xi32, #tpu.memory_space<vmem>>
    %dma_wait3A_198 = tpu.memref_squeeze %dma_wait3A_197 : memref<1x128xi32, #tpu.memory_space<vmem>> -> memref<128xi32, #tpu.memory_space<vmem>>
    %dma_wait3A_199 = arith.constant 0 : i32
    %dma_wait3A_200 = arith.constant 0 : i32
    %dma_wait3A_201 = tpu.memref_slice %arg6[%dma_wait3A_199, %dma_wait3A_200] : memref<10008x64xf32, #tpu.memory_space<vmem_shared>> -> memref<10008x64xf32, #tpu.memory_space<vmem_shared>>
    tpu.wait_indirect_dma semaphore(%arg23 : memref<!tpu.dma_semaphore, #tpu.memory_space<semaphore_mem>>) src(%arg11 : memref<128x64xf32, #tpu.memory_space<vmem>>) dst(%dma_wait3A_201 : memref<10008x64xf32, #tpu.memory_space<vmem_shared>>)
    %dma_wait3A_202 = arith.constant 0 : i32
    %dma_wait3A_203 = arith.constant 0 : i32
    %dma_wait3A_204 = tpu.memref_slice %arg8[%dma_wait3A_202, %dma_wait3A_203] : memref<162x128xi32, #tpu.memory_space<vmem>> -> memref<1x128xi32, #tpu.memory_space<vmem>>
    %dma_wait3A_205 = tpu.memref_squeeze %dma_wait3A_204 : memref<1x128xi32, #tpu.memory_space<vmem>> -> memref<128xi32, #tpu.memory_space<vmem>>
    %dma_wait3A_206 = arith.constant 0 : i32
    %dma_wait3A_207 = arith.constant 0 : i32
    %dma_wait3A_208 = tpu.memref_slice %arg6[%dma_wait3A_206, %dma_wait3A_207] : memref<10008x64xf32, #tpu.memory_space<vmem_shared>> -> memref<10008x64xf32, #tpu.memory_space<vmem_shared>>
    tpu.wait_indirect_dma semaphore(%arg24 : memref<!tpu.dma_semaphore, #tpu.memory_space<semaphore_mem>>) src(%arg12 : memref<128x64xf32, #tpu.memory_space<vmem>>) dst(%dma_wait3A_208 : memref<10008x64xf32, #tpu.memory_space<vmem_shared>>)
    %dma_wait3A_209 = arith.constant 0 : i32
    %dma_wait3A_210 = arith.constant 0 : i32
    %dma_wait3A_211 = tpu.memref_slice %arg8[%dma_wait3A_209, %dma_wait3A_210] : memref<162x128xi32, #tpu.memory_space<vmem>> -> memref<1x128xi32, #tpu.memory_space<vmem>>
    %dma_wait3A_212 = tpu.memref_squeeze %dma_wait3A_211 : memref<1x128xi32, #tpu.memory_space<vmem>> -> memref<128xi32, #tpu.memory_space<vmem>>
    %dma_wait3A_213 = arith.constant 0 : i32
    %dma_wait3A_214 = arith.constant 0 : i32
    %dma_wait3A_215 = tpu.memref_slice %arg6[%dma_wait3A_213, %dma_wait3A_214] : memref<10008x64xf32, #tpu.memory_space<vmem_shared>> -> memref<10008x64xf32, #tpu.memory_space<vmem_shared>>
    tpu.wait_indirect_dma semaphore(%arg25 : memref<!tpu.dma_semaphore, #tpu.memory_space<semaphore_mem>>) src(%arg13 : memref<128x64xf32, #tpu.memory_space<vmem>>) dst(%dma_wait3A_215 : memref<10008x64xf32, #tpu.memory_space<vmem_shared>>)
    %dma_wait3A_216 = arith.constant 0 : i32
    %dma_wait3A_217 = arith.constant 0 : i32
    %dma_wait3A_218 = tpu.memref_slice %arg8[%dma_wait3A_216, %dma_wait3A_217] : memref<162x128xi32, #tpu.memory_space<vmem>> -> memref<1x128xi32, #tpu.memory_space<vmem>>
    %dma_wait3A_219 = tpu.memref_squeeze %dma_wait3A_218 : memref<1x128xi32, #tpu.memory_space<vmem>> -> memref<128xi32, #tpu.memory_space<vmem>>
    %dma_wait3A_220 = arith.constant 0 : i32
    %dma_wait3A_221 = arith.constant 0 : i32
    %dma_wait3A_222 = tpu.memref_slice %arg6[%dma_wait3A_220, %dma_wait3A_221] : memref<10008x64xf32, #tpu.memory_space<vmem_shared>> -> memref<10008x64xf32, #tpu.memory_space<vmem_shared>>
    tpu.wait_indirect_dma semaphore(%arg26 : memref<!tpu.dma_semaphore, #tpu.memory_space<semaphore_mem>>) src(%arg14 : memref<128x64xf32, #tpu.memory_space<vmem>>) dst(%dma_wait3A_222 : memref<10008x64xf32, #tpu.memory_space<vmem_shared>>)
    %barrier3A_223 = arith.constant 0 : index
    tpu.barrier barrier_id(%barrier3A_223)
    "tpu.region"() ({
      %run_scoped3A = tpu.sem_alloc : memref<!tpu.dma_semaphore, #tpu.memory_space<semaphore_mem>>
      %dma_start3A_224 = tpu.memref_slice %arg5[%mul3A_2, %mul3A_0] : memref<10000x128xf32, #tpu.memory_space<hbm>> -> memref<625x64xf32, #tpu.memory_space<hbm>>
      %dma_start3A_225 = arith.constant 0 : i32
      %dma_start3A_226 = tpu.memref_slice %arg6[%mul3A_2, %dma_start3A_225] : memref<10008x64xf32, #tpu.memory_space<vmem_shared>> -> memref<625x64xf32, #tpu.memory_space<vmem_shared>>
      tpu.enqueue_dma source(%dma_start3A_226 : memref<625x64xf32, #tpu.memory_space<vmem_shared>>) target(%dma_start3A_224 : memref<625x64xf32, #tpu.memory_space<hbm>>) target_semaphore(%run_scoped3A : memref<!tpu.dma_semaphore, #tpu.memory_space<semaphore_mem>>)
      %dma_wait3A_227 = tpu.memref_slice %arg5[%mul3A_2, %mul3A_0] : memref<10000x128xf32, #tpu.memory_space<hbm>> -> memref<625x64xf32, #tpu.memory_space<hbm>>
      %dma_wait3A_228 = arith.constant 0 : i32
      %dma_wait3A_229 = tpu.memref_slice %arg6[%mul3A_2, %dma_wait3A_228] : memref<10008x64xf32, #tpu.memory_space<vmem_shared>> -> memref<625x64xf32, #tpu.memory_space<vmem_shared>>
      tpu.wait_dma2 semaphore(%run_scoped3A : memref<!tpu.dma_semaphore, #tpu.memory_space<semaphore_mem>>) src(%dma_wait3A_229 : memref<625x64xf32, #tpu.memory_space<vmem_shared>>) dst(%dma_wait3A_227 : memref<625x64xf32, #tpu.memory_space<hbm>>)
      tpu.yield
    }) : () -> ()
    return
  }
}

module attributes {stable_mosaic.version = 14 : i64} {
  func.func @_mm_body(%arg0: i32, %arg1: i32, %arg2: memref<1000x128xf32, #tpu.memory_space<vmem>>, %arg3: memref<1x128x64xf32, #tpu.memory_space<vmem>>, %arg4: memref<1x1000x64xf32, #tpu.memory_space<vmem>>) attributes {dimension_semantics = [#tpu.dimension_semantics<arbitrary>, #tpu.dimension_semantics<arbitrary>], iteration_bounds = array<i64: 2, 10>, scalar_prefetch = 0 : i64, scratch_operands = 0 : i64, tpu.core_type = #tpu.core_type<tc>, window_params = [{transform_indices = @transform_0, window_bounds = array<i64: 1000, 128>}, {transform_indices = @transform_1, window_bounds = array<i64: 1, 128, 64>}, {transform_indices = @transform_2, window_bounds = array<i64: 1, 1000, 64>}]} {
    %get3A = arith.constant 0 : index
    %get3A_0 = arith.constant 0 : index
    %get3A_1 = vector.load %arg2[%get3A, %get3A_0] : memref<1000x128xf32, #tpu.memory_space<vmem>>, vector<1000x128xf32>
    %get3A_2 = arith.constant 0 : index
    %get3A_3 = arith.constant 0 : index
    %get3A_4 = arith.constant 0 : index
    %get3A_5 = vector.load %arg3[%get3A_2, %get3A_3, %get3A_4] : memref<1x128x64xf32, #tpu.memory_space<vmem>>, vector<1x128x64xf32>
    %get3A_6 = vector.shape_cast %get3A_5 : vector<1x128x64xf32> to vector<128x64xf32>
    %dot_general3A = arith.constant dense<0.000000e+00> : vector<1000x64xf32>
    %dot_general3A_7 = tpu.matmul %get3A_1, %get3A_6, %dot_general3A {dimension_numbers = #tpu.dot_dimension_numbers<[1], [0], [0], [1], [0, 0, 1, 1], [], []>, transpose_lhs_hint = false} : vector<1000x128xf32>, vector<128x64xf32>, vector<1000x64xf32> -> vector<1000x64xf32>
    %broadcast_in_dim3A = vector.shape_cast %dot_general3A_7 : vector<1000x64xf32> to vector<1x1000x64xf32>
    %swap3A = arith.constant 0 : index
    %swap3A_8 = arith.constant 0 : index
    %swap3A_9 = arith.constant 0 : index
    %swap3A_10 = vector.load %arg4[%swap3A, %swap3A_8, %swap3A_9] : memref<1x1000x64xf32, #tpu.memory_space<vmem>>, vector<1x1000x64xf32>
    tpu.vector_store %arg4[%swap3A, %swap3A_8, %swap3A_9], %broadcast_in_dim3A {strides = array<i32>} : memref<1x1000x64xf32, #tpu.memory_space<vmem>>, vector<1x1000x64xf32>,
    return
  }
  func.func @transform_0(%arg0: i32, %arg1: i32) -> (i32, i32) {
    %c0_i32 = arith.constant 0 : i32
    %c0_i32_0 = arith.constant 0 : i32
    return %arg1, %c0_i32 : i32, i32
  }
  func.func @transform_1(%arg0: i32, %arg1: i32) -> (i32, i32, i32) {
    %c0_i32 = arith.constant 0 : i32
    %c0_i32_0 = arith.constant 0 : i32
    %c0_i32_1 = arith.constant 0 : i32
    return %arg0, %c0_i32, %c0_i32_0 : i32, i32, i32
  }
  func.func @transform_2(%arg0: i32, %arg1: i32) -> (i32, i32, i32) {
    %c0_i32 = arith.constant 0 : i32
    %c0_i32_0 = arith.constant 0 : i32
    return %arg0, %arg1, %c0_i32 : i32, i32, i32
  }
}

module attributes {stable_mosaic.version = 14 : i64} {
  func.func @_stats_body(%arg0: i32, %arg1: memref<1000x128xf32, #tpu.memory_space<vmem>>, %arg2: memref<1x128xf32, #tpu.memory_space<vmem>>, %arg3: memref<1x128xf32, #tpu.memory_space<vmem>>, %arg4: memref<2x128xf32, #tpu.memory_space<vmem>>, %arg5: memref<2x128xf32, #tpu.memory_space<vmem>>) attributes {dimension_semantics = [#tpu.dimension_semantics<arbitrary>], iteration_bounds = array<i64: 10>, scalar_prefetch = 0 : i64, scratch_operands = 1 : i64, tpu.core_type = #tpu.core_type<tc>, window_params = [{transform_indices = @transform_0, window_bounds = array<i64: 1000, 128>}, {pipeline_mode = #tpu.pipeline_mode<synchronous>, transform_indices = @transform_1, window_bounds = array<i64: 1, 128>}, {pipeline_mode = #tpu.pipeline_mode<synchronous>, transform_indices = @transform_2, window_bounds = array<i64: 1, 128>}, {pipeline_mode = #tpu.pipeline_mode<synchronous>, transform_indices = @transform_3, window_bounds = array<i64: 2, 128>}]} {
    %eq3A = arith.constant 0 : i32
    %eq3A_0 = arith.cmpi eq, %arg0, %eq3A : i32
    %convert_element_type3A = arith.extui %eq3A_0 : i1 to i32
    %cond3A = arith.constant 0 : i32
    %cond3A_1 = arith.cmpi ne, %convert_element_type3A, %cond3A : i32
    scf.if %cond3A_1 {
      %broadcast_in_dim3A_47 = arith.constant 0.000000e+00 : f32
      %broadcast_in_dim3A_48 = vector.broadcast %broadcast_in_dim3A_47 : f32 to vector<2x128xf32>
      %swap3A_49 = arith.constant 0 : index
      %swap3A_50 = arith.constant 0 : index
      %swap3A_51 = vector.load %arg5[%swap3A_49, %swap3A_50] : memref<2x128xf32, #tpu.memory_space<vmem>>, vector<2x128xf32>
      tpu.vector_store %arg5[%swap3A_49, %swap3A_50], %broadcast_in_dim3A_48 {strides = array<i32>} : memref<2x128xf32, #tpu.memory_space<vmem>>, vector<2x128xf32>,
    } else {
    }
    %get3A = arith.constant 0 : index
    %get3A_2 = arith.constant 0 : index
    %get3A_3 = vector.load %arg1[%get3A, %get3A_2] : memref<1000x128xf32, #tpu.memory_space<vmem>>, vector<1000x128xf32>
    %get3A_4 = arith.constant 0 : index
    %get3A_5 = arith.constant 0 : index
    %get3A_6 = vector.load %arg5[%get3A_4, %get3A_5] : memref<2x128xf32, #tpu.memory_space<vmem>>, vector<1x128xf32>
    %reduce_sum3A = arith.constant dense<0.000000e+00> : vector<128xf32>
    %reduce_sum3A_7 = vector.multi_reduction <add>, %get3A_3, %reduce_sum3A [0] : vector<1000x128xf32> to vector<128xf32>
    %broadcast_in_dim3A = vector.shape_cast %reduce_sum3A_7 : vector<128xf32> to vector<1x128xf32>
    %add3A = arith.addf %get3A_6, %broadcast_in_dim3A : vector<1x128xf32>
    %swap3A = arith.constant 0 : index
    %swap3A_8 = arith.constant 0 : index
    %swap3A_9 = vector.load %arg5[%swap3A, %swap3A_8] : memref<2x128xf32, #tpu.memory_space<vmem>>, vector<1x128xf32>
    tpu.vector_store %arg5[%swap3A, %swap3A_8], %add3A {strides = array<i32>} : memref<2x128xf32, #tpu.memory_space<vmem>>, vector<1x128xf32>,
    %get3A_10 = arith.constant 1 : index
    %get3A_11 = arith.constant 0 : index
    %get3A_12 = vector.load %arg5[%get3A_10, %get3A_11] : memref<2x128xf32, #tpu.memory_space<vmem>>, vector<1x128xf32>
    %mul3A = arith.mulf %get3A_3, %get3A_3 : vector<1000x128xf32>
    %reduce_sum3A_13 = arith.constant dense<0.000000e+00> : vector<128xf32>
    %reduce_sum3A_14 = vector.multi_reduction <add>, %mul3A, %reduce_sum3A_13 [0] : vector<1000x128xf32> to vector<128xf32>
    %broadcast_in_dim3A_15 = vector.shape_cast %reduce_sum3A_14 : vector<128xf32> to vector<1x128xf32>
    %add3A_16 = arith.addf %get3A_12, %broadcast_in_dim3A_15 : vector<1x128xf32>
    %swap3A_17 = arith.constant 1 : index
    %swap3A_18 = arith.constant 0 : index
    %swap3A_19 = vector.load %arg5[%swap3A_17, %swap3A_18] : memref<2x128xf32, #tpu.memory_space<vmem>>, vector<1x128xf32>
    tpu.vector_store %arg5[%swap3A_17, %swap3A_18], %add3A_16 {strides = array<i32>} : memref<2x128xf32, #tpu.memory_space<vmem>>, vector<1x128xf32>,
    %get3A_20 = arith.constant 0 : index
    %get3A_21 = arith.constant 0 : index
    %get3A_22 = vector.load %arg5[%get3A_20, %get3A_21] : memref<2x128xf32, #tpu.memory_space<vmem>>, vector<1x128xf32>
    %div3A = arith.constant 1.000000e+04 : f32
    %div3A_23 = vector.broadcast %div3A : f32 to vector<1x128xf32>
    %div3A_24 = arith.divf %get3A_22, %div3A_23 : vector<1x128xf32>
    %get3A_25 = arith.constant 1 : index
    %get3A_26 = arith.constant 0 : index
    %get3A_27 = vector.load %arg5[%get3A_25, %get3A_26] : memref<2x128xf32, #tpu.memory_space<vmem>>, vector<1x128xf32>
    %div3A_28 = arith.constant 1.000000e+04 : f32
    %div3A_29 = vector.broadcast %div3A_28 : f32 to vector<1x128xf32>
    %div3A_30 = arith.divf %get3A_27, %div3A_29 : vector<1x128xf32>
    %mul3A_31 = arith.mulf %div3A_24, %div3A_24 : vector<1x128xf32>
    %sub3A = arith.subf %div3A_30, %mul3A_31 : vector<1x128xf32>
    %get3A_32 = arith.constant 0 : index
    %get3A_33 = arith.constant 0 : index
    %get3A_34 = vector.load %arg2[%get3A_32, %get3A_33] : memref<1x128xf32, #tpu.memory_space<vmem>>, vector<1x128xf32>
    %add3A_35 = arith.constant 9.99999974E-6 : f32
    %add3A_36 = vector.broadcast %add3A_35 : f32 to vector<1x128xf32>
    %add3A_37 = arith.addf %sub3A, %add3A_36 : vector<1x128xf32>
    %rsqrt3A = math.rsqrt %add3A_37 : vector<1x128xf32>
    %mul3A_38 = arith.mulf %get3A_34, %rsqrt3A : vector<1x128xf32>
    %get3A_39 = arith.constant 0 : index
    %get3A_40 = arith.constant 0 : index
    %get3A_41 = vector.load %arg3[%get3A_39, %get3A_40] : memref<1x128xf32, #tpu.memory_space<vmem>>, vector<1x128xf32>
    %mul3A_42 = arith.mulf %div3A_24, %mul3A_38 : vector<1x128xf32>
    %sub3A_43 = arith.subf %get3A_41, %mul3A_42 : vector<1x128xf32>
    %concatenate3A = tpu.concatenate %mul3A_38, %sub3A_43 in 0 : vector<1x128xf32>, vector<1x128xf32> -> vector<2x128xf32>
    %swap3A_44 = arith.constant 0 : index
    %swap3A_45 = arith.constant 0 : index
    %swap3A_46 = vector.load %arg4[%swap3A_44, %swap3A_45] : memref<2x128xf32, #tpu.memory_space<vmem>>, vector<2x128xf32>
    tpu.vector_store %arg4[%swap3A_44, %swap3A_45], %concatenate3A {strides = array<i32>} : memref<2x128xf32, #tpu.memory_space<vmem>>, vector<2x128xf32>,
    return
  }
  func.func @transform_0(%arg0: i32) -> (i32, i32) {
    %c0_i32 = arith.constant 0 : i32
    %c0_i32_0 = arith.constant 0 : i32
    return %arg0, %c0_i32 : i32, i32
  }
  func.func @transform_1(%arg0: i32) -> (i32, i32) {
    %c0_i32 = arith.constant 0 : i32
    %c0_i32_0 = arith.constant 0 : i32
    %c0_i32_1 = arith.constant 0 : i32
    return %c0_i32, %c0_i32_0 : i32, i32
  }
  func.func @transform_2(%arg0: i32) -> (i32, i32) {
    %c0_i32 = arith.constant 0 : i32
    %c0_i32_0 = arith.constant 0 : i32
    %c0_i32_1 = arith.constant 0 : i32
    return %c0_i32, %c0_i32_0 : i32, i32
  }
  func.func @transform_3(%arg0: i32) -> (i32, i32) {
    %c0_i32 = arith.constant 0 : i32
    %c0_i32_0 = arith.constant 0 : i32
    %c0_i32_1 = arith.constant 0 : i32
    return %c0_i32, %c0_i32_0 : i32, i32
  }
}

module attributes {stable_mosaic.version = 14 : i64} {
  func.func @_affine_relu_mm_body(%arg0: i32, %arg1: i32, %arg2: memref<1000x128xf32, #tpu.memory_space<vmem>>, %arg3: memref<2x128xf32, #tpu.memory_space<vmem>>, %arg4: memref<1x128x64xf32, #tpu.memory_space<vmem>>, %arg5: memref<1x1000x64xf32, #tpu.memory_space<vmem>>) attributes {dimension_semantics = [#tpu.dimension_semantics<arbitrary>, #tpu.dimension_semantics<arbitrary>], iteration_bounds = array<i64: 2, 10>, scalar_prefetch = 0 : i64, scratch_operands = 0 : i64, tpu.core_type = #tpu.core_type<tc>, window_params = [{transform_indices = @transform_0, window_bounds = array<i64: 1000, 128>}, {pipeline_mode = #tpu.pipeline_mode<synchronous>, transform_indices = @transform_1, window_bounds = array<i64: 2, 128>}, {transform_indices = @transform_2, window_bounds = array<i64: 1, 128, 64>}, {transform_indices = @transform_3, window_bounds = array<i64: 1, 1000, 64>}]} {
    %get3A = arith.constant 0 : index
    %get3A_0 = arith.constant 0 : index
    %get3A_1 = vector.load %arg2[%get3A, %get3A_0] : memref<1000x128xf32, #tpu.memory_space<vmem>>, vector<1000x128xf32>
    %get3A_2 = arith.constant 0 : index
    %get3A_3 = arith.constant 0 : index
    %get3A_4 = vector.load %arg3[%get3A_2, %get3A_3] : memref<2x128xf32, #tpu.memory_space<vmem>>, vector<1x128xf32>
    %mul3A = vector.broadcast %get3A_4 : vector<1x128xf32> to vector<1000x128xf32>
    %mul3A_5 = arith.mulf %get3A_1, %mul3A : vector<1000x128xf32>
    %get3A_6 = arith.constant 1 : index
    %get3A_7 = arith.constant 0 : index
    %get3A_8 = vector.load %arg3[%get3A_6, %get3A_7] : memref<2x128xf32, #tpu.memory_space<vmem>>, vector<1x128xf32>
    %add3A = vector.broadcast %get3A_8 : vector<1x128xf32> to vector<1000x128xf32>
    %add3A_9 = arith.addf %mul3A_5, %add3A : vector<1000x128xf32>
    %max3A = arith.constant 0.000000e+00 : f32
    %max3A_10 = vector.broadcast %max3A : f32 to vector<1000x128xf32>
    %max3A_11 = arith.maximumf %add3A_9, %max3A_10 : vector<1000x128xf32>
    %get3A_12 = arith.constant 0 : index
    %get3A_13 = arith.constant 0 : index
    %get3A_14 = arith.constant 0 : index
    %get3A_15 = vector.load %arg4[%get3A_12, %get3A_13, %get3A_14] : memref<1x128x64xf32, #tpu.memory_space<vmem>>, vector<1x128x64xf32>
    %get3A_16 = vector.shape_cast %get3A_15 : vector<1x128x64xf32> to vector<128x64xf32>
    %dot_general3A = arith.constant dense<0.000000e+00> : vector<1000x64xf32>
    %dot_general3A_17 = tpu.matmul %max3A_11, %get3A_16, %dot_general3A {dimension_numbers = #tpu.dot_dimension_numbers<[1], [0], [0], [1], [0, 0, 1, 1], [], []>, transpose_lhs_hint = false} : vector<1000x128xf32>, vector<128x64xf32>, vector<1000x64xf32> -> vector<1000x64xf32>
    %broadcast_in_dim3A = vector.shape_cast %dot_general3A_17 : vector<1000x64xf32> to vector<1x1000x64xf32>
    %swap3A = arith.constant 0 : index
    %swap3A_18 = arith.constant 0 : index
    %swap3A_19 = arith.constant 0 : index
    %swap3A_20 = vector.load %arg5[%swap3A, %swap3A_18, %swap3A_19] : memref<1x1000x64xf32, #tpu.memory_space<vmem>>, vector<1x1000x64xf32>
    tpu.vector_store %arg5[%swap3A, %swap3A_18, %swap3A_19], %broadcast_in_dim3A {strides = array<i32>} : memref<1x1000x64xf32, #tpu.memory_space<vmem>>, vector<1x1000x64xf32>,
    return
  }
  func.func @transform_0(%arg0: i32, %arg1: i32) -> (i32, i32) {
    %c0_i32 = arith.constant 0 : i32
    %c0_i32_0 = arith.constant 0 : i32
    return %arg1, %c0_i32 : i32, i32
  }
  func.func @transform_1(%arg0: i32, %arg1: i32) -> (i32, i32) {
    %c0_i32 = arith.constant 0 : i32
    %c0_i32_0 = arith.constant 0 : i32
    %c0_i32_1 = arith.constant 0 : i32
    return %c0_i32, %c0_i32_0 : i32, i32
  }
  func.func @transform_2(%arg0: i32, %arg1: i32) -> (i32, i32, i32) {
    %c0_i32 = arith.constant 0 : i32
    %c0_i32_0 = arith.constant 0 : i32
    %c0_i32_1 = arith.constant 0 : i32
    return %arg0, %c0_i32, %c0_i32_0 : i32, i32, i32
  }
  func.func @transform_3(%arg0: i32, %arg1: i32) -> (i32, i32, i32) {
    %c0_i32 = arith.constant 0 : i32
    %c0_i32_0 = arith.constant 0 : i32
    return %arg0, %arg1, %c0_i32 : i32, i32, i32
  }
}

module attributes {stable_mosaic.version = 14 : i64} {
  func.func @_final_body(%arg0: i32, %arg1: memref<1000x128xf32, #tpu.memory_space<vmem>>, %arg2: memref<2x128xf32, #tpu.memory_space<vmem>>, %arg3: memref<1000x128xf32, #tpu.memory_space<vmem>>, %arg4: memref<1000x128xf32, #tpu.memory_space<vmem>>) attributes {dimension_semantics = [#tpu.dimension_semantics<arbitrary>], iteration_bounds = array<i64: 10>, scalar_prefetch = 0 : i64, scratch_operands = 0 : i64, tpu.core_type = #tpu.core_type<tc>, window_params = [{transform_indices = @transform_0, window_bounds = array<i64: 1000, 128>}, {pipeline_mode = #tpu.pipeline_mode<synchronous>, transform_indices = @transform_1, window_bounds = array<i64: 2, 128>}, {transform_indices = @transform_2, window_bounds = array<i64: 1000, 128>}, {transform_indices = @transform_3, window_bounds = array<i64: 1000, 128>}]} {
    %get3A = arith.constant 0 : index
    %get3A_0 = arith.constant 0 : index
    %get3A_1 = vector.load %arg1[%get3A, %get3A_0] : memref<1000x128xf32, #tpu.memory_space<vmem>>, vector<1000x128xf32>
    %get3A_2 = arith.constant 0 : index
    %get3A_3 = arith.constant 0 : index
    %get3A_4 = vector.load %arg2[%get3A_2, %get3A_3] : memref<2x128xf32, #tpu.memory_space<vmem>>, vector<1x128xf32>
    %mul3A = vector.broadcast %get3A_4 : vector<1x128xf32> to vector<1000x128xf32>
    %mul3A_5 = arith.mulf %get3A_1, %mul3A : vector<1000x128xf32>
    %get3A_6 = arith.constant 1 : index
    %get3A_7 = arith.constant 0 : index
    %get3A_8 = vector.load %arg2[%get3A_6, %get3A_7] : memref<2x128xf32, #tpu.memory_space<vmem>>, vector<1x128xf32>
    %add3A = vector.broadcast %get3A_8 : vector<1x128xf32> to vector<1000x128xf32>
    %add3A_9 = arith.addf %mul3A_5, %add3A : vector<1000x128xf32>
    %get3A_10 = arith.constant 0 : index
    %get3A_11 = arith.constant 0 : index
    %get3A_12 = vector.load %arg3[%get3A_10, %get3A_11] : memref<1000x128xf32, #tpu.memory_space<vmem>>, vector<1000x128xf32>
    %add3A_13 = arith.addf %add3A_9, %get3A_12 : vector<1000x128xf32>
    %max3A = arith.constant 0.000000e+00 : f32
    %max3A_14 = vector.broadcast %max3A : f32 to vector<1000x128xf32>
    %max3A_15 = arith.maximumf %add3A_13, %max3A_14 : vector<1000x128xf32>
    %swap3A = arith.constant 0 : index
    %swap3A_16 = arith.constant 0 : index
    %swap3A_17 = vector.load %arg4[%swap3A, %swap3A_16] : memref<1000x128xf32, #tpu.memory_space<vmem>>, vector<1000x128xf32>
    tpu.vector_store %arg4[%swap3A, %swap3A_16], %max3A_15 {strides = array<i32>} : memref<1000x128xf32, #tpu.memory_space<vmem>>, vector<1000x128xf32>,
    return
  }
  func.func @transform_0(%arg0: i32) -> (i32, i32) {
    %c0_i32 = arith.constant 0 : i32
    %c0_i32_0 = arith.constant 0 : i32
    return %arg0, %c0_i32 : i32, i32
  }
  func.func @transform_1(%arg0: i32) -> (i32, i32) {
    %c0_i32 = arith.constant 0 : i32
    %c0_i32_0 = arith.constant 0 : i32
    %c0_i32_1 = arith.constant 0 : i32
    return %c0_i32, %c0_i32_0 : i32, i32
  }
  func.func @transform_2(%arg0: i32) -> (i32, i32) {
    %c0_i32 = arith.constant 0 : i32
    %c0_i32_0 = arith.constant 0 : i32
    return %arg0, %c0_i32 : i32, i32
  }
  func.func @transform_3(%arg0: i32) -> (i32, i32) {
    %c0_i32 = arith.constant 0 : i32
    %c0_i32_0 = arith.constant 0 : i32
    return %arg0, %c0_i32 : i32, i32
  }
}

</mosaic_0001>

<sc_bundles>
// kernel: kernel.12.cloned.1.call-start
scs
__scs_entry_jumppad:
0x0: {  	(pc) =	sbr.rel $0x88, $3  }
0x1: {  	(tag) =	ssettag $0x0;
	lr =	simm.s32 $0x1  }
0x2: {  	[smem:$0x3F99] =	sst lr;
	_ =	strace $0xD0000000  }
0x3: {  	_ = 	snop  }
0x4: {  	_ = 	snop  }
0x5: {  	_ = 	snop  }
0x6: {  	_ = 	snop  }
0x7: {  	_ = 	snop  }
__scs_overlays_trampoline_lowered:
0x8: {  	[smem:$0x3FA8] =	sst s0  }
0x9: {  	[smem:$0x3FA9] =	sst s1  }
0xa: {  	[smem:$0x3FAA] =	sst s2  }
0xb: {  	[smem:$0x3FAB] =	sst s3  }
0xc: {  	[smem:$0x3FAC] =	sst s4  }
0xd: {  	[smem:$0x3FAD] =	sst s5  }
0xe: {  	[smem:$0x3FAE] =	sst s6  }
0xf: {  	[smem:$0x3FAF] =	sst s7  }
0x10: {  	[smem:$0x3FB0] =	sst s8  }
0x11: {  	[smem:$0x3FB1] =	sst s9;
	s0 =	simm.s32 @!p0 $0x0  }
0x12: {  	s1 =	sld [smem:$0x3F97];
	s0 =	simm.s32 @p0 $0x1  }
0x13: {  	[smem:$0x3FB2] =	sst s0;
	s0 =	simm.s32 @!p1 $0x0  }
0x14: {  	s2 =	sld [smem:$0x3F96];
	s0 =	simm.s32 @p1 $0x1  }
0x15: {  	[smem:$0x3FB3] =	sst s0;
	s0 =	simm.s32 @!p2 $0x0  }
0x16: {  	s3 =	sld [smem:$0x3FDB];
	s0 =	simm.s32 @p2 $0x1  }
0x17: {  	s4 =	simm.s32 $0x1BF5;
	[smem:$0x3FB5] =	sst s0  }
0x18: {  	s0 =	sld [smem:$0x3F98];
	_ =	swait.ge [sflag:s4], $0x0  }
0x19: {  	s7 =	sld [smem:$0x3F99]  }
0x1a: {  	s8 =	sadd.s32 $0xFFFFE003, lr  }
0x1b: {  	s9 =	sadd.s32 $0xFFFFFEF7, lr;
	s5 =	simm.s32 $0xFFFFFFFF;
	p2 =	slt.u32 s8, $0xFFFFF086  }
0x1c: {  	p1 =	slt.u32 s9, $0xF7A;
	s5 =	simm.s32 @!p2 $0x0  }
0x1d: {  	s5 =	simm.s32 @p1 $0x1;
	p0 =	seq.s32 s7, s2  }
0x1e: {  	s7 =	smul.u32 @!p0 $0xF7A, s2;
	p2 =	seq.s32 @!p0 s5, $0x0  }
0x1f: {  	s9 =	smul.u32 $0xF7A, s1;
	s8 =	simm.s32 @!p0 $0x1BF5;
	p2 =	por !p2, p0  }
0x20: {  	[sflag:s8] =	ssyncset.s32 @!p0 $0xFFFFF086;
	s6 =	sadd.s32 @!p0 s3, s7;
	s7 =	simm.s32 @!p0 $0x108  }
0x21: {  	s3 =	sadd.s32 s3, s9;
	s6 =	sadd.s32 @!p0 $0x88, s6;
	s7 =	simm.s32 @p2 $0x1082  }
0x22: {  	[simem:s7], [sflag:s8] =	dma.local @!p0 [hbm:s6], $0xF7A  }
0x23: {  	s9 =	sor.u32 $0xD0000000, s2;
	s6 =	simm.s32 $0x108;
	_ =	swait.ge @!p0 [sflag:s8], $0x0  }
0x24: {  	s3 =	sadd.s32 $0x88, s3;
	s6 =	simm.s32 @!p1 $0x1082;
	[sflag:s4] =	ssyncset.s32 $0xFFFFF086  }
0x25: {  	[simem:s6], [sflag:s4] =	dma.local [hbm:s3], $0xF7A  }
0x26: {  	[smem:$0x3F99] =	sst s1;
	(tag) =	ssettag s2;
	_ =	strace s9  }
0x27: {  	s1 =	sld [smem:$0x3FA9]  }
0x28: {  	s2 =	sld [smem:$0x3FAA]  }
0x29: {  	s4 =	sld [smem:$0x3FAC]  }
0x2a: {  	p0 =	seq.s32 s5, $0x0;
	s5 =	sld [smem:$0x3FAD]  }
0x2b: {  	s6 =	sld [smem:$0x3FAE]  }
0x2c: {  	s7 =	sld [smem:$0x3FAF]  }
0x2d: {  	s3 =	simm.s32 $0x108;
	s8 =	sld [smem:$0x3FB0]  }
0x2e: {  	s3 =	simm.s32 @!p0 $0x1082;
	s9 =	sld [smem:$0x3FB1]  }
0x2f: {  	lr =	sadd.s32 s0, s3;
	s0 =	sld [smem:$0x3FA8]  }
0x30: {  	s3 =	sld [smem:$0x3FAB]  }
0x31: {  	[smem:$0x3FB4] =	sst s10  }
0x32: {  	s10 =	sld [smem:$0x3FB2];
	_ =	sdelay $0x3  }
0x33: {  	p0 =	seq.s32 s10, $0x1;
	s10 =	sld [smem:$0x3FB4];
	_ =	sdelay $0x3  }
0x34: {  	[smem:$0x3FB4] =	sst s10  }
0x35: {  	s10 =	sld [smem:$0x3FB3];
	_ =	sdelay $0x3  }
0x36: {  	p1 =	seq.s32 s10, $0x1;
	s10 =	sld [smem:$0x3FB4];
	_ =	sdelay $0x3  }
0x37: {  	[smem:$0x3FB4] =	sst s10  }
0x38: {  	s10 =	sld [smem:$0x3FB5]  }
0x39: {  	_ = 	snop;
	(pc) =	sbr.ind lr, $3  }
0x3a: {  	_ = 	snop  }
0x3b: {  	_ = 	snop  }
0x3c: {  	p2 =	seq.s32 s10, $0x1;
	s10 =	sld [smem:$0x3FB4]  }
0x3d: {  	_ =	shalt  }
0x3e: {  	_ =	shalt  }
0x3f: {  	_ =	shalt  }
0x40: {  	_ =	shalt  }
0x41: {  	_ =	shalt  }
0x42: {  	_ =	shalt  }
0x43: {  	_ =	shalt  }
0x44: {  	_ =	shalt  }
0x45: {  	_ =	shalt  }
0x46: {  	_ =	shalt  }
0x47: {  	_ =	shalt  }
0x48: {  	_ =	shalt  }
0x49: {  	_ =	shalt  }
0x4a: {  	_ =	shalt  }
0x4b: {  	_ =	shalt  }
0x4c: {  	_ =	shalt  }
0x4d: {  	_ =	shalt  }
0x4e: {  	_ =	shalt  }
0x4f: {  	_ =	shalt  }
0x50: {  	_ =	shalt  }
0x51: {  	_ =	shalt  }
0x52: {  	_ =	shalt  }
0x53: {  	_ =	shalt  }
0x54: {  	_ =	shalt  }
0x55: {  	_ =	shalt  }
0x56: {  	_ =	shalt  }
0x57: {  	_ =	shalt  }
0x58: {  	_ =	shalt  }
0x59: {  	_ =	shalt  }
0x5a: {  	_ =	shalt  }
0x5b: {  	_ =	shalt  }
0x5c: {  	_ =	shalt  }
0x5d: {  	_ =	shalt  }
0x5e: {  	_ =	shalt  }
0x5f: {  	_ =	shalt  }
0x60: {  	_ =	shalt  }
0x61: {  	_ =	shalt  }
0x62: {  	_ =	shalt  }
0x63: {  	_ =	shalt  }
0x64: {  	_ =	shalt  }
0x65: {  	_ =	shalt  }
0x66: {  	_ =	shalt  }
0x67: {  	_ =	shalt  }
0x68: {  	_ =	shalt  }
0x69: {  	_ =	shalt  }
0x6a: {  	_ =	shalt  }
0x6b: {  	_ =	shalt  }
0x6c: {  	_ =	shalt  }
0x6d: {  	_ =	shalt  }
0x6e: {  	_ =	shalt  }
0x6f: {  	_ =	shalt  }
0x70: {  	_ =	shalt  }
0x71: {  	_ =	shalt  }
0x72: {  	_ =	shalt  }
0x73: {  	_ =	shalt  }
0x74: {  	_ =	shalt  }
0x75: {  	_ =	shalt  }
0x76: {  	_ =	shalt  }
0x77: {  	_ =	shalt  }
0x78: {  	_ =	shalt  }
0x79: {  	_ =	shalt  }
0x7a: {  	_ =	shalt  }
0x7b: {  	_ =	shalt  }
0x7c: {  	_ =	shalt  }
0x7d: {  	_ =	shalt  }
0x7e: {  	_ =	shalt  }
0x7f: {  	_ =	shalt  }
0x80: {  	_ =	shalt  }
0x81: {  	_ =	shalt  }
0x82: {  	_ =	shalt  }
0x83: {  	_ =	shalt  }
0x84: {  	_ =	shalt  }
0x85: {  	_ =	shalt  }
0x86: {  	_ =	shalt  }
0x87: {  	_ =	shalt  }
.Lfunc_end0:
.L_simem_size_0:
called_computation.1_lowered:
.L_overlay_start_0:
0x88: {  	s2 =	sld [smem:$0x3FD9]  }
0x89: {  	s3 =	sld [smem:$0x3FFE];
	_ =	sdelay $0x1  }
0x8a: {  	s1 =	srdreg.scid  }
0x8b: {  	s0 =	sand.u32 $0x1, s1  }
0x8c: {  	s17 =	sshll.u32 s0, $0xA;
	s2 =	sadd.s32 s3, s2  }
0x8d: {  	s2 =	sadd.s32 s2, s17  }
0x8e: {  	[smem:$0x3FC0] =	sst s2  }
0x8f: {  	_ = 	snop  }
0x90: {  	s2 =	sld [smem:$0x3FD0];
	(tm) =	ssettm $0x1  }
0x91: {  	s18 =	sld [smem:$0x3FFB];
	_ =	sdelay $0x3  }
0x92: {  	_ =	strace s18  }
0x93: {  	s3 =	sld [smem:$0x3FFC];
	_ =	sdelay $0x3  }
0x94: {  	_ =	strace s3  }
0x95: {  	s3 =	sld [smem:$0x3FFD];
	_ =	sdelay $0x3  }
0x96: {  	_ =	strace s3  }
0x97: {  	_ =	strace $0x8FFFFFFF  }
0x98: {  	s19 =	sld [smem:$0x3FDB];
	_ =	sdelay $0x1  }
0x99: {  	s4 =	simm.s32 $_scs_section_size  }
0x9a: {  	s5 =	simm.s32 $_size__tile_overlayer_lowered;
	s6 =	simm.s32 $_tile_overlayer_lowered  }
0x9b: {  	s22 =	simm.s32 $0x1BFF;
	s21 =	sshll.u32 s6, $0x1;
	s3 =	sadd.s32 s4, s19  }
0x9c: {  	s7 =	simm.s32 $0x0;
	s20 =	sshll.u32 s5, $0x1;
	s5 =	sadd.s32 s21, s3  }
0x9d: {  	[timem:s7], [sflag:s22] =	dma.local [hbm:s5], s20  }
0x9e: {  	_ =	swait.ge [sflag:s22], s20  }
0x9f: {  	s4 =	ssub.s32 $0x0, s20;
	[sflag:s22] =	ssyncset.done $0x0  }
0xa0: {  	[sflag:s22] =	ssyncadd.s32 s4;
	_ =	sdelay $0x1  }
0xa1: {  	s23 =	simm.s32 $0x1B8B  }
0xa2: {  	_ =	swait.ge [sflag:s23], $0x1  }
0xa3: {  	[sflag:s23] =	ssyncset.done $0x0  }
0xa4: {  	s25 =	simm.s32 $0x1B8E;
	s24 =	sld [smem:$0x3FFE];
	[sflag:s23] =	ssyncadd.s32 $0xFFFFFFFF  }
0xa5: {  	s26 =	simm.s32 $execute0_lowered;
	[smem:$0x3FD2] =	sst s25  }
0xa6: {  	s5 =	sshll.u32 s26, $0x1;
	_ =	strace $0x80000049;
	[dreg:$0x1] =	wrdreg $0xFFFFFFFF  }
0xa7: {  	s28 =	simm.s32 $_size_execute0_lowered;
	s3 =	sadd.s32 s3, s5;
	[dreg:$0x0] =	wrdreg $0x0  }
0xa8: {  	s5 =	sshll.u32 s28, $0x1;
	[dreg:$0x2] =	wrdreg s3  }
0xa9: {  	[dreg:$0x3] =	wrdreg s5  }
0xaa: {  	[dreg:$0x4] =	wrdreg $0xC0  }
0xab: {  	_ =	task [dreg:s7], $0x5FFFF  }
0xac: {  	[dreg:$0x1] =	wrdreg $0xFFFFFFFF  }
0xad: {  	[dreg:$0x0] =	wrdreg $0x60  }
0xae: {  	[dreg:$0x2] =	wrdreg s2  }
0xaf: {  	[dreg:$0x3] =	wrdreg s24  }
0xb0: {  	[dreg:$0x4] =	wrdreg $0x0  }
0xb1: {  	[dreg:$0x5] =	wrdreg $0x9  }
0xb2: {  	_ =	task.clear_ibuf [dreg:s7], $0x6FFFF;
	_ =	strace $0x90000049  }
0xb3: {  	s29 =	simm.s32 $0x9;
	_ =	strace $0x8000004B  }
0xb4: {  	_ =	swait.ge [sflag:s29], $0x1  }
0xb5: {  	[sflag:s29] =	ssyncadd.s32 $0xFFFFFFFF  }
0xb6: {  	_ =	strace $0x9000004B  }
0xb7: {  	_ =	sfence  }
0xb8: {  	s30 =	sld [smem:$0x0];
	_ =	sdelay $0x2  }
0xb9: {  	s31 =	sshll.u32 s1, $0xD;
	s1 =	sshrl.u32 s1, $0x2  }
0xba: {  	s3 =	sand.u32 $0x4000, s31;
	s1 =	sadd.s32 s1, s30  }
0xbb: {  	s0 =	sor.u32 s3, s0;
	s1 =	sshll.u32 s1, $0x11  }
0xbc: {  	s0 =	sor.u32 s1, s0  }
0xbd: {  	s0 =	sadd.s32 $0x8F2B, s0  }
0xbe: {  	[sflag:s0] =	ssyncadd.remote.s32 $0x1  }
0xbf: {  	_ =	sfence.sel $0xFFFF  }
0xc0: {  	[dreg:$0x0] =	wrdreg $0xFFFFFFFF;
	(pc) =	sbr.abs _section_cstart, $3  }
0xc1: {  	[dreg:$0x1] =	wrdreg $0xFFFFFFFF  }
0xc2: {  	_ =	task.clear_ibuf [dreg:s7], $0x2FFFF;
	_ =	strace $0x9FFFFFFF  }
0xc3: {  	(tm) =	ssettm $0x7FFFFFFF  }
tec
execute0_lowered:
.L_overlay_start_1:
0x0: {  	(tag) =	ssettag $0x1  }
0x1: {  	s0 =	rddreg [dreg:$0x0]  }
0x2: {  	s1 =	rddreg [dreg:$0x1]  }
0x3: {  	s2 =	rddreg [dreg:$0x2]  }
0x4: {  	s4 =	simm.s32 $0x0;
	s9 =	stileid.u32;
	s3 =	srdreg.scid  }
0x5: {  	s12 =	simm.s32 $0xD;
	s14 =	simm.s32 $0xED60;
	s15 =	simm.s32 $0x80  }
0x6: {  	s16 =	simm.s32 $0x13E60;
	s18 =	simm.s32 $0x15E60;
	s20 =	simm.s32 $0x17E60  }
0x7: {  	s28 =	simm.s32 $0x1BE60;
	s29 =	simm.s32 $0x3;
	s17 =	simm.s32 $0x7  }
0x8: {  	s19 =	simm.s32 $0x5;
	s30 =	simm.s32 $0xA;
	s21 =	smul.u32 $0x13880, s9  }
0x9: {  	s31 =	simm.s32 $0xB;
	[smem:$0x7FF] =	sst s4;
	s5 =	smul.u32 $0xA20, s9  }
0xa: {  	s3 =	sand.u32 $0x1, s3;
	s7 =	smul.u32 $0x9C40, s9;
	s24 =	sshll.u32 s9, $0x6  }
0xb: {  	_ =	strace $0x8000004A;
	s6 =	sshll.u32 s3, $0x6;
	s22 =	ssub.s32 $0x2, s3  }
0xc: {  	s3 =	smul.u32 $0x13880, s3;
	s4 =	sor.u32 s6, s21;
	s8 =	sshrl.u32 s22, $0x1  }
0xd: {  	s5 =	sadd.s32 s5, s1;
	s23 =	sshrl.u32 s7, $0x3;
	s7 =	sadd.s32 s7, s2  }
0xe: {  	s6 =	sor.u32 $0x1C0D, s24;
	s21 =	simm.s32 $0x1;
	s24 =	simm.s32 $0x2  }
0xf: {  	s4 =	sshrl.u32 s4, $0x3;
	s8 =	ssub.s32 s22, s8;
	s25 =	sadd.s32 $0x1600, s5  }
0x10: {  	s26 =	sadd.s32 $0xB800, s5;
	s11 =	sshrl.u32 s7, $0x3;
	s22 =	simm.s32 $0x8  }
0x11: {  	s5 =	simm.s32 $0x0;
	s1 =	sadd.s32 s4, s1;
	[dreg:$0x5] =	wrdreg s25  }
0x12: {  	s4 =	sadd.s32 s0, s3;
	[dreg:$0x6] =	wrdreg s26;
	s10 =	smax.u32 s8, $0x1  }
0x13: {  	s25 =	simm.s32 $0x6;
	s26 =	simm.s32 $0x9;
	s3 =	simm.s32 $0xC  }
0x14: {  	s0 =	sadd.s32 s23, s4;
	s9 =	sadd.s32 $0x15A00, s1;
	s23 =	simm.s32 $0x19E60  }
0x15: {  	s1 =	simm.s32 $0x4;
	[dreg:$0x4] =	wrdreg s0;
	s0 =	simm.s32 $0x1DE60  }
.LBB2_1:
0x16: {  	s7 =	rddreg [dreg:$0x4]  }
0x17: {  	[spmem:s11], [sflag:s6] =	dma.local [hbm:s7], $0x1388  }
0x18: {  	_ =	swait.ge [sflag:s12], $0x1388  }
0x19: {  	s13 =	simm.s32 $0x9C60;
	[sflag:s12] =	ssyncset.done $0x0  }
0x1a: {  	s7 =	simm.s32 $0x0;
	s8 =	rddreg [dreg:$0x5];
	[sflag:s12] =	ssyncadd.s32 $0xFFFFEC78  }
0x1b: {  	[tilespmem:s13], [sflag:$0xD] =	stream.linear.gather [hbm4b:s8+s7], $0x5100, $0x38;
	[tilespmem:$0x1FE60] =	vst v63  }
0x1c: {  	_ =	swait.ge [sflag:s12], $0x5100  }
0x1d: {  	[sflag:s12] =	ssyncset.done $0x0  }
0x1e: {  	s8 =	rddreg [dreg:$0x6];
	[sflag:s12] =	ssyncadd.s32 $0xFFFFAF00  }
0x1f: {  	[tilespmem:s14], [sflag:$0xD] =	stream.linear.gather [hbm4b:s8+s7], $0x5100, $0x38;
	[tilespmem:$0x1FE60] =	vst v63  }
0x20: {  	_ =	swait.ge [sflag:s12], $0x5100  }
0x21: {  	[sflag:s12] =	ssyncset.done $0x0  }
0x22: {  	[sflag:s12] =	ssyncadd.s32 $0xFFFFAF00  }
0x23: {  	[bflag:$0x0] =	sbarrier.arrive $0xFFFF  }
0x24: {  	[tilespmem:s16], [sflag:$0x1] =	stream.indirect.gather [hbm4b:s4+s15], $0x40, s13, s15, $0xb8;
	[tilespmem:$0x1FE60] =	vst v63  }
0x25: {  	s8 =	simm.s32 $0x9CE0  }
0x26: {  	[tilespmem:s18], [sflag:$0x2] =	stream.indirect.gather [hbm4b:s4+s15], $0x40, s8, s15, $0xb8;
	[tilespmem:$0x1FE60] =	vst v63  }
0x27: {  	s13 =	simm.s32 $0x9D60  }
0x28: {  	[tilespmem:s20], [sflag:$0x3] =	stream.indirect.gather [hbm4b:s4+s15], $0x40, s13, s15, $0xb8;
	[tilespmem:$0x1FE60] =	vst v63  }
0x29: {  	_ =	swait.ge [sflag:s21], $0x2000  }
0x2a: {  	[sflag:s21] =	ssyncset.done $0x0  }
0x2b: {  	[sflag:s21] =	ssyncadd.s32 $0xFFFFE000  }
0x2c: {  	[spmem:s2] =	stream.indirect.scatter.add.f32 [tilespmem:s16], [sflag:$0x7], $0x40, s14, s15, $0xb8;
	[tilespmem:$0x1FE60] =	vst v63  }
0x2d: {  	s8 =	simm.s32 $0x9DE0  }
0x2e: {  	[tilespmem:s23], [sflag:$0x4] =	stream.indirect.gather [hbm4b:s4+s15], $0x40, s8, s15, $0xb8;
	[tilespmem:$0x1FE60] =	vst v63  }
0x2f: {  	_ =	swait.ge [sflag:s24], $0x2000  }
0x30: {  	[sflag:s24] =	ssyncset.done $0x0  }
0x31: {  	s13 =	simm.s32 $0xEDE0;
	[sflag:s24] =	ssyncadd.s32 $0xFFFFE000  }
0x32: {  	[spmem:s2] =	stream.indirect.scatter.add.f32 [tilespmem:s18], [sflag:$0x8], $0x40, s13, s15, $0xb8;
	[tilespmem:$0x1FE60] =	vst v63  }
0x33: {  	s8 =	simm.s32 $0x9E60  }
0x34: {  	[tilespmem:s28], [sflag:$0x5] =	stream.indirect.gather [hbm4b:s4+s15], $0x40, s8, s15, $0xb8;
	[tilespmem:$0x1FE60] =	vst v63  }
0x35: {  	_ =	swait.ge [sflag:s29], $0x2000  }
0x36: {  	[sflag:s29] =	ssyncset.done $0x0  }
0x37: {  	s13 =	simm.s32 $0xEE60;
	[sflag:s29] =	ssyncadd.s32 $0xFFFFE000  }
0x38: {  	[spmem:s2] =	stream.indirect.scatter.add.f32 [tilespmem:s20], [sflag:$0x9], $0x40, s13, s15, $0xb8;
	[tilespmem:$0x1FE60] =	vst v63  }
0x39: {  	s8 =	simm.s32 $0x9EE0  }
0x3a: {  	[tilespmem:s0], [sflag:$0x6] =	stream.indirect.gather [hbm4b:s4+s15], $0x40, s8, s15, $0xb8;
	[tilespmem:$0x1FE60] =	vst v63  }
0x3b: {  	_ =	swait.ge [sflag:s1], $0x2000  }
0x3c: {  	[sflag:s1] =	ssyncset.done $0x0  }
0x3d: {  	s13 =	simm.s32 $0xEEE0;
	[sflag:s1] =	ssyncadd.s32 $0xFFFFE000  }
0x3e: {  	[spmem:s2] =	stream.indirect.scatter.add.f32 [tilespmem:s23], [sflag:$0xA], $0x40, s13, s15, $0xb8;
	[tilespmem:$0x1FE60] =	vst v63  }
0x3f: {  	_ =	swait.ge [sflag:s17], $0x2000  }
0x40: {  	[sflag:s17] =	ssyncset.done $0x0  }
0x41: {  	s8 =	simm.s32 $0x9F60;
	[sflag:s17] =	ssyncadd.s32 $0xFFFFE000  }
0x42: {  	[tilespmem:s16], [sflag:$0x1] =	stream.indirect.gather [hbm4b:s4+s15], $0x40, s8, s15, $0xb8;
	[tilespmem:$0x1FE60] =	vst v63  }
0x43: {  	_ =	swait.ge [sflag:s19], $0x2000  }
0x44: {  	[sflag:s19] =	ssyncset.done $0x0  }
0x45: {  	s13 =	simm.s32 $0xEF60;
	[sflag:s19] =	ssyncadd.s32 $0xFFFFE000  }
0x46: {  	[spmem:s2] =	stream.indirect.scatter.add.f32 [tilespmem:s28], [sflag:$0xB], $0x40, s13, s15, $0xb8;
	[tilespmem:$0x1FE60] =	vst v63  }
0x47: {  	_ =	swait.ge [sflag:s22], $0x2000  }
0x48: {  	[sflag:s22] =	ssyncset.done $0x0  }
0x49: {  	s8 =	simm.s32 $0x9FE0;
	[sflag:s22] =	ssyncadd.s32 $0xFFFFE000  }
0x4a: {  	[tilespmem:s18], [sflag:$0x2] =	stream.indirect.gather [hbm4b:s4+s15], $0x40, s8, s15, $0xb8;
	[tilespmem:$0x1FE60] =	vst v63  }
0x4b: {  	_ =	swait.ge [sflag:s25], $0x2000  }
0x4c: {  	[sflag:s25] =	ssyncset.done $0x0  }
0x4d: {  	s13 =	simm.s32 $0xEFE0;
	[sflag:s25] =	ssyncadd.s32 $0xFFFFE000  }
0x4e: {  	[spmem:s2] =	stream.indirect.scatter.add.f32 [tilespmem:s0], [sflag:$0xC], $0x40, s13, s15, $0xb8;
	[tilespmem:$0x1FE60] =	vst v63  }
0x4f: {  	_ =	swait.ge [sflag:s26], $0x2000  }
0x50: {  	[sflag:s26] =	ssyncset.done $0x0  }
0x51: {  	s8 =	simm.s32 $0xA060;
	[sflag:s26] =	ssyncadd.s32 $0xFFFFE000  }
0x52: {  	[tilespmem:s20], [sflag:$0x3] =	stream.indirect.gather [hbm4b:s4+s15], $0x40, s8, s15, $0xb8;
	[tilespmem:$0x1FE60] =	vst v63  }
0x53: {  	_ =	swait.ge [sflag:s21], $0x2000  }
0x54: {  	[sflag:s21] =	ssyncset.done $0x0  }
0x55: {  	s13 =	simm.s32 $0xF060;
	[sflag:s21] =	ssyncadd.s32 $0xFFFFE000  }
0x56: {  	[spmem:s2] =	stream.indirect.scatter.add.f32 [tilespmem:s16], [sflag:$0x7], $0x40, s13, s15, $0xb8;
	[tilespmem:$0x1FE60] =	vst v63  }
0x57: {  	_ =	swait.ge [sflag:s30], $0x2000  }
0x58: {  	[sflag:s30] =	ssyncset.done $0x0  }
0x59: {  	s8 =	simm.s32 $0xA0E0;
	[sflag:s30] =	ssyncadd.s32 $0xFFFFE000  }
0x5a: {  	[tilespmem:s23], [sflag:$0x4] =	stream.indirect.gather [hbm4b:s4+s15], $0x40, s8, s15, $0xb8;
	[tilespmem:$0x1FE60] =	vst v63  }
0x5b: {  	_ =	swait.ge [sflag:s24], $0x2000  }
0x5c: {  	[sflag:s24] =	ssyncset.done $0x0  }
0x5d: {  	s13 =	simm.s32 $0xF0E0;
	[sflag:s24] =	ssyncadd.s32 $0xFFFFE000  }
0x5e: {  	[spmem:s2] =	stream.indirect.scatter.add.f32 [tilespmem:s18], [sflag:$0x8], $0x40, s13, s15, $0xb8;
	[tilespmem:$0x1FE60] =	vst v63  }
0x5f: {  	_ =	swait.ge [sflag:s31], $0x2000  }
0x60: {  	[sflag:s31] =	ssyncset.done $0x0  }
0x61: {  	s8 =	simm.s32 $0xA160;
	[sflag:s31] =	ssyncadd.s32 $0xFFFFE000  }
0x62: {  	[tilespmem:s28], [sflag:$0x5] =	stream.indirect.gather [hbm4b:s4+s15], $0x40, s8, s15, $0xb8;
	[tilespmem:$0x1FE60] =	vst v63  }
0x63: {  	_ =	swait.ge [sflag:s29], $0x2000  }
0x64: {  	[sflag:s29] =	ssyncset.done $0x0  }
0x65: {  	s13 =	simm.s32 $0xF160;
	[sflag:s29] =	ssyncadd.s32 $0xFFFFE000  }
0x66: {  	[spmem:s2] =	stream.indirect.scatter.add.f32 [tilespmem:s20], [sflag:$0x9], $0x40, s13, s15, $0xb8;
	[tilespmem:$0x1FE60] =	vst v63  }
0x67: {  	_ =	swait.ge [sflag:s3], $0x2000  }
0x68: {  	[sflag:s3] =	ssyncset.done $0x0  }
0x69: {  	s7 =	simm.s32 $0xC00;
	s8 =	simm.s32 $0xA1E0;
	[sflag:s3] =	ssyncadd.s32 $0xFFFFE000  }
.LBB2_2:
0x6a: {  	[tilespmem:s0], [sflag:$0x6] =	stream.indirect.gather [hbm4b:s4+s15], $0x40, s8, s15, $0xb8;
	[tilespmem:$0x1FE60] =	vst v63  }
0x6b: {  	s8 =	smov.u32 s7  }
0x6c: {  	p0 =	sne.s32 s7, $0x12C00;
	s7 =	sadd.s32 $0xC00, s7;
	_ =	swait.ge [sflag:s1], $0x2000  }
0x6d: {  	s8 =	sshra.s32 s8, $0x2;
	[sflag:s1] =	ssyncset.done $0x0  }
0x6e: {  	s13 =	sadd.s32 $0xEEE0, s8;
	[sflag:s1] =	ssyncadd.s32 $0xFFFFE000  }
0x6f: {  	[spmem:s2] =	stream.indirect.scatter.add.f32 [tilespmem:s23], [sflag:$0xA], $0x40, s13, s15, $0xb8;
	[tilespmem:$0x1FE60] =	vst v63  }
0x70: {  	_ =	swait.ge [sflag:s17], $0x2000  }
0x71: {  	[sflag:s17] =	ssyncset.done $0x0  }
0x72: {  	s13 =	sadd.s32 $0x9F60, s8;
	[sflag:s17] =	ssyncadd.s32 $0xFFFFE000  }
0x73: {  	[tilespmem:s16], [sflag:$0x1] =	stream.indirect.gather [hbm4b:s4+s15], $0x40, s13, s15, $0xb8;
	[tilespmem:$0x1FE60] =	vst v63  }
0x74: {  	_ =	swait.ge [sflag:s19], $0x2000  }
0x75: {  	[sflag:s19] =	ssyncset.done $0x0  }
0x76: {  	s13 =	sadd.s32 $0xEF60, s8;
	[sflag:s19] =	ssyncadd.s32 $0xFFFFE000  }
0x77: {  	[spmem:s2] =	stream.indirect.scatter.add.f32 [tilespmem:s28], [sflag:$0xB], $0x40, s13, s15, $0xb8;
	[tilespmem:$0x1FE60] =	vst v63  }
0x78: {  	_ =	swait.ge [sflag:s22], $0x2000  }
0x79: {  	[sflag:s22] =	ssyncset.done $0x0  }
0x7a: {  	s13 =	sadd.s32 $0x9FE0, s8;
	[sflag:s22] =	ssyncadd.s32 $0xFFFFE000  }
0x7b: {  	[tilespmem:s18], [sflag:$0x2] =	stream.indirect.gather [hbm4b:s4+s15], $0x40, s13, s15, $0xb8;
	[tilespmem:$0x1FE60] =	vst v63  }
0x7c: {  	_ =	swait.ge [sflag:s25], $0x2000  }
0x7d: {  	[sflag:s25] =	ssyncset.done $0x0  }
0x7e: {  	s13 =	sadd.s32 $0xEFE0, s8;
	[sflag:s25] =	ssyncadd.s32 $0xFFFFE000  }
0x7f: {  	[spmem:s2] =	stream.indirect.scatter.add.f32 [tilespmem:s0], [sflag:$0xC], $0x40, s13, s15, $0xb8;
	[tilespmem:$0x1FE60] =	vst v63  }
0x80: {  	_ =	swait.ge [sflag:s26], $0x2000  }
0x81: {  	[sflag:s26] =	ssyncset.done $0x0  }
0x82: {  	s13 =	sadd.s32 $0xA060, s8;
	[sflag:s26] =	ssyncadd.s32 $0xFFFFE000  }
0x83: {  	[tilespmem:s20], [sflag:$0x3] =	stream.indirect.gather [hbm4b:s4+s15], $0x40, s13, s15, $0xb8;
	[tilespmem:$0x1FE60] =	vst v63  }
0x84: {  	_ =	swait.ge [sflag:s21], $0x2000  }
0x85: {  	[sflag:s21] =	ssyncset.done $0x0  }
0x86: {  	s13 =	sadd.s32 $0xF060, s8;
	[sflag:s21] =	ssyncadd.s32 $0xFFFFE000  }
0x87: {  	[spmem:s2] =	stream.indirect.scatter.add.f32 [tilespmem:s16], [sflag:$0x7], $0x40, s13, s15, $0xb8;
	[tilespmem:$0x1FE60] =	vst v63  }
0x88: {  	_ =	swait.ge [sflag:s30], $0x2000  }
0x89: {  	[sflag:s30] =	ssyncset.done $0x0  }
0x8a: {  	s13 =	sadd.s32 $0xA0E0, s8;
	[sflag:s30] =	ssyncadd.s32 $0xFFFFE000  }
0x8b: {  	[tilespmem:s23], [sflag:$0x4] =	stream.indirect.gather [hbm4b:s4+s15], $0x40, s13, s15, $0xb8;
	[tilespmem:$0x1FE60] =	vst v63  }
0x8c: {  	_ =	swait.ge [sflag:s24], $0x2000  }
0x8d: {  	[sflag:s24] =	ssyncset.done $0x0  }
0x8e: {  	s13 =	sadd.s32 $0xF0E0, s8;
	[sflag:s24] =	ssyncadd.s32 $0xFFFFE000  }
0x8f: {  	[spmem:s2] =	stream.indirect.scatter.add.f32 [tilespmem:s18], [sflag:$0x8], $0x40, s13, s15, $0xb8;
	[tilespmem:$0x1FE60] =	vst v63  }
0x90: {  	_ =	swait.ge [sflag:s31], $0x2000  }
0x91: {  	[sflag:s31] =	ssyncset.done $0x0  }
0x92: {  	s13 =	sadd.s32 $0xA160, s8;
	[sflag:s31] =	ssyncadd.s32 $0xFFFFE000  }
0x93: {  	[tilespmem:s28], [sflag:$0x5] =	stream.indirect.gather [hbm4b:s4+s15], $0x40, s13, s15, $0xb8;
	[tilespmem:$0x1FE60] =	vst v63  }
0x94: {  	_ =	swait.ge [sflag:s29], $0x2000  }
0x95: {  	[sflag:s29] =	ssyncset.done $0x0  }
.Ltmp0:
0x96: {  	s13 =	sadd.s32 $0xF160, s8;
	[sflag:s29] =	ssyncadd.s32 $0xFFFFE000;
	(pc) =	sbr.rel @p0 .LBB2_2-.Ltmp0, $4  }
0x97: {  	[spmem:s2] =	stream.indirect.scatter.add.f32 [tilespmem:s20], [sflag:$0x9], $0x40, s13, s15, $0xb8;
	[tilespmem:$0x1FE60] =	vst v63  }
0x98: {  	_ =	swait.ge [sflag:s3], $0x2000  }
0x99: {  	[sflag:s3] =	ssyncset.done $0x0  }
0x9a: {  	s8 =	sadd.s32 $0xA1E0, s8;
	[sflag:s3] =	ssyncadd.s32 $0xFFFFE000  }
0x9b: {  	[tilespmem:s0], [sflag:$0x6] =	stream.indirect.gather [hbm4b:s4+s15], $0x40, s8, s15, $0xb8;
	[tilespmem:$0x1FE60] =	vst v63  }
0x9c: {  	_ =	swait.ge [sflag:s1], $0x2000  }
0x9d: {  	[sflag:s1] =	ssyncset.done $0x0  }
0x9e: {  	s7 =	simm.s32 $0x13CE0;
	[sflag:s1] =	ssyncadd.s32 $0xFFFFE000  }
0x9f: {  	[spmem:s2] =	stream.indirect.scatter.add.f32 [tilespmem:s23], [sflag:$0xA], $0x40, s7, s15, $0xb8;
	[tilespmem:$0x1FE60] =	vst v63  }
0xa0: {  	_ =	swait.ge [sflag:s19], $0x2000  }
0xa1: {  	[sflag:s19] =	ssyncset.done $0x0  }
0xa2: {  	s13 =	simm.s32 $0x13D60;
	[sflag:s19] =	ssyncadd.s32 $0xFFFFE000  }
0xa3: {  	[spmem:s2] =	stream.indirect.scatter.add.f32 [tilespmem:s28], [sflag:$0xB], $0x40, s13, s15, $0xb8;
	[tilespmem:$0x1FE60] =	vst v63  }
0xa4: {  	_ =	swait.ge [sflag:s25], $0x2000  }
0xa5: {  	[sflag:s25] =	ssyncset.done $0x0  }
0xa6: {  	s8 =	simm.s32 $0x13DE0;
	[sflag:s25] =	ssyncadd.s32 $0xFFFFE000  }
0xa7: {  	[spmem:s2] =	stream.indirect.scatter.add.f32 [tilespmem:s0], [sflag:$0xC], $0x40, s8, s15, $0xb8;
	[tilespmem:$0x1FE60] =	vst v63  }
0xa8: {  	_ =	swait.ge [sflag:s17], $0x2000  }
0xa9: {  	[sflag:s17] =	ssyncset.done $0x0  }
0xaa: {  	[sflag:s17] =	ssyncadd.s32 $0xFFFFE000  }
0xab: {  	_ =	swait.ge [sflag:s22], $0x2000  }
0xac: {  	[sflag:s22] =	ssyncset.done $0x0  }
0xad: {  	[sflag:s22] =	ssyncadd.s32 $0xFFFFE000  }
0xae: {  	_ =	swait.ge [sflag:s26], $0x2000  }
0xaf: {  	[sflag:s26] =	ssyncset.done $0x0  }
0xb0: {  	[sflag:s26] =	ssyncadd.s32 $0xFFFFE000  }
0xb1: {  	_ =	swait.ge [sflag:s30], $0x2000  }
0xb2: {  	[sflag:s30] =	ssyncset.done $0x0  }
0xb3: {  	[sflag:s30] =	ssyncadd.s32 $0xFFFFE000  }
0xb4: {  	_ =	swait.ge [sflag:s31], $0x2000  }
0xb5: {  	[sflag:s31] =	ssyncset.done $0x0  }
0xb6: {  	[sflag:s31] =	ssyncadd.s32 $0xFFFFE000  }
0xb7: {  	_ =	swait.ge [sflag:s3], $0x2000  }
0xb8: {  	s5 =	sadd.s32 $0x1, s5;
	[sflag:s3] =	ssyncset.done $0x0  }
0xb9: {  	p0 =	sne.s32 s5, s10;
	[sflag:s3] =	ssyncadd.s32 $0xFFFFE000  }
.Ltmp1:
0xba: {  	s13 =	simm.s32 $0x10;
	[bflag:$0x0] =	sbarrier.arrive $0xFFFF;
	(pc) =	sbr.rel @p0 .LBB2_1-.Ltmp1, $4  }
0xbb: {  	[hbm:s9@s13], [sflag:s6] =	dma.strided [spmem:s11@s22], $0x1388, s21, $0x8   }
0xbc: {  	_ =	swait.ge [sflag:s12], $0x1388  }
0xbd: {  	[sflag:s12] =	ssyncset.done $0x0  }
0xbe: {  	[sflag:s12] =	ssyncadd.s32 $0xFFFFEC78  }
0xbf: {  	_ =	sfence.sel $0x180000  }
0xc0: {  	[bflag:$0x0] =	sbarrier.arrive $0xFFFF  }
0xc1: {  	_ =	strace $0x9000004A  }
0xc2: {  	s0 =	stileid.u32;
	[bflag:$0x2] =	sbarrier.arrive $0xFFFF  }
0xc3: {  	p0 =	sne.s32 s0, $0x0;
	s0 =	rddreg [dreg:$0x3]  }
0xc4: {  	s0 =	sadd.s32 @!p0 $0x100000, s0  }
0xc5: {  	[sflag:s0] =	ssyncadd.tile.s32 @!p0 $0x1;
	_ =	shalt  }
.Lfunc_end2:
_tile_overlayer_lowered:
.L_overlay_start_2:
0xc6: {  	(tag) =	ssettag $0x2  }
0xc7: {  	s0 =	rddreg [dreg:$0x0];
	s2 =	stileid.u32  }
0xc8: {  	s1 =	rddreg [dreg:$0x1];
	p0 =	sne.s32 s2, $0x0  }
0xc9: {  	s3 =	rddreg [dreg:$0x2];
	[bflag:$0x3] =	sbarrier.arrive $0xFFFF;
	s2 =	simm.s32 @!p0 $0x1C0D  }
0xca: {  	[timem:s3], [sflag:s2] =	dma.local @!p0 [hbm:s0], s1  }
0xcb: {  	s0 =	simm.s32 @!p0 $0xD  }
0xcc: {  	_ =	swait.ge @!p0 [sflag:s0], s1  }
0xcd: {  	s1 =	ssub.s32 @!p0 $0x0, s1;
	[sflag:s0] =	ssyncset.done @!p0 $0x0  }
0xce: {  	[sflag:s0] =	ssyncadd.s32 @!p0 s1  }
0xcf: {  	[bflag:$0x3] =	sbarrier.arrive $0xFFFF  }
0xd0: {  	_ =	shalt  }

// kernel: kernel.9.cloned.1.call-start
scs
__scs_entry_jumppad:
0x0: {  	(pc) =	sbr.rel $0x88, $3  }
0x1: {  	(tag) =	ssettag $0x0;
	lr =	simm.s32 $0x1  }
0x2: {  	[smem:$0x3F99] =	sst lr;
	_ =	strace $0xD0000000  }
0x3: {  	_ = 	snop  }
0x4: {  	_ = 	snop  }
0x5: {  	_ = 	snop  }
0x6: {  	_ = 	snop  }
0x7: {  	_ = 	snop  }
__scs_overlays_trampoline_lowered:
0x8: {  	[smem:$0x3FA8] =	sst s0  }
0x9: {  	[smem:$0x3FA9] =	sst s1  }
0xa: {  	[smem:$0x3FAA] =	sst s2  }
0xb: {  	[smem:$0x3FAB] =	sst s3  }
0xc: {  	[smem:$0x3FAC] =	sst s4  }
0xd: {  	[smem:$0x3FAD] =	sst s5  }
0xe: {  	[smem:$0x3FAE] =	sst s6  }
0xf: {  	[smem:$0x3FAF] =	sst s7  }
0x10: {  	[smem:$0x3FB0] =	sst s8  }
0x11: {  	[smem:$0x3FB1] =	sst s9;
	s0 =	simm.s32 @!p0 $0x0  }
0x12: {  	s1 =	sld [smem:$0x3F97];
	s0 =	simm.s32 @p0 $0x1  }
0x13: {  	[smem:$0x3FB2] =	sst s0;
	s0 =	simm.s32 @!p1 $0x0  }
0x14: {  	s2 =	sld [smem:$0x3F96];
	s0 =	simm.s32 @p1 $0x1  }
0x15: {  	[smem:$0x3FB3] =	sst s0;
	s0 =	simm.s32 @!p2 $0x0  }
0x16: {  	s3 =	sld [smem:$0x3FDB];
	s0 =	simm.s32 @p2 $0x1  }
0x17: {  	s4 =	simm.s32 $0x1BF5;
	[smem:$0x3FB5] =	sst s0  }
0x18: {  	s0 =	sld [smem:$0x3F98];
	_ =	swait.ge [sflag:s4], $0x0  }
0x19: {  	s7 =	sld [smem:$0x3F99]  }
0x1a: {  	s8 =	sadd.s32 $0xFFFFE003, lr  }
0x1b: {  	s9 =	sadd.s32 $0xFFFFFEF7, lr;
	s5 =	simm.s32 $0xFFFFFFFF;
	p2 =	slt.u32 s8, $0xFFFFF086  }
0x1c: {  	p1 =	slt.u32 s9, $0xF7A;
	s5 =	simm.s32 @!p2 $0x0  }
0x1d: {  	s5 =	simm.s32 @p1 $0x1;
	p0 =	seq.s32 s7, s2  }
0x1e: {  	s7 =	smul.u32 @!p0 $0xF7A, s2;
	p2 =	seq.s32 @!p0 s5, $0x0  }
0x1f: {  	s9 =	smul.u32 $0xF7A, s1;
	s8 =	simm.s32 @!p0 $0x1BF5;
	p2 =	por !p2, p0  }
0x20: {  	[sflag:s8] =	ssyncset.s32 @!p0 $0xFFFFF086;
	s6 =	sadd.s32 @!p0 s3, s7;
	s7 =	simm.s32 @!p0 $0x108  }
0x21: {  	s3 =	sadd.s32 s3, s9;
	s6 =	sadd.s32 @!p0 $0x88, s6;
	s7 =	simm.s32 @p2 $0x1082  }
0x22: {  	[simem:s7], [sflag:s8] =	dma.local @!p0 [hbm:s6], $0xF7A  }
0x23: {  	s9 =	sor.u32 $0xD0000000, s2;
	s6 =	simm.s32 $0x108;
	_ =	swait.ge @!p0 [sflag:s8], $0x0  }
0x24: {  	s3 =	sadd.s32 $0x88, s3;
	s6 =	simm.s32 @!p1 $0x1082;
	[sflag:s4] =	ssyncset.s32 $0xFFFFF086  }
0x25: {  	[simem:s6], [sflag:s4] =	dma.local [hbm:s3], $0xF7A  }
0x26: {  	[smem:$0x3F99] =	sst s1;
	(tag) =	ssettag s2;
	_ =	strace s9  }
0x27: {  	s1 =	sld [smem:$0x3FA9]  }
0x28: {  	s2 =	sld [smem:$0x3FAA]  }
0x29: {  	s4 =	sld [smem:$0x3FAC]  }
0x2a: {  	p0 =	seq.s32 s5, $0x0;
	s5 =	sld [smem:$0x3FAD]  }
0x2b: {  	s6 =	sld [smem:$0x3FAE]  }
0x2c: {  	s7 =	sld [smem:$0x3FAF]  }
0x2d: {  	s3 =	simm.s32 $0x108;
	s8 =	sld [smem:$0x3FB0]  }
0x2e: {  	s3 =	simm.s32 @!p0 $0x1082;
	s9 =	sld [smem:$0x3FB1]  }
0x2f: {  	lr =	sadd.s32 s0, s3;
	s0 =	sld [smem:$0x3FA8]  }
0x30: {  	s3 =	sld [smem:$0x3FAB]  }
0x31: {  	[smem:$0x3FB4] =	sst s10  }
0x32: {  	s10 =	sld [smem:$0x3FB2];
	_ =	sdelay $0x3  }
0x33: {  	p0 =	seq.s32 s10, $0x1;
	s10 =	sld [smem:$0x3FB4];
	_ =	sdelay $0x3  }
0x34: {  	[smem:$0x3FB4] =	sst s10  }
0x35: {  	s10 =	sld [smem:$0x3FB3];
	_ =	sdelay $0x3  }
0x36: {  	p1 =	seq.s32 s10, $0x1;
	s10 =	sld [smem:$0x3FB4];
	_ =	sdelay $0x3  }
0x37: {  	[smem:$0x3FB4] =	sst s10  }
0x38: {  	s10 =	sld [smem:$0x3FB5]  }
0x39: {  	_ = 	snop;
	(pc) =	sbr.ind lr, $3  }
0x3a: {  	_ = 	snop  }
0x3b: {  	_ = 	snop  }
0x3c: {  	p2 =	seq.s32 s10, $0x1;
	s10 =	sld [smem:$0x3FB4]  }
0x3d: {  	_ =	shalt  }
0x3e: {  	_ =	shalt  }
0x3f: {  	_ =	shalt  }
0x40: {  	_ =	shalt  }
0x41: {  	_ =	shalt  }
0x42: {  	_ =	shalt  }
0x43: {  	_ =	shalt  }
0x44: {  	_ =	shalt  }
0x45: {  	_ =	shalt  }
0x46: {  	_ =	shalt  }
0x47: {  	_ =	shalt  }
0x48: {  	_ =	shalt  }
0x49: {  	_ =	shalt  }
0x4a: {  	_ =	shalt  }
0x4b: {  	_ =	shalt  }
0x4c: {  	_ =	shalt  }
0x4d: {  	_ =	shalt  }
0x4e: {  	_ =	shalt  }
0x4f: {  	_ =	shalt  }
0x50: {  	_ =	shalt  }
0x51: {  	_ =	shalt  }
0x52: {  	_ =	shalt  }
0x53: {  	_ =	shalt  }
0x54: {  	_ =	shalt  }
0x55: {  	_ =	shalt  }
0x56: {  	_ =	shalt  }
0x57: {  	_ =	shalt  }
0x58: {  	_ =	shalt  }
0x59: {  	_ =	shalt  }
0x5a: {  	_ =	shalt  }
0x5b: {  	_ =	shalt  }
0x5c: {  	_ =	shalt  }
0x5d: {  	_ =	shalt  }
0x5e: {  	_ =	shalt  }
0x5f: {  	_ =	shalt  }
0x60: {  	_ =	shalt  }
0x61: {  	_ =	shalt  }
0x62: {  	_ =	shalt  }
0x63: {  	_ =	shalt  }
0x64: {  	_ =	shalt  }
0x65: {  	_ =	shalt  }
0x66: {  	_ =	shalt  }
0x67: {  	_ =	shalt  }
0x68: {  	_ =	shalt  }
0x69: {  	_ =	shalt  }
0x6a: {  	_ =	shalt  }
0x6b: {  	_ =	shalt  }
0x6c: {  	_ =	shalt  }
0x6d: {  	_ =	shalt  }
0x6e: {  	_ =	shalt  }
0x6f: {  	_ =	shalt  }
0x70: {  	_ =	shalt  }
0x71: {  	_ =	shalt  }
0x72: {  	_ =	shalt  }
0x73: {  	_ =	shalt  }
0x74: {  	_ =	shalt  }
0x75: {  	_ =	shalt  }
0x76: {  	_ =	shalt  }
0x77: {  	_ =	shalt  }
0x78: {  	_ =	shalt  }
0x79: {  	_ =	shalt  }
0x7a: {  	_ =	shalt  }
0x7b: {  	_ =	shalt  }
0x7c: {  	_ =	shalt  }
0x7d: {  	_ =	shalt  }
0x7e: {  	_ =	shalt  }
0x7f: {  	_ =	shalt  }
0x80: {  	_ =	shalt  }
0x81: {  	_ =	shalt  }
0x82: {  	_ =	shalt  }
0x83: {  	_ =	shalt  }
0x84: {  	_ =	shalt  }
0x85: {  	_ =	shalt  }
0x86: {  	_ =	shalt  }
0x87: {  	_ =	shalt  }
.Lfunc_end0:
.L_simem_size_0:
called_computation_lowered:
.L_overlay_start_0:
0x88: {  	s2 =	sld [smem:$0x3FD9]  }
0x89: {  	s3 =	sld [smem:$0x3FFE];
	_ =	sdelay $0x1  }
0x8a: {  	s1 =	srdreg.scid  }
0x8b: {  	s0 =	sand.u32 $0x1, s1  }
0x8c: {  	s17 =	sshll.u32 s0, $0xA;
	s2 =	sadd.s32 s3, s2  }
0x8d: {  	s2 =	sadd.s32 s2, s17  }
0x8e: {  	[smem:$0x3FC0] =	sst s2  }
0x8f: {  	_ = 	snop  }
0x90: {  	s2 =	sld [smem:$0x3FD0];
	(tm) =	ssettm $0x1  }
0x91: {  	s18 =	sld [smem:$0x3FFB];
	_ =	sdelay $0x3  }
0x92: {  	_ =	strace s18  }
0x93: {  	s3 =	sld [smem:$0x3FFC];
	_ =	sdelay $0x3  }
0x94: {  	_ =	strace s3  }
0x95: {  	s3 =	sld [smem:$0x3FFD];
	_ =	sdelay $0x3  }
0x96: {  	_ =	strace s3  }
0x97: {  	_ =	strace $0x8FFFFFFF  }
0x98: {  	s19 =	sld [smem:$0x3FDB];
	_ =	sdelay $0x1  }
0x99: {  	s4 =	simm.s32 $_scs_section_size  }
0x9a: {  	s5 =	simm.s32 $_size__tile_overlayer_lowered;
	s6 =	simm.s32 $_tile_overlayer_lowered  }
0x9b: {  	s22 =	simm.s32 $0x1BFF;
	s21 =	sshll.u32 s6, $0x1;
	s3 =	sadd.s32 s4, s19  }
0x9c: {  	s7 =	simm.s32 $0x0;
	s20 =	sshll.u32 s5, $0x1;
	s5 =	sadd.s32 s21, s3  }
0x9d: {  	[timem:s7], [sflag:s22] =	dma.local [hbm:s5], s20  }
0x9e: {  	_ =	swait.ge [sflag:s22], s20  }
0x9f: {  	s4 =	ssub.s32 $0x0, s20;
	[sflag:s22] =	ssyncset.done $0x0  }
0xa0: {  	[sflag:s22] =	ssyncadd.s32 s4;
	_ =	sdelay $0x1  }
0xa1: {  	s23 =	simm.s32 $0x1B8B  }
0xa2: {  	_ =	swait.ge [sflag:s23], $0x1  }
0xa3: {  	[sflag:s23] =	ssyncset.done $0x0  }
0xa4: {  	s25 =	simm.s32 $0x1B8E;
	s24 =	sld [smem:$0x3FFE];
	[sflag:s23] =	ssyncadd.s32 $0xFFFFFFFF  }
0xa5: {  	s26 =	simm.s32 $execute0_lowered;
	[smem:$0x3FD2] =	sst s25  }
0xa6: {  	s5 =	sshll.u32 s26, $0x1;
	_ =	strace $0x80000046;
	[dreg:$0x1] =	wrdreg $0xFFFFFFFF  }
0xa7: {  	s28 =	simm.s32 $_size_execute0_lowered;
	s3 =	sadd.s32 s3, s5;
	[dreg:$0x0] =	wrdreg $0x0  }
0xa8: {  	s5 =	sshll.u32 s28, $0x1;
	[dreg:$0x2] =	wrdreg s3  }
0xa9: {  	[dreg:$0x3] =	wrdreg s5  }
0xaa: {  	[dreg:$0x4] =	wrdreg $0xC0  }
0xab: {  	_ =	task [dreg:s7], $0x5FFFF  }
0xac: {  	[dreg:$0x1] =	wrdreg $0xFFFFFFFF  }
0xad: {  	[dreg:$0x0] =	wrdreg $0x60  }
0xae: {  	[dreg:$0x2] =	wrdreg s2  }
0xaf: {  	[dreg:$0x3] =	wrdreg s24  }
0xb0: {  	[dreg:$0x4] =	wrdreg $0x0  }
0xb1: {  	[dreg:$0x5] =	wrdreg $0x9  }
0xb2: {  	_ =	task.clear_ibuf [dreg:s7], $0x6FFFF;
	_ =	strace $0x90000046  }
0xb3: {  	s29 =	simm.s32 $0x9;
	_ =	strace $0x80000048  }
0xb4: {  	_ =	swait.ge [sflag:s29], $0x1  }
0xb5: {  	[sflag:s29] =	ssyncadd.s32 $0xFFFFFFFF  }
0xb6: {  	_ =	strace $0x90000048  }
0xb7: {  	_ =	sfence  }
0xb8: {  	s30 =	sld [smem:$0x0];
	_ =	sdelay $0x2  }
0xb9: {  	s31 =	sshll.u32 s1, $0xD;
	s1 =	sshrl.u32 s1, $0x2  }
0xba: {  	s3 =	sand.u32 $0x4000, s31;
	s1 =	sadd.s32 s1, s30  }
0xbb: {  	s0 =	sor.u32 s3, s0;
	s1 =	sshll.u32 s1, $0x11  }
0xbc: {  	s0 =	sor.u32 s1, s0  }
0xbd: {  	s0 =	sadd.s32 $0x8F2B, s0  }
0xbe: {  	[sflag:s0] =	ssyncadd.remote.s32 $0x1  }
0xbf: {  	_ =	sfence.sel $0xFFFF  }
0xc0: {  	[dreg:$0x0] =	wrdreg $0xFFFFFFFF;
	(pc) =	sbr.abs _section_cstart, $3  }
0xc1: {  	[dreg:$0x1] =	wrdreg $0xFFFFFFFF  }
0xc2: {  	_ =	task.clear_ibuf [dreg:s7], $0x2FFFF;
	_ =	strace $0x9FFFFFFF  }
0xc3: {  	(tm) =	ssettm $0x7FFFFFFF  }
tec
execute0_lowered:
.L_overlay_start_1:
0x0: {  	(tag) =	ssettag $0x1  }
0x1: {  	s0 =	rddreg [dreg:$0x0]  }
0x2: {  	s1 =	rddreg [dreg:$0x1]  }
0x3: {  	s2 =	rddreg [dreg:$0x2]  }
0x4: {  	s4 =	simm.s32 $0x0;
	s9 =	stileid.u32;
	s3 =	srdreg.scid  }
0x5: {  	s12 =	simm.s32 $0xD;
	s14 =	simm.s32 $0xED60;
	s15 =	simm.s32 $0x80  }
0x6: {  	s16 =	simm.s32 $0x13E60;
	s18 =	simm.s32 $0x15E60;
	s20 =	simm.s32 $0x17E60  }
0x7: {  	s28 =	simm.s32 $0x1BE60;
	s29 =	simm.s32 $0x3;
	s17 =	simm.s32 $0x7  }
0x8: {  	s19 =	simm.s32 $0x5;
	s30 =	simm.s32 $0xA;
	s21 =	smul.u32 $0x13880, s9  }
0x9: {  	s31 =	simm.s32 $0xB;
	[smem:$0x7FF] =	sst s4;
	s5 =	smul.u32 $0xA20, s9  }
0xa: {  	s3 =	sand.u32 $0x1, s3;
	s7 =	smul.u32 $0x9C40, s9;
	s24 =	sshll.u32 s9, $0x6  }
0xb: {  	_ =	strace $0x80000047;
	s6 =	sshll.u32 s3, $0x6;
	s22 =	ssub.s32 $0x2, s3  }
0xc: {  	s3 =	smul.u32 $0x13880, s3;
	s4 =	sor.u32 s6, s21;
	s8 =	sshrl.u32 s22, $0x1  }
0xd: {  	s5 =	sadd.s32 s5, s1;
	s23 =	sshrl.u32 s7, $0x3;
	s7 =	sadd.s32 s7, s2  }
0xe: {  	s6 =	sor.u32 $0x1C0D, s24;
	s21 =	simm.s32 $0x1;
	s24 =	simm.s32 $0x2  }
0xf: {  	s4 =	sshrl.u32 s4, $0x3;
	s8 =	ssub.s32 s22, s8;
	s25 =	sadd.s32 $0x1600, s5  }
0x10: {  	s26 =	sadd.s32 $0xB800, s5;
	s11 =	sshrl.u32 s7, $0x3;
	s22 =	simm.s32 $0x8  }
0x11: {  	s5 =	simm.s32 $0x0;
	s1 =	sadd.s32 s4, s1;
	[dreg:$0x5] =	wrdreg s25  }
0x12: {  	s4 =	sadd.s32 s0, s3;
	[dreg:$0x6] =	wrdreg s26;
	s10 =	smax.u32 s8, $0x1  }
0x13: {  	s25 =	simm.s32 $0x6;
	s26 =	simm.s32 $0x9;
	s3 =	simm.s32 $0xC  }
0x14: {  	s0 =	sadd.s32 s23, s4;
	s9 =	sadd.s32 $0x15A00, s1;
	s23 =	simm.s32 $0x19E60  }
0x15: {  	s1 =	simm.s32 $0x4;
	[dreg:$0x4] =	wrdreg s0;
	s0 =	simm.s32 $0x1DE60  }
.LBB2_1:
0x16: {  	s7 =	rddreg [dreg:$0x4]  }
0x17: {  	[spmem:s11], [sflag:s6] =	dma.local [hbm:s7], $0x1388  }
0x18: {  	_ =	swait.ge [sflag:s12], $0x1388  }
0x19: {  	s13 =	simm.s32 $0x9C60;
	[sflag:s12] =	ssyncset.done $0x0  }
0x1a: {  	s7 =	simm.s32 $0x0;
	s8 =	rddreg [dreg:$0x5];
	[sflag:s12] =	ssyncadd.s32 $0xFFFFEC78  }
0x1b: {  	[tilespmem:s13], [sflag:$0xD] =	stream.linear.gather [hbm4b:s8+s7], $0x5100, $0x38;
	[tilespmem:$0x1FE60] =	vst v63  }
0x1c: {  	_ =	swait.ge [sflag:s12], $0x5100  }
0x1d: {  	[sflag:s12] =	ssyncset.done $0x0  }
0x1e: {  	s8 =	rddreg [dreg:$0x6];
	[sflag:s12] =	ssyncadd.s32 $0xFFFFAF00  }
0x1f: {  	[tilespmem:s14], [sflag:$0xD] =	stream.linear.gather [hbm4b:s8+s7], $0x5100, $0x38;
	[tilespmem:$0x1FE60] =	vst v63  }
0x20: {  	_ =	swait.ge [sflag:s12], $0x5100  }
0x21: {  	[sflag:s12] =	ssyncset.done $0x0  }
0x22: {  	[sflag:s12] =	ssyncadd.s32 $0xFFFFAF00  }
0x23: {  	[bflag:$0x0] =	sbarrier.arrive $0xFFFF  }
0x24: {  	[tilespmem:s16], [sflag:$0x1] =	stream.indirect.gather [hbm4b:s4+s15], $0x40, s13, s15, $0xb8;
	[tilespmem:$0x1FE60] =	vst v63  }
0x25: {  	s8 =	simm.s32 $0x9CE0  }
0x26: {  	[tilespmem:s18], [sflag:$0x2] =	stream.indirect.gather [hbm4b:s4+s15], $0x40, s8, s15, $0xb8;
	[tilespmem:$0x1FE60] =	vst v63  }
0x27: {  	s13 =	simm.s32 $0x9D60  }
0x28: {  	[tilespmem:s20], [sflag:$0x3] =	stream.indirect.gather [hbm4b:s4+s15], $0x40, s13, s15, $0xb8;
	[tilespmem:$0x1FE60] =	vst v63  }
0x29: {  	_ =	swait.ge [sflag:s21], $0x2000  }
0x2a: {  	[sflag:s21] =	ssyncset.done $0x0  }
0x2b: {  	[sflag:s21] =	ssyncadd.s32 $0xFFFFE000  }
0x2c: {  	[spmem:s2] =	stream.indirect.scatter.add.f32 [tilespmem:s16], [sflag:$0x7], $0x40, s14, s15, $0xb8;
	[tilespmem:$0x1FE60] =	vst v63  }
0x2d: {  	s8 =	simm.s32 $0x9DE0  }
0x2e: {  	[tilespmem:s23], [sflag:$0x4] =	stream.indirect.gather [hbm4b:s4+s15], $0x40, s8, s15, $0xb8;
	[tilespmem:$0x1FE60] =	vst v63  }
0x2f: {  	_ =	swait.ge [sflag:s24], $0x2000  }
0x30: {  	[sflag:s24] =	ssyncset.done $0x0  }
0x31: {  	s13 =	simm.s32 $0xEDE0;
	[sflag:s24] =	ssyncadd.s32 $0xFFFFE000  }
0x32: {  	[spmem:s2] =	stream.indirect.scatter.add.f32 [tilespmem:s18], [sflag:$0x8], $0x40, s13, s15, $0xb8;
	[tilespmem:$0x1FE60] =	vst v63  }
0x33: {  	s8 =	simm.s32 $0x9E60  }
0x34: {  	[tilespmem:s28], [sflag:$0x5] =	stream.indirect.gather [hbm4b:s4+s15], $0x40, s8, s15, $0xb8;
	[tilespmem:$0x1FE60] =	vst v63  }
0x35: {  	_ =	swait.ge [sflag:s29], $0x2000  }
0x36: {  	[sflag:s29] =	ssyncset.done $0x0  }
0x37: {  	s13 =	simm.s32 $0xEE60;
	[sflag:s29] =	ssyncadd.s32 $0xFFFFE000  }
0x38: {  	[spmem:s2] =	stream.indirect.scatter.add.f32 [tilespmem:s20], [sflag:$0x9], $0x40, s13, s15, $0xb8;
	[tilespmem:$0x1FE60] =	vst v63  }
0x39: {  	s8 =	simm.s32 $0x9EE0  }
0x3a: {  	[tilespmem:s0], [sflag:$0x6] =	stream.indirect.gather [hbm4b:s4+s15], $0x40, s8, s15, $0xb8;
	[tilespmem:$0x1FE60] =	vst v63  }
0x3b: {  	_ =	swait.ge [sflag:s1], $0x2000  }
0x3c: {  	[sflag:s1] =	ssyncset.done $0x0  }
0x3d: {  	s13 =	simm.s32 $0xEEE0;
	[sflag:s1] =	ssyncadd.s32 $0xFFFFE000  }
0x3e: {  	[spmem:s2] =	stream.indirect.scatter.add.f32 [tilespmem:s23], [sflag:$0xA], $0x40, s13, s15, $0xb8;
	[tilespmem:$0x1FE60] =	vst v63  }
0x3f: {  	_ =	swait.ge [sflag:s17], $0x2000  }
0x40: {  	[sflag:s17] =	ssyncset.done $0x0  }
0x41: {  	s8 =	simm.s32 $0x9F60;
	[sflag:s17] =	ssyncadd.s32 $0xFFFFE000  }
0x42: {  	[tilespmem:s16], [sflag:$0x1] =	stream.indirect.gather [hbm4b:s4+s15], $0x40, s8, s15, $0xb8;
	[tilespmem:$0x1FE60] =	vst v63  }
0x43: {  	_ =	swait.ge [sflag:s19], $0x2000  }
0x44: {  	[sflag:s19] =	ssyncset.done $0x0  }
0x45: {  	s13 =	simm.s32 $0xEF60;
	[sflag:s19] =	ssyncadd.s32 $0xFFFFE000  }
0x46: {  	[spmem:s2] =	stream.indirect.scatter.add.f32 [tilespmem:s28], [sflag:$0xB], $0x40, s13, s15, $0xb8;
	[tilespmem:$0x1FE60] =	vst v63  }
0x47: {  	_ =	swait.ge [sflag:s22], $0x2000  }
0x48: {  	[sflag:s22] =	ssyncset.done $0x0  }
0x49: {  	s8 =	simm.s32 $0x9FE0;
	[sflag:s22] =	ssyncadd.s32 $0xFFFFE000  }
0x4a: {  	[tilespmem:s18], [sflag:$0x2] =	stream.indirect.gather [hbm4b:s4+s15], $0x40, s8, s15, $0xb8;
	[tilespmem:$0x1FE60] =	vst v63  }
0x4b: {  	_ =	swait.ge [sflag:s25], $0x2000  }
0x4c: {  	[sflag:s25] =	ssyncset.done $0x0  }
0x4d: {  	s13 =	simm.s32 $0xEFE0;
	[sflag:s25] =	ssyncadd.s32 $0xFFFFE000  }
0x4e: {  	[spmem:s2] =	stream.indirect.scatter.add.f32 [tilespmem:s0], [sflag:$0xC], $0x40, s13, s15, $0xb8;
	[tilespmem:$0x1FE60] =	vst v63  }
0x4f: {  	_ =	swait.ge [sflag:s26], $0x2000  }
0x50: {  	[sflag:s26] =	ssyncset.done $0x0  }
0x51: {  	s8 =	simm.s32 $0xA060;
	[sflag:s26] =	ssyncadd.s32 $0xFFFFE000  }
0x52: {  	[tilespmem:s20], [sflag:$0x3] =	stream.indirect.gather [hbm4b:s4+s15], $0x40, s8, s15, $0xb8;
	[tilespmem:$0x1FE60] =	vst v63  }
0x53: {  	_ =	swait.ge [sflag:s21], $0x2000  }
0x54: {  	[sflag:s21] =	ssyncset.done $0x0  }
0x55: {  	s13 =	simm.s32 $0xF060;
	[sflag:s21] =	ssyncadd.s32 $0xFFFFE000  }
0x56: {  	[spmem:s2] =	stream.indirect.scatter.add.f32 [tilespmem:s16], [sflag:$0x7], $0x40, s13, s15, $0xb8;
	[tilespmem:$0x1FE60] =	vst v63  }
0x57: {  	_ =	swait.ge [sflag:s30], $0x2000  }
0x58: {  	[sflag:s30] =	ssyncset.done $0x0  }
0x59: {  	s8 =	simm.s32 $0xA0E0;
	[sflag:s30] =	ssyncadd.s32 $0xFFFFE000  }
0x5a: {  	[tilespmem:s23], [sflag:$0x4] =	stream.indirect.gather [hbm4b:s4+s15], $0x40, s8, s15, $0xb8;
	[tilespmem:$0x1FE60] =	vst v63  }
0x5b: {  	_ =	swait.ge [sflag:s24], $0x2000  }
0x5c: {  	[sflag:s24] =	ssyncset.done $0x0  }
0x5d: {  	s13 =	simm.s32 $0xF0E0;
	[sflag:s24] =	ssyncadd.s32 $0xFFFFE000  }
0x5e: {  	[spmem:s2] =	stream.indirect.scatter.add.f32 [tilespmem:s18], [sflag:$0x8], $0x40, s13, s15, $0xb8;
	[tilespmem:$0x1FE60] =	vst v63  }
0x5f: {  	_ =	swait.ge [sflag:s31], $0x2000  }
0x60: {  	[sflag:s31] =	ssyncset.done $0x0  }
0x61: {  	s8 =	simm.s32 $0xA160;
	[sflag:s31] =	ssyncadd.s32 $0xFFFFE000  }
0x62: {  	[tilespmem:s28], [sflag:$0x5] =	stream.indirect.gather [hbm4b:s4+s15], $0x40, s8, s15, $0xb8;
	[tilespmem:$0x1FE60] =	vst v63  }
0x63: {  	_ =	swait.ge [sflag:s29], $0x2000  }
0x64: {  	[sflag:s29] =	ssyncset.done $0x0  }
0x65: {  	s13 =	simm.s32 $0xF160;
	[sflag:s29] =	ssyncadd.s32 $0xFFFFE000  }
0x66: {  	[spmem:s2] =	stream.indirect.scatter.add.f32 [tilespmem:s20], [sflag:$0x9], $0x40, s13, s15, $0xb8;
	[tilespmem:$0x1FE60] =	vst v63  }
0x67: {  	_ =	swait.ge [sflag:s3], $0x2000  }
0x68: {  	[sflag:s3] =	ssyncset.done $0x0  }
0x69: {  	s7 =	simm.s32 $0xC00;
	s8 =	simm.s32 $0xA1E0;
	[sflag:s3] =	ssyncadd.s32 $0xFFFFE000  }
.LBB2_2:
0x6a: {  	[tilespmem:s0], [sflag:$0x6] =	stream.indirect.gather [hbm4b:s4+s15], $0x40, s8, s15, $0xb8;
	[tilespmem:$0x1FE60] =	vst v63  }
0x6b: {  	s8 =	smov.u32 s7  }
0x6c: {  	p0 =	sne.s32 s7, $0x12C00;
	s7 =	sadd.s32 $0xC00, s7;
	_ =	swait.ge [sflag:s1], $0x2000  }
0x6d: {  	s8 =	sshra.s32 s8, $0x2;
	[sflag:s1] =	ssyncset.done $0x0  }
0x6e: {  	s13 =	sadd.s32 $0xEEE0, s8;
	[sflag:s1] =	ssyncadd.s32 $0xFFFFE000  }
0x6f: {  	[spmem:s2] =	stream.indirect.scatter.add.f32 [tilespmem:s23], [sflag:$0xA], $0x40, s13, s15, $0xb8;
	[tilespmem:$0x1FE60] =	vst v63  }
0x70: {  	_ =	swait.ge [sflag:s17], $0x2000  }
0x71: {  	[sflag:s17] =	ssyncset.done $0x0  }
0x72: {  	s13 =	sadd.s32 $0x9F60, s8;
	[sflag:s17] =	ssyncadd.s32 $0xFFFFE000  }
0x73: {  	[tilespmem:s16], [sflag:$0x1] =	stream.indirect.gather [hbm4b:s4+s15], $0x40, s13, s15, $0xb8;
	[tilespmem:$0x1FE60] =	vst v63  }
0x74: {  	_ =	swait.ge [sflag:s19], $0x2000  }
0x75: {  	[sflag:s19] =	ssyncset.done $0x0  }
0x76: {  	s13 =	sadd.s32 $0xEF60, s8;
	[sflag:s19] =	ssyncadd.s32 $0xFFFFE000  }
0x77: {  	[spmem:s2] =	stream.indirect.scatter.add.f32 [tilespmem:s28], [sflag:$0xB], $0x40, s13, s15, $0xb8;
	[tilespmem:$0x1FE60] =	vst v63  }
0x78: {  	_ =	swait.ge [sflag:s22], $0x2000  }
0x79: {  	[sflag:s22] =	ssyncset.done $0x0  }
0x7a: {  	s13 =	sadd.s32 $0x9FE0, s8;
	[sflag:s22] =	ssyncadd.s32 $0xFFFFE000  }
0x7b: {  	[tilespmem:s18], [sflag:$0x2] =	stream.indirect.gather [hbm4b:s4+s15], $0x40, s13, s15, $0xb8;
	[tilespmem:$0x1FE60] =	vst v63  }
0x7c: {  	_ =	swait.ge [sflag:s25], $0x2000  }
0x7d: {  	[sflag:s25] =	ssyncset.done $0x0  }
0x7e: {  	s13 =	sadd.s32 $0xEFE0, s8;
	[sflag:s25] =	ssyncadd.s32 $0xFFFFE000  }
0x7f: {  	[spmem:s2] =	stream.indirect.scatter.add.f32 [tilespmem:s0], [sflag:$0xC], $0x40, s13, s15, $0xb8;
	[tilespmem:$0x1FE60] =	vst v63  }
0x80: {  	_ =	swait.ge [sflag:s26], $0x2000  }
0x81: {  	[sflag:s26] =	ssyncset.done $0x0  }
0x82: {  	s13 =	sadd.s32 $0xA060, s8;
	[sflag:s26] =	ssyncadd.s32 $0xFFFFE000  }
0x83: {  	[tilespmem:s20], [sflag:$0x3] =	stream.indirect.gather [hbm4b:s4+s15], $0x40, s13, s15, $0xb8;
	[tilespmem:$0x1FE60] =	vst v63  }
0x84: {  	_ =	swait.ge [sflag:s21], $0x2000  }
0x85: {  	[sflag:s21] =	ssyncset.done $0x0  }
0x86: {  	s13 =	sadd.s32 $0xF060, s8;
	[sflag:s21] =	ssyncadd.s32 $0xFFFFE000  }
0x87: {  	[spmem:s2] =	stream.indirect.scatter.add.f32 [tilespmem:s16], [sflag:$0x7], $0x40, s13, s15, $0xb8;
	[tilespmem:$0x1FE60] =	vst v63  }
0x88: {  	_ =	swait.ge [sflag:s30], $0x2000  }
0x89: {  	[sflag:s30] =	ssyncset.done $0x0  }
0x8a: {  	s13 =	sadd.s32 $0xA0E0, s8;
	[sflag:s30] =	ssyncadd.s32 $0xFFFFE000  }
0x8b: {  	[tilespmem:s23], [sflag:$0x4] =	stream.indirect.gather [hbm4b:s4+s15], $0x40, s13, s15, $0xb8;
	[tilespmem:$0x1FE60] =	vst v63  }
0x8c: {  	_ =	swait.ge [sflag:s24], $0x2000  }
0x8d: {  	[sflag:s24] =	ssyncset.done $0x0  }
0x8e: {  	s13 =	sadd.s32 $0xF0E0, s8;
	[sflag:s24] =	ssyncadd.s32 $0xFFFFE000  }
0x8f: {  	[spmem:s2] =	stream.indirect.scatter.add.f32 [tilespmem:s18], [sflag:$0x8], $0x40, s13, s15, $0xb8;
	[tilespmem:$0x1FE60] =	vst v63  }
0x90: {  	_ =	swait.ge [sflag:s31], $0x2000  }
0x91: {  	[sflag:s31] =	ssyncset.done $0x0  }
0x92: {  	s13 =	sadd.s32 $0xA160, s8;
	[sflag:s31] =	ssyncadd.s32 $0xFFFFE000  }
0x93: {  	[tilespmem:s28], [sflag:$0x5] =	stream.indirect.gather [hbm4b:s4+s15], $0x40, s13, s15, $0xb8;
	[tilespmem:$0x1FE60] =	vst v63  }
0x94: {  	_ =	swait.ge [sflag:s29], $0x2000  }
0x95: {  	[sflag:s29] =	ssyncset.done $0x0  }
.Ltmp0:
0x96: {  	s13 =	sadd.s32 $0xF160, s8;
	[sflag:s29] =	ssyncadd.s32 $0xFFFFE000;
	(pc) =	sbr.rel @p0 .LBB2_2-.Ltmp0, $4  }
0x97: {  	[spmem:s2] =	stream.indirect.scatter.add.f32 [tilespmem:s20], [sflag:$0x9], $0x40, s13, s15, $0xb8;
	[tilespmem:$0x1FE60] =	vst v63  }
0x98: {  	_ =	swait.ge [sflag:s3], $0x2000  }
0x99: {  	[sflag:s3] =	ssyncset.done $0x0  }
0x9a: {  	s8 =	sadd.s32 $0xA1E0, s8;
	[sflag:s3] =	ssyncadd.s32 $0xFFFFE000  }
0x9b: {  	[tilespmem:s0], [sflag:$0x6] =	stream.indirect.gather [hbm4b:s4+s15], $0x40, s8, s15, $0xb8;
	[tilespmem:$0x1FE60] =	vst v63  }
0x9c: {  	_ =	swait.ge [sflag:s1], $0x2000  }
0x9d: {  	[sflag:s1] =	ssyncset.done $0x0  }
0x9e: {  	s7 =	simm.s32 $0x13CE0;
	[sflag:s1] =	ssyncadd.s32 $0xFFFFE000  }
0x9f: {  	[spmem:s2] =	stream.indirect.scatter.add.f32 [tilespmem:s23], [sflag:$0xA], $0x40, s7, s15, $0xb8;
	[tilespmem:$0x1FE60] =	vst v63  }
0xa0: {  	_ =	swait.ge [sflag:s19], $0x2000  }
0xa1: {  	[sflag:s19] =	ssyncset.done $0x0  }
0xa2: {  	s13 =	simm.s32 $0x13D60;
	[sflag:s19] =	ssyncadd.s32 $0xFFFFE000  }
0xa3: {  	[spmem:s2] =	stream.indirect.scatter.add.f32 [tilespmem:s28], [sflag:$0xB], $0x40, s13, s15, $0xb8;
	[tilespmem:$0x1FE60] =	vst v63  }
0xa4: {  	_ =	swait.ge [sflag:s25], $0x2000  }
0xa5: {  	[sflag:s25] =	ssyncset.done $0x0  }
0xa6: {  	s8 =	simm.s32 $0x13DE0;
	[sflag:s25] =	ssyncadd.s32 $0xFFFFE000  }
0xa7: {  	[spmem:s2] =	stream.indirect.scatter.add.f32 [tilespmem:s0], [sflag:$0xC], $0x40, s8, s15, $0xb8;
	[tilespmem:$0x1FE60] =	vst v63  }
0xa8: {  	_ =	swait.ge [sflag:s17], $0x2000  }
0xa9: {  	[sflag:s17] =	ssyncset.done $0x0  }
0xaa: {  	[sflag:s17] =	ssyncadd.s32 $0xFFFFE000  }
0xab: {  	_ =	swait.ge [sflag:s22], $0x2000  }
0xac: {  	[sflag:s22] =	ssyncset.done $0x0  }
0xad: {  	[sflag:s22] =	ssyncadd.s32 $0xFFFFE000  }
0xae: {  	_ =	swait.ge [sflag:s26], $0x2000  }
0xaf: {  	[sflag:s26] =	ssyncset.done $0x0  }
0xb0: {  	[sflag:s26] =	ssyncadd.s32 $0xFFFFE000  }
0xb1: {  	_ =	swait.ge [sflag:s30], $0x2000  }
0xb2: {  	[sflag:s30] =	ssyncset.done $0x0  }
0xb3: {  	[sflag:s30] =	ssyncadd.s32 $0xFFFFE000  }
0xb4: {  	_ =	swait.ge [sflag:s31], $0x2000  }
0xb5: {  	[sflag:s31] =	ssyncset.done $0x0  }
0xb6: {  	[sflag:s31] =	ssyncadd.s32 $0xFFFFE000  }
0xb7: {  	_ =	swait.ge [sflag:s3], $0x2000  }
0xb8: {  	s5 =	sadd.s32 $0x1, s5;
	[sflag:s3] =	ssyncset.done $0x0  }
0xb9: {  	p0 =	sne.s32 s5, s10;
	[sflag:s3] =	ssyncadd.s32 $0xFFFFE000  }
.Ltmp1:
0xba: {  	s13 =	simm.s32 $0x10;
	[bflag:$0x0] =	sbarrier.arrive $0xFFFF;
	(pc) =	sbr.rel @p0 .LBB2_1-.Ltmp1, $4  }
0xbb: {  	[hbm:s9@s13], [sflag:s6] =	dma.strided [spmem:s11@s22], $0x1388, s21, $0x8   }
0xbc: {  	_ =	swait.ge [sflag:s12], $0x1388  }
0xbd: {  	[sflag:s12] =	ssyncset.done $0x0  }
0xbe: {  	[sflag:s12] =	ssyncadd.s32 $0xFFFFEC78  }
0xbf: {  	_ =	sfence.sel $0x180000  }
0xc0: {  	[bflag:$0x0] =	sbarrier.arrive $0xFFFF  }
0xc1: {  	_ =	strace $0x90000047  }
0xc2: {  	s0 =	stileid.u32;
	[bflag:$0x2] =	sbarrier.arrive $0xFFFF  }
0xc3: {  	p0 =	sne.s32 s0, $0x0;
	s0 =	rddreg [dreg:$0x3]  }
0xc4: {  	s0 =	sadd.s32 @!p0 $0x100000, s0  }
0xc5: {  	[sflag:s0] =	ssyncadd.tile.s32 @!p0 $0x1;
	_ =	shalt  }
.Lfunc_end2:
_tile_overlayer_lowered:
.L_overlay_start_2:
0xc6: {  	(tag) =	ssettag $0x2  }
0xc7: {  	s0 =	rddreg [dreg:$0x0];
	s2 =	stileid.u32  }
0xc8: {  	s1 =	rddreg [dreg:$0x1];
	p0 =	sne.s32 s2, $0x0  }
0xc9: {  	s3 =	rddreg [dreg:$0x2];
	[bflag:$0x3] =	sbarrier.arrive $0xFFFF;
	s2 =	simm.s32 @!p0 $0x1C0D  }
0xca: {  	[timem:s3], [sflag:s2] =	dma.local @!p0 [hbm:s0], s1  }
0xcb: {  	s0 =	simm.s32 @!p0 $0xD  }
0xcc: {  	_ =	swait.ge @!p0 [sflag:s0], s1  }
0xcd: {  	s1 =	ssub.s32 @!p0 $0x0, s1;
	[sflag:s0] =	ssyncset.done @!p0 $0x0  }
0xce: {  	[sflag:s0] =	ssyncadd.s32 @!p0 s1  }
0xcf: {  	[bflag:$0x3] =	sbarrier.arrive $0xFFFF  }
0xd0: {  	_ =	shalt  }

</sc_bundles>
